<compile_context>
chip_gen: v7x
topology: tpu7x:2x2x1
jax: 0.10.2.dev20260603
libtpu: 0.0.44.dev20260713+nightly
codegen_flags: <defaults>
</compile_context>

<pallas_src>
import functools

import jax
import jax.numpy as jnp
from jax import lax
from jax.experimental import pallas as pl
from jax.experimental.pallas import tpu as pltpu
from jax.experimental.pallas import tpu_sc as plsc

N = 50000
E = 1600000
T = 10

NTILE = 16
NPAD = 50176
NPT = NPAD // NTILE
EPW = E // NTILE
CH = 2000
NCH = EPW // CH
TABN = 256
HW = (T + 1) * 16


def _sir_body(ei_hbm, g_hbm, thr_hbm,
              consts_hbm, hi_hbm, hr_hbm, inf_hbm, part_hbm,
              inf_v, cnt_v, sA, sB, dA, dB, tmpA, tmpB, sus_v,
              gi_v, gr_v, thr_v, consts_v, hi_v, hr_v,
              sem_inf, semA, semB, sem_di, sem_dr):
    tid = lax.axis_index("s")
    sb = tid * NPT
    eb = tid * EPW

    pltpu.sync_copy(thr_hbm, thr_v)
    pltpu.sync_copy(consts_hbm, consts_v)
    c0v = consts_v[pl.ds(0, 16)]
    crv = consts_v[pl.ds(16, 16)]
    lanes = lax.iota(jnp.int32, 16)
    lanes2 = lanes * 2

    pltpu.sync_copy(g_hbm.at[pl.ds(2 * sb, 2 * NPT)], gi_v)

    @plsc.parallel_loop(0, NPT, 16, unroll=4,
                        carry=jnp.zeros((16,), jnp.float32))
    def si0(i, s):
        idx0 = lanes2 + 2 * i
        g0 = plsc.load_gather(gi_v, [idx0])
        g1 = plsc.load_gather(gi_v, [idx0 + 1])
        g = g0 - g1
        idxv = lanes + (sb + i)
        valid = jnp.where(idxv < N, 1.0, 0.0).astype(jnp.float32)
        infv = valid * jnp.where(g > c0v, 1.0, 0.0).astype(jnp.float32)
        tmpA[pl.ds(i, 16)] = infv
        sus_v[pl.ds(i, 16)] = valid - infv
        return s + infv

    hi_v[pl.ds(0, 16)] = si0
    hr_v[pl.ds(0, 16)] = jnp.zeros((16,), jnp.float32)
    pltpu.sync_copy(tmpA, inf_hbm.at[pl.ds(sb, NPT)])
    plsc.subcore_barrier()

    def step(t, carry):
        def stage_phase():
            cp_inf = pltpu.async_copy(inf_hbm, inf_v, sem_inf)
            pltpu.async_copy(
                g_hbm.at[pl.ds((1 + t) * 2 * N + 2 * sb, 2 * NPT)], gi_v,
                sem_di)
            pltpu.async_copy(
                g_hbm.at[pl.ds((1 + T + t) * 2 * N + 2 * sb, 2 * NPT)],
                gr_v, sem_dr)

            @plsc.parallel_loop(0, NPAD, 16, unroll=8)
            def _zero(i):
                cnt_v[pl.ds(i, 16)] = jnp.zeros((16,), jnp.float32)

            cp_inf.wait()

        U = 25

        def process(sbuf, dbuf):
            @plsc.parallel_loop(0, CH, 16 * U)
            def _edges(i):
                sidx = [sbuf[pl.ds(i + 16 * k, 16)] for k in range(U)]
                didx = [dbuf[pl.ds(i + 16 * k, 16)] for k in range(U)]
                vals = [plsc.load_gather(inf_v, [s]) for s in sidx]
                for d, v in zip(didx, vals):
                    plsc.addupdate_scatter(cnt_v, [d], v)

        def start_chunk(c, sbuf, dbuf, sem):
            pltpu.async_copy(ei_hbm.at[0, pl.ds(eb + c * CH, CH)], sbuf,
                             sem)
            pltpu.async_copy(ei_hbm.at[1, pl.ds(eb + c * CH, CH)], dbuf,
                             sem)

        def wait_chunk(sbuf, dbuf, sem):
            pltpu.make_async_copy(
                ei_hbm.at[0, pl.ds(eb, CH)], sbuf, sem).wait()
            pltpu.make_async_copy(
                ei_hbm.at[1, pl.ds(eb, CH)], dbuf, sem).wait()

        def edges_phase():
            start_chunk(0, sA, dA, semA)

            def pair(j, c2):
                wait_chunk(sA, dA, semA)
                start_chunk(2 * j + 1, sB, dB, semB)
                process(sA, dA)
                wait_chunk(sB, dB, semB)

                @pl.when(j + 1 < NCH // 2)
                def _():
                    start_chunk(2 * j + 2, sA, dA, semA)

                process(sB, dB)
                return c2

            lax.fori_loop(0, NCH // 2, pair, 0)

        def reduce_phase():
            pltpu.sync_copy(cnt_v, part_hbm.at[pl.ds(tid * NPAD, NPAD)])
            plsc.subcore_barrier()

            pltpu.async_copy(
                part_hbm.at[pl.ds(0 * NPAD + sb, NPT)], tmpA, semA)
            for k in range(NTILE):
                cur, csem = (tmpA, semA) if k % 2 == 0 else (tmpB, semB)
                pltpu.make_async_copy(
                    part_hbm.at[pl.ds(sb, NPT)], cur, csem).wait()
                if k + 1 < NTILE:
                    nxt, nsem = (tmpB, semB) if k % 2 == 0 else (tmpA, semA)
                    pltpu.async_copy(
                        part_hbm.at[pl.ds((k + 1) * NPAD + sb, NPT)], nxt,
                        nsem)
                if k == 0:
                    @plsc.parallel_loop(0, NPT, 16, unroll=8)
                    def _racc(i):
                        cnt_v[pl.ds(sb + i, 16)] = cur[pl.ds(i, 16)]
                else:
                    @plsc.parallel_loop(0, NPT, 16, unroll=8)
                    def _racc(i):
                        cnt_v[pl.ds(sb + i, 16)] = (
                            cnt_v[pl.ds(sb + i, 16)] + cur[pl.ds(i, 16)])

        def update_phase():
            pltpu.make_async_copy(
                g_hbm.at[pl.ds(0, 2 * NPT)], gi_v, sem_di).wait()
            pltpu.make_async_copy(
                g_hbm.at[pl.ds(0, 2 * NPT)], gr_v, sem_dr).wait()

            @plsc.parallel_loop(0, NPT, 16, unroll=4,
                                carry=(jnp.zeros((16,), jnp.float32),
                                       jnp.zeros((16,), jnp.float32)))
            def sums(i, c3):
                si, sr = c3
                idx0 = lanes2 + 2 * i
                di = (plsc.load_gather(gi_v, [idx0])
                      - plsc.load_gather(gi_v, [idx0 + 1]))
                dr = (plsc.load_gather(gr_v, [idx0])
                      - plsc.load_gather(gr_v, [idx0 + 1]))
                cntv = cnt_v[pl.ds(sb + i, 16)]
                susv = sus_v[pl.ds(i, 16)]
                infv = inf_v[pl.ds(sb + i, 16)]
                nm = jnp.minimum(cntv * susv, float(TABN - 1))
                thr = plsc.load_gather(thr_v, [nm.astype(jnp.int32)])
                newi = jnp.where(di > thr, 1.0, 0.0).astype(jnp.float32)
                newr = infv * jnp.where(dr > crv, 1.0, 0.0
                                        ).astype(jnp.float32)
                inf2 = infv + newi - newr
                sus_v[pl.ds(i, 16)] = susv - newi
                tmpA[pl.ds(i, 16)] = inf2
                return (si + inf2, sr + newr)

            si, sr = sums
            hi_v[pl.ds(t * 16 + 16, 16)] = si
            hr_v[pl.ds(t * 16 + 16, 16)] = sr
            pltpu.sync_copy(tmpA, inf_hbm.at[pl.ds(sb, NPT)])
            plsc.subcore_barrier()

        with jax.named_scope("ph_stage"):
            stage_phase()
        with jax.named_scope("ph_edges"):
            edges_phase()
        with jax.named_scope("ph_reduce"):
            reduce_phase()
        with jax.named_scope("ph_update"):
            update_phase()
        return carry

    lax.fori_loop(0, T, step, 0)
    pltpu.sync_copy(hi_v, hi_hbm.at[tid])
    pltpu.sync_copy(hr_v, hr_hbm.at[tid])


_sir_call = functools.partial(
    pl.kernel,
    mesh=plsc.VectorSubcoreMesh(
        core_axis_name="c", subcore_axis_name="s", num_cores=1),
    compiler_params=pltpu.CompilerParams(
        needs_layout_passes=False, use_tc_tiling_on_sc=False),
    out_type=(
        jax.ShapeDtypeStruct((NTILE, HW), jnp.float32),
        jax.ShapeDtypeStruct((NTILE, HW), jnp.float32),
        jax.ShapeDtypeStruct((NPAD,), jnp.float32),
        jax.ShapeDtypeStruct((NTILE * NPAD,), jnp.float32),
    ),
    scratch_types=[
        pltpu.VMEM((NPAD,), jnp.float32),
        pltpu.VMEM((NPAD,), jnp.float32),
        pltpu.VMEM((CH,), jnp.int32),
        pltpu.VMEM((CH,), jnp.int32),
        pltpu.VMEM((CH,), jnp.int32),
        pltpu.VMEM((CH,), jnp.int32),
        pltpu.VMEM((NPT,), jnp.float32),
        pltpu.VMEM((NPT,), jnp.float32),
        pltpu.VMEM((NPT,), jnp.float32),
        pltpu.VMEM((2 * NPT,), jnp.float32),
        pltpu.VMEM((2 * NPT,), jnp.float32),
        pltpu.VMEM((TABN,), jnp.float32),
        pltpu.VMEM((32,), jnp.float32),
        pltpu.VMEM((HW,), jnp.float32),
        pltpu.VMEM((HW,), jnp.float32),
        pltpu.SemaphoreType.DMA,
        pltpu.SemaphoreType.DMA,
        pltpu.SemaphoreType.DMA,
        pltpu.SemaphoreType.DMA,
        pltpu.SemaphoreType.DMA,
    ],
)(_sir_body)


def kernel(params, edge_index):
    dtype = params.dtype
    p0, beta, gamma = params[0], params[1], params[2]
    base = jax.random.key(12345)

    nkeys = [0] + [3 * t + 1 for t in range(T)] + [3 * t + 2 for t in range(T)]
    kv = jax.vmap(lambda i: jax.random.fold_in(base, i))(jnp.array(nkeys))
    u = jax.vmap(lambda k: jax.random.uniform(
        k, (2 * N,), minval=1e-6, maxval=1.0 - 1e-6))(kv)
    g = -jnp.log(-jnp.log(u))
    g_flat = jnp.pad(g.reshape(-1), (0, 2 * (NPAD - N) + 16))

    c0 = jnp.log(1.0 - p0) - jnp.log(p0)
    log1mb = jnp.log(1.0 - beta)
    c_rec = jnp.log(1.0 - gamma) - jnp.log(gamma)
    consts = jnp.concatenate([jnp.full((16,), c0, jnp.float32),
                              jnp.full((16,), c_rec, jnp.float32)])
    a = jnp.arange(TABN, dtype=jnp.float32) * log1mb
    thr_tab = a - jnp.log(1.0 - jnp.exp(a))

    hi, hr, _, _ = _sir_call(edge_index.astype(jnp.int32), g_flat, thr_tab,
                             consts)

    infected_hist = hi.reshape(NTILE, T + 1, 16).sum(axis=(0, 2)).astype(dtype)
    rec_deltas = hr.reshape(NTILE, T + 1, 16).sum(axis=(0, 2))
    recovered_hist = jnp.cumsum(rec_deltas).astype(dtype)
    return (infected_hist, recovered_hist)

# --- scband reference (transcript-rebuilt; emitter-appended) ---
"""Pipeline reference for scband-sir-81578608820826 (READ-ONLY COPY).

The authoritative reference and input builder live on the scoring server;
editing this copy changes nothing except your own understanding.
"""

import jax, jax.numpy as jnp
import numpy as np

N = 50000
E = 1600000
T = 10
TAU = 0.1


def _gumbel_softmax_bernoulli(key, probs, tau=TAU):
    # logits = log(vstack(probs, 1-probs).T), shape (n, 2)
    logits = jnp.log(jnp.stack([probs, 1.0 - probs], axis=1))
    u = jax.random.uniform(key, logits.shape, minval=1e-6, maxval=1.0 - 1e-6)
    g = -jnp.log(-jnp.log(u))
    y = jax.nn.softmax((logits + g) / tau, axis=-1)
    hard = jax.nn.one_hot(jnp.argmax(y, axis=-1), 2, dtype=y.dtype)
    # straight-through hard sample
    out = hard + y - jax.lax.stop_gradient(y)
    return out[:, 0]


def setup_inputs(seed: int = 0) -> dict:
    key = jax.random.key(seed)
    k1, k2 = jax.random.split(key)
    # params = (initial_infected_fraction, beta, gamma), all probabilities in (0, 1)
    params = jax.random.uniform(k1, (3,), dtype=jnp.float32, minval=0.05, maxval=0.5)
    edge_index = jax.random.randint(k2, (2, E), 0, N)
    return {"params": params, "edge_index": edge_index}


def reference(params, edge_index):
    initial_infected = params[0]
    beta = params[1]
    gamma = params[2]
    src = edge_index[0]
    dst = edge_index[1]
    base = jax.random.key(12345)

    infected = jnp.zeros((N,), dtype=params.dtype)
    susceptible = jnp.ones((N,), dtype=params.dtype)
    recovered = jnp.zeros((N,), dtype=params.dtype)

    probs = initial_infected * jnp.ones((N,), dtype=params.dtype)
    new_infected = _gumbel_softmax_bernoulli(jax.random.fold_in(base, 0), probs)
    infected = infected + new_infected
    susceptible = susceptible - new_infected

    infected_hist = [infected.sum()]
    recovered_hist = [jnp.zeros((), dtype=params.dtype)]

    for t in range(T):
        # MessagePassing(aggr='add'): message = x_j * y_i = infected[src] * susceptible[dst],
        # aggregated by scatter-add onto dst nodes
        msg = infected[src] * susceptible[dst]
        n_infected_neighbors = jax.ops.segment_sum(msg, dst, num_segments=N)
        prob_infection = 1.0 - (1.0 - beta) ** n_infected_neighbors
        new_infected = _gumbel_softmax_bernoulli(jax.random.fold_in(base, 3 * t + 1), prob_infection)
        prob_recovery = gamma * infected
        new_recovered = _gumbel_softmax_bernoulli(jax.random.fold_in(base, 3 * t + 2), prob_recovery)
        infected = infected + new_infected - new_recovered
        susceptible = susceptible - new_infected
        recovered = recovered + new_recovered
        infected_hist.append(infected.sum())
        recovered_hist.append(recovered.sum())

    return (jnp.stack(infected_hist), jnp.stack(recovered_hist))

if __name__ == "__main__":
    import jax
    _d = setup_inputs()
    print(jax.jit(kernel)(*tuple(_d.values())))

</pallas_src>

<mosaic_0001>
#map = affine_map<(d0, d1) -> (0, 0)>
#map1 = affine_map<(d0, d1) -> (0)>
module attributes {stable_mosaic.version = 14 : i64} {
  func.func @_sir_body(%arg0: i32, %arg1: i32, %arg2: memref<2x1600000xi32, #tpu.memory_space<hbm>>, %arg3: memref<2100368xf32, #tpu.memory_space<hbm>>, %arg4: memref<256xf32, #tpu.memory_space<hbm>>, %arg5: memref<32xf32, #tpu.memory_space<hbm>>, %arg6: memref<16x176xf32, #tpu.memory_space<hbm>>, %arg7: memref<16x176xf32, #tpu.memory_space<hbm>>, %arg8: memref<50176xf32, #tpu.memory_space<hbm>>, %arg9: memref<802816xf32, #tpu.memory_space<hbm>>, %arg10: memref<50176xf32, #tpu.memory_space<vmem>>, %arg11: memref<50176xf32, #tpu.memory_space<vmem>>, %arg12: memref<2000xi32, #tpu.memory_space<vmem>>, %arg13: memref<2000xi32, #tpu.memory_space<vmem>>, %arg14: memref<2000xi32, #tpu.memory_space<vmem>>, %arg15: memref<2000xi32, #tpu.memory_space<vmem>>, %arg16: memref<3136xf32, #tpu.memory_space<vmem>>, %arg17: memref<3136xf32, #tpu.memory_space<vmem>>, %arg18: memref<3136xf32, #tpu.memory_space<vmem>>, %arg19: memref<6272xf32, #tpu.memory_space<vmem>>, %arg20: memref<6272xf32, #tpu.memory_space<vmem>>, %arg21: memref<256xf32, #tpu.memory_space<vmem>>, %arg22: memref<32xf32, #tpu.memory_space<vmem>>, %arg23: memref<176xf32, #tpu.memory_space<vmem>>, %arg24: memref<176xf32, #tpu.memory_space<vmem>>, %arg25: memref<!tpu.dma_semaphore, #tpu.memory_space<semaphore_mem>>, %arg26: memref<!tpu.dma_semaphore, #tpu.memory_space<semaphore_mem>>, %arg27: memref<!tpu.dma_semaphore, #tpu.memory_space<semaphore_mem>>, %arg28: memref<!tpu.dma_semaphore, #tpu.memory_space<semaphore_mem>>, %arg29: memref<!tpu.dma_semaphore, #tpu.memory_space<semaphore_mem>>) attributes {dimension_semantics = [#tpu.dimension_semantics<core_parallel>, #tpu.dimension_semantics<subcore_parallel>], iteration_bounds = array<i64: 1, 16>, scalar_prefetch = 0 : i64, scratch_operands = 20 : i64, tpu.core_type = #tpu.core_type<sc_vector_subcore>, window_params = [{transform_indices = #map}, {transform_indices = #map1}, {transform_indices = #map1}, {transform_indices = #map1}, {transform_indices = #map}, {transform_indices = #map}, {transform_indices = #map1}, {transform_indices = #map1}]} {
    %mul3A = arith.constant 3136 : i32
    %mul3A_0 = arith.muli %arg1, %mul3A : i32
    %mul3A_1 = arith.constant 100000 : i32
    %mul3A_2 = arith.muli %arg1, %mul3A_1 : i32
    "tpu.region"() ({
      %run_scoped3A = tpu.sem_alloc : memref<!tpu.dma_semaphore, #tpu.memory_space<semaphore_mem>>
      tpu.enqueue_dma source(%arg4 : memref<256xf32, #tpu.memory_space<hbm>>) target(%arg21 : memref<256xf32, #tpu.memory_space<vmem>>) target_semaphore(%run_scoped3A : memref<!tpu.dma_semaphore, #tpu.memory_space<semaphore_mem>>)
      tpu.wait_dma2 semaphore(%run_scoped3A : memref<!tpu.dma_semaphore, #tpu.memory_space<semaphore_mem>>) src(%arg4 : memref<256xf32, #tpu.memory_space<hbm>>) dst(%arg21 : memref<256xf32, #tpu.memory_space<vmem>>)
      tpu.yield
    }) : () -> ()
    "tpu.region"() ({
      %run_scoped3A = tpu.sem_alloc : memref<!tpu.dma_semaphore, #tpu.memory_space<semaphore_mem>>
      tpu.enqueue_dma source(%arg5 : memref<32xf32, #tpu.memory_space<hbm>>) target(%arg22 : memref<32xf32, #tpu.memory_space<vmem>>) target_semaphore(%run_scoped3A : memref<!tpu.dma_semaphore, #tpu.memory_space<semaphore_mem>>)
      tpu.wait_dma2 semaphore(%run_scoped3A : memref<!tpu.dma_semaphore, #tpu.memory_space<semaphore_mem>>) src(%arg5 : memref<32xf32, #tpu.memory_space<hbm>>) dst(%arg22 : memref<32xf32, #tpu.memory_space<vmem>>)
      tpu.yield
    }) : () -> ()
    %get3A = arith.constant 0 : index
    %get3A_3 = tpu.vector_load %arg22[%get3A] {strides = array<i32>} : memref<32xf32, #tpu.memory_space<vmem>>, vector<16xf32>,
    %get3A_4 = arith.constant 16 : index
    %get3A_5 = tpu.vector_load %arg22[%get3A_4] {strides = array<i32>} : memref<32xf32, #tpu.memory_space<vmem>>, vector<16xf32>,
    %iota3A = tpu.iota {dimensions = array<i32: 0>} : vector<16xi32>
    %mul3A_6 = arith.constant 2 : i32
    %mul3A_7 = vector.broadcast %mul3A_6 : i32 to vector<16xi32>
    %mul3A_8 = arith.muli %iota3A, %mul3A_7 : vector<16xi32>
    %mul3A_9 = arith.constant 2 : i32
    %mul3A_10 = arith.muli %mul3A_9, %mul3A_0 : i32
    "tpu.region"() ({
      %run_scoped3A = tpu.sem_alloc : memref<!tpu.dma_semaphore, #tpu.memory_space<semaphore_mem>>
      %dma_start3A = tpu.memref_slice %arg3[%mul3A_10] : memref<2100368xf32, #tpu.memory_space<hbm>> -> memref<6272xf32, #tpu.memory_space<hbm>>
      %dma_start3A_25 = tpu.memref_slice %arg3[%mul3A_10] : memref<2100368xf32, #tpu.memory_space<hbm>> -> memref<6272xf32, #tpu.memory_space<hbm>>
      tpu.enqueue_dma source(%dma_start3A_25 : memref<6272xf32, #tpu.memory_space<hbm>>) target(%arg19 : memref<6272xf32, #tpu.memory_space<vmem>>) target_semaphore(%run_scoped3A : memref<!tpu.dma_semaphore, #tpu.memory_space<semaphore_mem>>)
      %dma_wait3A = tpu.memref_slice %arg3[%mul3A_10] : memref<2100368xf32, #tpu.memory_space<hbm>> -> memref<6272xf32, #tpu.memory_space<hbm>>
      %dma_wait3A_26 = tpu.memref_slice %arg3[%mul3A_10] : memref<2100368xf32, #tpu.memory_space<hbm>> -> memref<6272xf32, #tpu.memory_space<hbm>>
      tpu.wait_dma2 semaphore(%run_scoped3A : memref<!tpu.dma_semaphore, #tpu.memory_space<semaphore_mem>>) src(%dma_wait3A_26 : memref<6272xf32, #tpu.memory_space<hbm>>) dst(%arg19 : memref<6272xf32, #tpu.memory_space<vmem>>)
      tpu.yield
    }) : () -> ()
    %broadcast_in_dim3A = arith.constant 0.000000e+00 : f32
    %broadcast_in_dim3A_11 = vector.broadcast %broadcast_in_dim3A : f32 to vector<16xf32>
    %parallel_loop3A = arith.constant 0 : i32
    %parallel_loop3A_12 = arith.constant 3136 : i32
    %parallel_loop3A_13 = arith.constant 16 : i32
    %parallel_loop3A_14 = scf.for %parallel_loop3A_25 = %parallel_loop3A to %parallel_loop3A_12 step %parallel_loop3A_13 iter_args(%parallel_loop3A_26 = %broadcast_in_dim3A_11) -> (vector<16xf32>)  : i32 {
      %parallel_loop3A_27 = arith.constant 2 : i32
      %parallel_loop3A_28 = arith.muli %parallel_loop3A_27, %parallel_loop3A_25 : i32
      %parallel_loop3A_29 = vector.broadcast %parallel_loop3A_28 : i32 to vector<16xi32>
      %parallel_loop3A_30 = arith.addi %mul3A_8, %parallel_loop3A_29 : vector<16xi32>
      %parallel_loop3A_31 = tpu.vector_load_idx %arg19[%parallel_loop3A_30] : memref<6272xf32, #tpu.memory_space<vmem>>[vector<16xi32>], vector<16xf32>,
      %parallel_loop3A_32 = arith.constant 1 : i32
      %parallel_loop3A_33 = vector.broadcast %parallel_loop3A_32 : i32 to vector<16xi32>
      %parallel_loop3A_34 = arith.addi %parallel_loop3A_30, %parallel_loop3A_33 : vector<16xi32>
      %parallel_loop3A_35 = tpu.vector_load_idx %arg19[%parallel_loop3A_34] : memref<6272xf32, #tpu.memory_space<vmem>>[vector<16xi32>], vector<16xf32>,
      %parallel_loop3A_36 = arith.subf %parallel_loop3A_31, %parallel_loop3A_35 : vector<16xf32>
      %parallel_loop3A_37 = arith.addi %mul3A_0, %parallel_loop3A_25 : i32
      %parallel_loop3A_38 = vector.broadcast %parallel_loop3A_37 : i32 to vector<16xi32>
      %parallel_loop3A_39 = arith.addi %iota3A, %parallel_loop3A_38 : vector<16xi32>
      %parallel_loop3A_40 = arith.constant 50000 : i32
      %parallel_loop3A_41 = vector.broadcast %parallel_loop3A_40 : i32 to vector<16xi32>
      %parallel_loop3A_42 = arith.cmpi slt, %parallel_loop3A_39, %parallel_loop3A_41 : vector<16xi32>
      %parallel_loop3A_43 = arith.constant 1.000000e+00 : f32
      %parallel_loop3A_44 = arith.constant 0.000000e+00 : f32
      %parallel_loop3A_45 = vector.broadcast %parallel_loop3A_43 : f32 to vector<16xf32>
      %parallel_loop3A_46 = vector.broadcast %parallel_loop3A_44 : f32 to vector<16xf32>
      %parallel_loop3A_47 = arith.select %parallel_loop3A_42, %parallel_loop3A_45, %parallel_loop3A_46 : vector<16xi1>, vector<16xf32>
      %parallel_loop3A_48 = arith.cmpf ogt, %parallel_loop3A_36, %get3A_3 : vector<16xf32>
      %parallel_loop3A_49 = arith.constant 1.000000e+00 : f32
      %parallel_loop3A_50 = arith.constant 0.000000e+00 : f32
      %parallel_loop3A_51 = vector.broadcast %parallel_loop3A_49 : f32 to vector<16xf32>
      %parallel_loop3A_52 = vector.broadcast %parallel_loop3A_50 : f32 to vector<16xf32>
      %parallel_loop3A_53 = arith.select %parallel_loop3A_48, %parallel_loop3A_51, %parallel_loop3A_52 : vector<16xi1>, vector<16xf32>
      %parallel_loop3A_54 = arith.mulf %parallel_loop3A_47, %parallel_loop3A_53 : vector<16xf32>
      %parallel_loop3A_55 = arith.index_cast %parallel_loop3A_25 : i32 to index
      %parallel_loop3A_56 = tpu.vector_load %arg16[%parallel_loop3A_55] {strides = array<i32>} : memref<3136xf32, #tpu.memory_space<vmem>>, vector<16xf32>,
      tpu.vector_store %arg16[%parallel_loop3A_55], %parallel_loop3A_54 {strides = array<i32>} : memref<3136xf32, #tpu.memory_space<vmem>>, vector<16xf32>,
      %parallel_loop3A_57 = arith.subf %parallel_loop3A_47, %parallel_loop3A_54 : vector<16xf32>
      %parallel_loop3A_58 = arith.index_cast %parallel_loop3A_25 : i32 to index
      %parallel_loop3A_59 = tpu.vector_load %arg18[%parallel_loop3A_58] {strides = array<i32>} : memref<3136xf32, #tpu.memory_space<vmem>>, vector<16xf32>,
      tpu.vector_store %arg18[%parallel_loop3A_58], %parallel_loop3A_57 {strides = array<i32>} : memref<3136xf32, #tpu.memory_space<vmem>>, vector<16xf32>,
      %parallel_loop3A_60 = arith.addf %parallel_loop3A_26, %parallel_loop3A_54 : vector<16xf32>
      scf.yield %parallel_loop3A_60 : vector<16xf32>
    } {sc.loop_unroll_factor = 4 : i64, sc.parallel_access}
    %swap3A = arith.constant 0 : index
    %swap3A_15 = tpu.vector_load %arg23[%swap3A] {strides = array<i32>} : memref<176xf32, #tpu.memory_space<vmem>>, vector<16xf32>,
    tpu.vector_store %arg23[%swap3A], %parallel_loop3A_14 {strides = array<i32>} : memref<176xf32, #tpu.memory_space<vmem>>, vector<16xf32>,
    %broadcast_in_dim3A_16 = arith.constant 0.000000e+00 : f32
    %broadcast_in_dim3A_17 = vector.broadcast %broadcast_in_dim3A_16 : f32 to vector<16xf32>
    %swap3A_18 = arith.constant 0 : index
    %swap3A_19 = tpu.vector_load %arg24[%swap3A_18] {strides = array<i32>} : memref<176xf32, #tpu.memory_space<vmem>>, vector<16xf32>,
    tpu.vector_store %arg24[%swap3A_18], %broadcast_in_dim3A_17 {strides = array<i32>} : memref<176xf32, #tpu.memory_space<vmem>>, vector<16xf32>,
    "tpu.region"() ({
      %run_scoped3A = tpu.sem_alloc : memref<!tpu.dma_semaphore, #tpu.memory_space<semaphore_mem>>
      %dma_start3A = tpu.memref_slice %arg8[%mul3A_0] : memref<50176xf32, #tpu.memory_space<hbm>> -> memref<3136xf32, #tpu.memory_space<hbm>>
      %dma_start3A_25 = tpu.memref_slice %arg8[%mul3A_0] : memref<50176xf32, #tpu.memory_space<hbm>> -> memref<3136xf32, #tpu.memory_space<hbm>>
      tpu.enqueue_dma source(%arg16 : memref<3136xf32, #tpu.memory_space<vmem>>) target(%dma_start3A_25 : memref<3136xf32, #tpu.memory_space<hbm>>) target_semaphore(%run_scoped3A : memref<!tpu.dma_semaphore, #tpu.memory_space<semaphore_mem>>)
      %dma_wait3A = tpu.memref_slice %arg8[%mul3A_0] : memref<50176xf32, #tpu.memory_space<hbm>> -> memref<3136xf32, #tpu.memory_space<hbm>>
      %dma_wait3A_26 = tpu.memref_slice %arg8[%mul3A_0] : memref<50176xf32, #tpu.memory_space<hbm>> -> memref<3136xf32, #tpu.memory_space<hbm>>
      tpu.wait_dma2 semaphore(%run_scoped3A : memref<!tpu.dma_semaphore, #tpu.memory_space<semaphore_mem>>) src(%arg16 : memref<3136xf32, #tpu.memory_space<vmem>>) dst(%dma_wait3A_26 : memref<3136xf32, #tpu.memory_space<hbm>>)
      tpu.yield
    }) : () -> ()
    %barrier3A = arith.constant 0 : index
    tpu.barrier barrier_id(%barrier3A)
    %scan3A = arith.constant 0 : i32
    %scan3A_20 = arith.constant 0 : i32
    %scan3A_21 = arith.constant 10 : i32
    %scan3A_22 = arith.addi %scan3A_20, %scan3A_21 : i32
    %scan3A_23 = arith.constant 1 : i32
    scf.for %scan3A_25 = %scan3A_20 to %scan3A_22 step %scan3A_23  : i32 {
      "tpu.trace_start"() <{level = 10 : i32, message = "ph_stage"}> : () -> ()
      tpu.enqueue_dma source(%arg8 : memref<50176xf32, #tpu.memory_space<hbm>>) target(%arg10 : memref<50176xf32, #tpu.memory_space<vmem>>) target_semaphore(%arg25 : memref<!tpu.dma_semaphore, #tpu.memory_space<semaphore_mem>>)
      %add3A = arith.constant 1 : i32
      %add3A_26 = arith.addi %add3A, %scan3A_25 : i32
      %mul3A_27 = arith.constant 2 : i32
      %mul3A_28 = arith.muli %add3A_26, %mul3A_27 : i32
      %mul3A_29 = arith.constant 50000 : i32
      %mul3A_30 = arith.muli %mul3A_28, %mul3A_29 : i32
      %mul3A_31 = arith.constant 2 : i32
      %mul3A_32 = arith.muli %mul3A_31, %mul3A_0 : i32
      %add3A_33 = arith.addi %mul3A_30, %mul3A_32 : i32
      %dma_start3A = tpu.memref_slice %arg3[%add3A_33] : memref<2100368xf32, #tpu.memory_space<hbm>> -> memref<6272xf32, #tpu.memory_space<hbm>>
      %dma_start3A_34 = tpu.memref_slice %arg3[%add3A_33] : memref<2100368xf32, #tpu.memory_space<hbm>> -> memref<6272xf32, #tpu.memory_space<hbm>>
      tpu.enqueue_dma source(%dma_start3A_34 : memref<6272xf32, #tpu.memory_space<hbm>>) target(%arg19 : memref<6272xf32, #tpu.memory_space<vmem>>) target_semaphore(%arg28 : memref<!tpu.dma_semaphore, #tpu.memory_space<semaphore_mem>>)
      %add3A_35 = arith.constant 11 : i32
      %add3A_36 = arith.addi %add3A_35, %scan3A_25 : i32
      %mul3A_37 = arith.constant 2 : i32
      %mul3A_38 = arith.muli %add3A_36, %mul3A_37 : i32
      %mul3A_39 = arith.constant 50000 : i32
      %mul3A_40 = arith.muli %mul3A_38, %mul3A_39 : i32
      %mul3A_41 = arith.constant 2 : i32
      %mul3A_42 = arith.muli %mul3A_41, %mul3A_0 : i32
      %add3A_43 = arith.addi %mul3A_40, %mul3A_42 : i32
      %dma_start3A_44 = tpu.memref_slice %arg3[%add3A_43] : memref<2100368xf32, #tpu.memory_space<hbm>> -> memref<6272xf32, #tpu.memory_space<hbm>>
      %dma_start3A_45 = tpu.memref_slice %arg3[%add3A_43] : memref<2100368xf32, #tpu.memory_space<hbm>> -> memref<6272xf32, #tpu.memory_space<hbm>>
      tpu.enqueue_dma source(%dma_start3A_45 : memref<6272xf32, #tpu.memory_space<hbm>>) target(%arg20 : memref<6272xf32, #tpu.memory_space<vmem>>) target_semaphore(%arg29 : memref<!tpu.dma_semaphore, #tpu.memory_space<semaphore_mem>>)
      %parallel_loop3A_46 = arith.constant 0 : i32
      %parallel_loop3A_47 = arith.constant 50176 : i32
      %parallel_loop3A_48 = arith.constant 16 : i32
      scf.for %parallel_loop3A_244 = %parallel_loop3A_46 to %parallel_loop3A_47 step %parallel_loop3A_48  : i32 {
        %parallel_loop3A_245 = arith.constant 0.000000e+00 : f32
        %parallel_loop3A_246 = vector.broadcast %parallel_loop3A_245 : f32 to vector<16xf32>
        %parallel_loop3A_247 = arith.index_cast %parallel_loop3A_244 : i32 to index
        %parallel_loop3A_248 = tpu.vector_load %arg11[%parallel_loop3A_247] {strides = array<i32>} : memref<50176xf32, #tpu.memory_space<vmem>>, vector<16xf32>,
        tpu.vector_store %arg11[%parallel_loop3A_247], %parallel_loop3A_246 {strides = array<i32>} : memref<50176xf32, #tpu.memory_space<vmem>>, vector<16xf32>,
      } {sc.loop_unroll_factor = 8 : i64, sc.parallel_access}
      tpu.wait_dma2 semaphore(%arg25 : memref<!tpu.dma_semaphore, #tpu.memory_space<semaphore_mem>>) src(%arg8 : memref<50176xf32, #tpu.memory_space<hbm>>) dst(%arg10 : memref<50176xf32, #tpu.memory_space<vmem>>)
      "tpu.trace_stop"() : () -> ()
      "tpu.trace_start"() <{level = 10 : i32, message = "ph_edges"}> : () -> ()
      %add3A_49 = arith.constant 0 : i32
      %add3A_50 = arith.addi %mul3A_2, %add3A_49 : i32
      %dma_start3A_51 = arith.constant 0 : i32
      %dma_start3A_52 = tpu.memref_slice %arg2[%dma_start3A_51, %add3A_50] : memref<2x1600000xi32, #tpu.memory_space<hbm>> -> memref<1x2000xi32, #tpu.memory_space<hbm>>
      %dma_start3A_53 = tpu.memref_squeeze %dma_start3A_52 : memref<1x2000xi32, #tpu.memory_space<hbm>> -> memref<2000xi32, #tpu.memory_space<hbm>>
      %dma_start3A_54 = tpu.memref_slice %arg2[%dma_start3A_51, %add3A_50] : memref<2x1600000xi32, #tpu.memory_space<hbm>> -> memref<1x2000xi32, #tpu.memory_space<hbm>>
      %dma_start3A_55 = tpu.memref_squeeze %dma_start3A_54 : memref<1x2000xi32, #tpu.memory_space<hbm>> -> memref<2000xi32, #tpu.memory_space<hbm>>
      tpu.enqueue_dma source(%dma_start3A_55 : memref<2000xi32, #tpu.memory_space<hbm>>) target(%arg12 : memref<2000xi32, #tpu.memory_space<vmem>>) target_semaphore(%arg26 : memref<!tpu.dma_semaphore, #tpu.memory_space<semaphore_mem>>)
      %add3A_56 = arith.constant 0 : i32
      %add3A_57 = arith.addi %mul3A_2, %add3A_56 : i32
      %dma_start3A_58 = arith.constant 1 : i32
      %dma_start3A_59 = tpu.memref_slice %arg2[%dma_start3A_58, %add3A_57] : memref<2x1600000xi32, #tpu.memory_space<hbm>> -> memref<1x2000xi32, #tpu.memory_space<hbm>>
      %dma_start3A_60 = tpu.memref_squeeze %dma_start3A_59 : memref<1x2000xi32, #tpu.memory_space<hbm>> -> memref<2000xi32, #tpu.memory_space<hbm>>
      %dma_start3A_61 = tpu.memref_slice %arg2[%dma_start3A_58, %add3A_57] : memref<2x1600000xi32, #tpu.memory_space<hbm>> -> memref<1x2000xi32, #tpu.memory_space<hbm>>
      %dma_start3A_62 = tpu.memref_squeeze %dma_start3A_61 : memref<1x2000xi32, #tpu.memory_space<hbm>> -> memref<2000xi32, #tpu.memory_space<hbm>>
      tpu.enqueue_dma source(%dma_start3A_62 : memref<2000xi32, #tpu.memory_space<hbm>>) target(%arg14 : memref<2000xi32, #tpu.memory_space<vmem>>) target_semaphore(%arg26 : memref<!tpu.dma_semaphore, #tpu.memory_space<semaphore_mem>>)
      %scan3A_63 = arith.constant 0 : i32
      %scan3A_64 = arith.constant 0 : i32
      %scan3A_65 = arith.constant 25 : i32
      %scan3A_66 = arith.addi %scan3A_64, %scan3A_65 : i32
      %scan3A_67 = arith.constant 1 : i32
      scf.for %scan3A_244 = %scan3A_64 to %scan3A_66 step %scan3A_67  : i32 {
        %dma_wait3A_245 = arith.constant 0 : i32
        %dma_wait3A_246 = tpu.memref_slice %arg2[%dma_wait3A_245, %mul3A_2] : memref<2x1600000xi32, #tpu.memory_space<hbm>> -> memref<1x2000xi32, #tpu.memory_space<hbm>>
        %dma_wait3A_247 = tpu.memref_squeeze %dma_wait3A_246 : memref<1x2000xi32, #tpu.memory_space<hbm>> -> memref<2000xi32, #tpu.memory_space<hbm>>
        %dma_wait3A_248 = tpu.memref_slice %arg2[%dma_wait3A_245, %mul3A_2] : memref<2x1600000xi32, #tpu.memory_space<hbm>> -> memref<1x2000xi32, #tpu.memory_space<hbm>>
        %dma_wait3A_249 = tpu.memref_squeeze %dma_wait3A_248 : memref<1x2000xi32, #tpu.memory_space<hbm>> -> memref<2000xi32, #tpu.memory_space<hbm>>
        tpu.wait_dma2 semaphore(%arg26 : memref<!tpu.dma_semaphore, #tpu.memory_space<semaphore_mem>>) src(%dma_wait3A_249 : memref<2000xi32, #tpu.memory_space<hbm>>) dst(%arg12 : memref<2000xi32, #tpu.memory_space<vmem>>)
        %dma_wait3A_250 = arith.constant 1 : i32
        %dma_wait3A_251 = tpu.memref_slice %arg2[%dma_wait3A_250, %mul3A_2] : memref<2x1600000xi32, #tpu.memory_space<hbm>> -> memref<1x2000xi32, #tpu.memory_space<hbm>>
        %dma_wait3A_252 = tpu.memref_squeeze %dma_wait3A_251 : memref<1x2000xi32, #tpu.memory_space<hbm>> -> memref<2000xi32, #tpu.memory_space<hbm>>
        %dma_wait3A_253 = tpu.memref_slice %arg2[%dma_wait3A_250, %mul3A_2] : memref<2x1600000xi32, #tpu.memory_space<hbm>> -> memref<1x2000xi32, #tpu.memory_space<hbm>>
        %dma_wait3A_254 = tpu.memref_squeeze %dma_wait3A_253 : memref<1x2000xi32, #tpu.memory_space<hbm>> -> memref<2000xi32, #tpu.memory_space<hbm>>
        tpu.wait_dma2 semaphore(%arg26 : memref<!tpu.dma_semaphore, #tpu.memory_space<semaphore_mem>>) src(%dma_wait3A_254 : memref<2000xi32, #tpu.memory_space<hbm>>) dst(%arg14 : memref<2000xi32, #tpu.memory_space<vmem>>)
        %mul3A_255 = arith.constant 2 : i32
        %mul3A_256 = arith.muli %mul3A_255, %scan3A_244 : i32
        %add3A_257 = arith.constant 1 : i32
        %add3A_258 = arith.addi %mul3A_256, %add3A_257 : i32
        %mul3A_259 = arith.constant 2000 : i32
        %mul3A_260 = arith.muli %add3A_258, %mul3A_259 : i32
        %add3A_261 = arith.addi %mul3A_2, %mul3A_260 : i32
        %dma_start3A_262 = arith.constant 0 : i32
        %dma_start3A_263 = tpu.memref_slice %arg2[%dma_start3A_262, %add3A_261] : memref<2x1600000xi32, #tpu.memory_space<hbm>> -> memref<1x2000xi32, #tpu.memory_space<hbm>>
        %dma_start3A_264 = tpu.memref_squeeze %dma_start3A_263 : memref<1x2000xi32, #tpu.memory_space<hbm>> -> memref<2000xi32, #tpu.memory_space<hbm>>
        %dma_start3A_265 = tpu.memref_slice %arg2[%dma_start3A_262, %add3A_261] : memref<2x1600000xi32, #tpu.memory_space<hbm>> -> memref<1x2000xi32, #tpu.memory_space<hbm>>
        %dma_start3A_266 = tpu.memref_squeeze %dma_start3A_265 : memref<1x2000xi32, #tpu.memory_space<hbm>> -> memref<2000xi32, #tpu.memory_space<hbm>>
        tpu.enqueue_dma source(%dma_start3A_266 : memref<2000xi32, #tpu.memory_space<hbm>>) target(%arg13 : memref<2000xi32, #tpu.memory_space<vmem>>) target_semaphore(%arg27 : memref<!tpu.dma_semaphore, #tpu.memory_space<semaphore_mem>>)
        %mul3A_267 = arith.constant 2000 : i32
        %mul3A_268 = arith.muli %add3A_258, %mul3A_267 : i32
        %add3A_269 = arith.addi %mul3A_2, %mul3A_268 : i32
        %dma_start3A_270 = arith.constant 1 : i32
        %dma_start3A_271 = tpu.memref_slice %arg2[%dma_start3A_270, %add3A_269] : memref<2x1600000xi32, #tpu.memory_space<hbm>> -> memref<1x2000xi32, #tpu.memory_space<hbm>>
        %dma_start3A_272 = tpu.memref_squeeze %dma_start3A_271 : memref<1x2000xi32, #tpu.memory_space<hbm>> -> memref<2000xi32, #tpu.memory_space<hbm>>
        %dma_start3A_273 = tpu.memref_slice %arg2[%dma_start3A_270, %add3A_269] : memref<2x1600000xi32, #tpu.memory_space<hbm>> -> memref<1x2000xi32, #tpu.memory_space<hbm>>
        %dma_start3A_274 = tpu.memref_squeeze %dma_start3A_273 : memref<1x2000xi32, #tpu.memory_space<hbm>> -> memref<2000xi32, #tpu.memory_space<hbm>>
        tpu.enqueue_dma source(%dma_start3A_274 : memref<2000xi32, #tpu.memory_space<hbm>>) target(%arg15 : memref<2000xi32, #tpu.memory_space<vmem>>) target_semaphore(%arg27 : memref<!tpu.dma_semaphore, #tpu.memory_space<semaphore_mem>>)
        %parallel_loop3A_275 = arith.constant 0 : i32
        %parallel_loop3A_276 = arith.constant 2000 : i32
        %parallel_loop3A_277 = arith.constant 400 : i32
        scf.for %parallel_loop3A_295 = %parallel_loop3A_275 to %parallel_loop3A_276 step %parallel_loop3A_277  : i32 {
          %parallel_loop3A_296 = arith.constant 0 : i32
          %parallel_loop3A_297 = arith.addi %parallel_loop3A_295, %parallel_loop3A_296 : i32
          %parallel_loop3A_298 = arith.index_cast %parallel_loop3A_297 : i32 to index
          %parallel_loop3A_299 = tpu.vector_load %arg12[%parallel_loop3A_298] {strides = array<i32>} : memref<2000xi32, #tpu.memory_space<vmem>>, vector<16xi32>,
          %parallel_loop3A_300 = arith.constant 16 : i32
          %parallel_loop3A_301 = arith.addi %parallel_loop3A_295, %parallel_loop3A_300 : i32
          %parallel_loop3A_302 = arith.index_cast %parallel_loop3A_301 : i32 to index
          %parallel_loop3A_303 = tpu.vector_load %arg12[%parallel_loop3A_302] {strides = array<i32>} : memref<2000xi32, #tpu.memory_space<vmem>>, vector<16xi32>,
          %parallel_loop3A_304 = arith.constant 32 : i32
          %parallel_loop3A_305 = arith.addi %parallel_loop3A_295, %parallel_loop3A_304 : i32
          %parallel_loop3A_306 = arith.index_cast %parallel_loop3A_305 : i32 to index
          %parallel_loop3A_307 = tpu.vector_load %arg12[%parallel_loop3A_306] {strides = array<i32>} : memref<2000xi32, #tpu.memory_space<vmem>>, vector<16xi32>,
          %parallel_loop3A_308 = arith.constant 48 : i32
          %parallel_loop3A_309 = arith.addi %parallel_loop3A_295, %parallel_loop3A_308 : i32
          %parallel_loop3A_310 = arith.index_cast %parallel_loop3A_309 : i32 to index
          %parallel_loop3A_311 = tpu.vector_load %arg12[%parallel_loop3A_310] {strides = array<i32>} : memref<2000xi32, #tpu.memory_space<vmem>>, vector<16xi32>,
          %parallel_loop3A_312 = arith.constant 64 : i32
          %parallel_loop3A_313 = arith.addi %parallel_loop3A_295, %parallel_loop3A_312 : i32
          %parallel_loop3A_314 = arith.index_cast %parallel_loop3A_313 : i32 to index
          %parallel_loop3A_315 = tpu.vector_load %arg12[%parallel_loop3A_314] {strides = array<i32>} : memref<2000xi32, #tpu.memory_space<vmem>>, vector<16xi32>,
          %parallel_loop3A_316 = arith.constant 80 : i32
          %parallel_loop3A_317 = arith.addi %parallel_loop3A_295, %parallel_loop3A_316 : i32
          %parallel_loop3A_318 = arith.index_cast %parallel_loop3A_317 : i32 to index
          %parallel_loop3A_319 = tpu.vector_load %arg12[%parallel_loop3A_318] {strides = array<i32>} : memref<2000xi32, #tpu.memory_space<vmem>>, vector<16xi32>,
          %parallel_loop3A_320 = arith.constant 96 : i32
          %parallel_loop3A_321 = arith.addi %parallel_loop3A_295, %parallel_loop3A_320 : i32
          %parallel_loop3A_322 = arith.index_cast %parallel_loop3A_321 : i32 to index
          %parallel_loop3A_323 = tpu.vector_load %arg12[%parallel_loop3A_322] {strides = array<i32>} : memref<2000xi32, #tpu.memory_space<vmem>>, vector<16xi32>,
          %parallel_loop3A_324 = arith.constant 112 : i32
          %parallel_loop3A_325 = arith.addi %parallel_loop3A_295, %parallel_loop3A_324 : i32
          %parallel_loop3A_326 = arith.index_cast %parallel_loop3A_325 : i32 to index
          %parallel_loop3A_327 = tpu.vector_load %arg12[%parallel_loop3A_326] {strides = array<i32>} : memref<2000xi32, #tpu.memory_space<vmem>>, vector<16xi32>,
          %parallel_loop3A_328 = arith.constant 128 : i32
          %parallel_loop3A_329 = arith.addi %parallel_loop3A_295, %parallel_loop3A_328 : i32
          %parallel_loop3A_330 = arith.index_cast %parallel_loop3A_329 : i32 to index
          %parallel_loop3A_331 = tpu.vector_load %arg12[%parallel_loop3A_330] {strides = array<i32>} : memref<2000xi32, #tpu.memory_space<vmem>>, vector<16xi32>,
          %parallel_loop3A_332 = arith.constant 144 : i32
          %parallel_loop3A_333 = arith.addi %parallel_loop3A_295, %parallel_loop3A_332 : i32
          %parallel_loop3A_334 = arith.index_cast %parallel_loop3A_333 : i32 to index
          %parallel_loop3A_335 = tpu.vector_load %arg12[%parallel_loop3A_334] {strides = array<i32>} : memref<2000xi32, #tpu.memory_space<vmem>>, vector<16xi32>,
          %parallel_loop3A_336 = arith.constant 160 : i32
          %parallel_loop3A_337 = arith.addi %parallel_loop3A_295, %parallel_loop3A_336 : i32
          %parallel_loop3A_338 = arith.index_cast %parallel_loop3A_337 : i32 to index
          %parallel_loop3A_339 = tpu.vector_load %arg12[%parallel_loop3A_338] {strides = array<i32>} : memref<2000xi32, #tpu.memory_space<vmem>>, vector<16xi32>,
          %parallel_loop3A_340 = arith.constant 176 : i32
          %parallel_loop3A_341 = arith.addi %parallel_loop3A_295, %parallel_loop3A_340 : i32
          %parallel_loop3A_342 = arith.index_cast %parallel_loop3A_341 : i32 to index
          %parallel_loop3A_343 = tpu.vector_load %arg12[%parallel_loop3A_342] {strides = array<i32>} : memref<2000xi32, #tpu.memory_space<vmem>>, vector<16xi32>,
          %parallel_loop3A_344 = arith.constant 192 : i32
          %parallel_loop3A_345 = arith.addi %parallel_loop3A_295, %parallel_loop3A_344 : i32
          %parallel_loop3A_346 = arith.index_cast %parallel_loop3A_345 : i32 to index
          %parallel_loop3A_347 = tpu.vector_load %arg12[%parallel_loop3A_346] {strides = array<i32>} : memref<2000xi32, #tpu.memory_space<vmem>>, vector<16xi32>,
          %parallel_loop3A_348 = arith.constant 208 : i32
          %parallel_loop3A_349 = arith.addi %parallel_loop3A_295, %parallel_loop3A_348 : i32
          %parallel_loop3A_350 = arith.index_cast %parallel_loop3A_349 : i32 to index
          %parallel_loop3A_351 = tpu.vector_load %arg12[%parallel_loop3A_350] {strides = array<i32>} : memref<2000xi32, #tpu.memory_space<vmem>>, vector<16xi32>,
          %parallel_loop3A_352 = arith.constant 224 : i32
          %parallel_loop3A_353 = arith.addi %parallel_loop3A_295, %parallel_loop3A_352 : i32
          %parallel_loop3A_354 = arith.index_cast %parallel_loop3A_353 : i32 to index
          %parallel_loop3A_355 = tpu.vector_load %arg12[%parallel_loop3A_354] {strides = array<i32>} : memref<2000xi32, #tpu.memory_space<vmem>>, vector<16xi32>,
          %parallel_loop3A_356 = arith.constant 240 : i32
          %parallel_loop3A_357 = arith.addi %parallel_loop3A_295, %parallel_loop3A_356 : i32
          %parallel_loop3A_358 = arith.index_cast %parallel_loop3A_357 : i32 to index
          %parallel_loop3A_359 = tpu.vector_load %arg12[%parallel_loop3A_358] {strides = array<i32>} : memref<2000xi32, #tpu.memory_space<vmem>>, vector<16xi32>,
          %parallel_loop3A_360 = arith.constant 256 : i32
          %parallel_loop3A_361 = arith.addi %parallel_loop3A_295, %parallel_loop3A_360 : i32
          %parallel_loop3A_362 = arith.index_cast %parallel_loop3A_361 : i32 to index
          %parallel_loop3A_363 = tpu.vector_load %arg12[%parallel_loop3A_362] {strides = array<i32>} : memref<2000xi32, #tpu.memory_space<vmem>>, vector<16xi32>,
          %parallel_loop3A_364 = arith.constant 272 : i32
          %parallel_loop3A_365 = arith.addi %parallel_loop3A_295, %parallel_loop3A_364 : i32
          %parallel_loop3A_366 = arith.index_cast %parallel_loop3A_365 : i32 to index
          %parallel_loop3A_367 = tpu.vector_load %arg12[%parallel_loop3A_366] {strides = array<i32>} : memref<2000xi32, #tpu.memory_space<vmem>>, vector<16xi32>,
          %parallel_loop3A_368 = arith.constant 288 : i32
          %parallel_loop3A_369 = arith.addi %parallel_loop3A_295, %parallel_loop3A_368 : i32
          %parallel_loop3A_370 = arith.index_cast %parallel_loop3A_369 : i32 to index
          %parallel_loop3A_371 = tpu.vector_load %arg12[%parallel_loop3A_370] {strides = array<i32>} : memref<2000xi32, #tpu.memory_space<vmem>>, vector<16xi32>,
          %parallel_loop3A_372 = arith.constant 304 : i32
          %parallel_loop3A_373 = arith.addi %parallel_loop3A_295, %parallel_loop3A_372 : i32
          %parallel_loop3A_374 = arith.index_cast %parallel_loop3A_373 : i32 to index
          %parallel_loop3A_375 = tpu.vector_load %arg12[%parallel_loop3A_374] {strides = array<i32>} : memref<2000xi32, #tpu.memory_space<vmem>>, vector<16xi32>,
          %parallel_loop3A_376 = arith.constant 320 : i32
          %parallel_loop3A_377 = arith.addi %parallel_loop3A_295, %parallel_loop3A_376 : i32
          %parallel_loop3A_378 = arith.index_cast %parallel_loop3A_377 : i32 to index
          %parallel_loop3A_379 = tpu.vector_load %arg12[%parallel_loop3A_378] {strides = array<i32>} : memref<2000xi32, #tpu.memory_space<vmem>>, vector<16xi32>,
          %parallel_loop3A_380 = arith.constant 336 : i32
          %parallel_loop3A_381 = arith.addi %parallel_loop3A_295, %parallel_loop3A_380 : i32
          %parallel_loop3A_382 = arith.index_cast %parallel_loop3A_381 : i32 to index
          %parallel_loop3A_383 = tpu.vector_load %arg12[%parallel_loop3A_382] {strides = array<i32>} : memref<2000xi32, #tpu.memory_space<vmem>>, vector<16xi32>,
          %parallel_loop3A_384 = arith.constant 352 : i32
          %parallel_loop3A_385 = arith.addi %parallel_loop3A_295, %parallel_loop3A_384 : i32
          %parallel_loop3A_386 = arith.index_cast %parallel_loop3A_385 : i32 to index
          %parallel_loop3A_387 = tpu.vector_load %arg12[%parallel_loop3A_386] {strides = array<i32>} : memref<2000xi32, #tpu.memory_space<vmem>>, vector<16xi32>,
          %parallel_loop3A_388 = arith.constant 368 : i32
          %parallel_loop3A_389 = arith.addi %parallel_loop3A_295, %parallel_loop3A_388 : i32
          %parallel_loop3A_390 = arith.index_cast %parallel_loop3A_389 : i32 to index
          %parallel_loop3A_391 = tpu.vector_load %arg12[%parallel_loop3A_390] {strides = array<i32>} : memref<2000xi32, #tpu.memory_space<vmem>>, vector<16xi32>,
          %parallel_loop3A_392 = arith.constant 384 : i32
          %parallel_loop3A_393 = arith.addi %parallel_loop3A_295, %parallel_loop3A_392 : i32
          %parallel_loop3A_394 = arith.index_cast %parallel_loop3A_393 : i32 to index
          %parallel_loop3A_395 = tpu.vector_load %arg12[%parallel_loop3A_394] {strides = array<i32>} : memref<2000xi32, #tpu.memory_space<vmem>>, vector<16xi32>,
          %parallel_loop3A_396 = arith.constant 0 : i32
          %parallel_loop3A_397 = arith.addi %parallel_loop3A_295, %parallel_loop3A_396 : i32
          %parallel_loop3A_398 = arith.index_cast %parallel_loop3A_397 : i32 to index
          %parallel_loop3A_399 = tpu.vector_load %arg14[%parallel_loop3A_398] {strides = array<i32>} : memref<2000xi32, #tpu.memory_space<vmem>>, vector<16xi32>,
          %parallel_loop3A_400 = arith.constant 16 : i32
          %parallel_loop3A_401 = arith.addi %parallel_loop3A_295, %parallel_loop3A_400 : i32
          %parallel_loop3A_402 = arith.index_cast %parallel_loop3A_401 : i32 to index
          %parallel_loop3A_403 = tpu.vector_load %arg14[%parallel_loop3A_402] {strides = array<i32>} : memref<2000xi32, #tpu.memory_space<vmem>>, vector<16xi32>,
          %parallel_loop3A_404 = arith.constant 32 : i32
          %parallel_loop3A_405 = arith.addi %parallel_loop3A_295, %parallel_loop3A_404 : i32
          %parallel_loop3A_406 = arith.index_cast %parallel_loop3A_405 : i32 to index
          %parallel_loop3A_407 = tpu.vector_load %arg14[%parallel_loop3A_406] {strides = array<i32>} : memref<2000xi32, #tpu.memory_space<vmem>>, vector<16xi32>,
          %parallel_loop3A_408 = arith.constant 48 : i32
          %parallel_loop3A_409 = arith.addi %parallel_loop3A_295, %parallel_loop3A_408 : i32
          %parallel_loop3A_410 = arith.index_cast %parallel_loop3A_409 : i32 to index
          %parallel_loop3A_411 = tpu.vector_load %arg14[%parallel_loop3A_410] {strides = array<i32>} : memref<2000xi32, #tpu.memory_space<vmem>>, vector<16xi32>,
          %parallel_loop3A_412 = arith.constant 64 : i32
          %parallel_loop3A_413 = arith.addi %parallel_loop3A_295, %parallel_loop3A_412 : i32
          %parallel_loop3A_414 = arith.index_cast %parallel_loop3A_413 : i32 to index
          %parallel_loop3A_415 = tpu.vector_load %arg14[%parallel_loop3A_414] {strides = array<i32>} : memref<2000xi32, #tpu.memory_space<vmem>>, vector<16xi32>,
          %parallel_loop3A_416 = arith.constant 80 : i32
          %parallel_loop3A_417 = arith.addi %parallel_loop3A_295, %parallel_loop3A_416 : i32
          %parallel_loop3A_418 = arith.index_cast %parallel_loop3A_417 : i32 to index
          %parallel_loop3A_419 = tpu.vector_load %arg14[%parallel_loop3A_418] {strides = array<i32>} : memref<2000xi32, #tpu.memory_space<vmem>>, vector<16xi32>,
          %parallel_loop3A_420 = arith.constant 96 : i32
          %parallel_loop3A_421 = arith.addi %parallel_loop3A_295, %parallel_loop3A_420 : i32
          %parallel_loop3A_422 = arith.index_cast %parallel_loop3A_421 : i32 to index
          %parallel_loop3A_423 = tpu.vector_load %arg14[%parallel_loop3A_422] {strides = array<i32>} : memref<2000xi32, #tpu.memory_space<vmem>>, vector<16xi32>,
          %parallel_loop3A_424 = arith.constant 112 : i32
          %parallel_loop3A_425 = arith.addi %parallel_loop3A_295, %parallel_loop3A_424 : i32
          %parallel_loop3A_426 = arith.index_cast %parallel_loop3A_425 : i32 to index
          %parallel_loop3A_427 = tpu.vector_load %arg14[%parallel_loop3A_426] {strides = array<i32>} : memref<2000xi32, #tpu.memory_space<vmem>>, vector<16xi32>,
          %parallel_loop3A_428 = arith.constant 128 : i32
          %parallel_loop3A_429 = arith.addi %parallel_loop3A_295, %parallel_loop3A_428 : i32
          %parallel_loop3A_430 = arith.index_cast %parallel_loop3A_429 : i32 to index
          %parallel_loop3A_431 = tpu.vector_load %arg14[%parallel_loop3A_430] {strides = array<i32>} : memref<2000xi32, #tpu.memory_space<vmem>>, vector<16xi32>,
          %parallel_loop3A_432 = arith.constant 144 : i32
          %parallel_loop3A_433 = arith.addi %parallel_loop3A_295, %parallel_loop3A_432 : i32
          %parallel_loop3A_434 = arith.index_cast %parallel_loop3A_433 : i32 to index
          %parallel_loop3A_435 = tpu.vector_load %arg14[%parallel_loop3A_434] {strides = array<i32>} : memref<2000xi32, #tpu.memory_space<vmem>>, vector<16xi32>,
          %parallel_loop3A_436 = arith.constant 160 : i32
          %parallel_loop3A_437 = arith.addi %parallel_loop3A_295, %parallel_loop3A_436 : i32
          %parallel_loop3A_438 = arith.index_cast %parallel_loop3A_437 : i32 to index
          %parallel_loop3A_439 = tpu.vector_load %arg14[%parallel_loop3A_438] {strides = array<i32>} : memref<2000xi32, #tpu.memory_space<vmem>>, vector<16xi32>,
          %parallel_loop3A_440 = arith.constant 176 : i32
          %parallel_loop3A_441 = arith.addi %parallel_loop3A_295, %parallel_loop3A_440 : i32
          %parallel_loop3A_442 = arith.index_cast %parallel_loop3A_441 : i32 to index
          %parallel_loop3A_443 = tpu.vector_load %arg14[%parallel_loop3A_442] {strides = array<i32>} : memref<2000xi32, #tpu.memory_space<vmem>>, vector<16xi32>,
          %parallel_loop3A_444 = arith.constant 192 : i32
          %parallel_loop3A_445 = arith.addi %parallel_loop3A_295, %parallel_loop3A_444 : i32
          %parallel_loop3A_446 = arith.index_cast %parallel_loop3A_445 : i32 to index
          %parallel_loop3A_447 = tpu.vector_load %arg14[%parallel_loop3A_446] {strides = array<i32>} : memref<2000xi32, #tpu.memory_space<vmem>>, vector<16xi32>,
          %parallel_loop3A_448 = arith.constant 208 : i32
          %parallel_loop3A_449 = arith.addi %parallel_loop3A_295, %parallel_loop3A_448 : i32
          %parallel_loop3A_450 = arith.index_cast %parallel_loop3A_449 : i32 to index
          %parallel_loop3A_451 = tpu.vector_load %arg14[%parallel_loop3A_450] {strides = array<i32>} : memref<2000xi32, #tpu.memory_space<vmem>>, vector<16xi32>,
          %parallel_loop3A_452 = arith.constant 224 : i32
          %parallel_loop3A_453 = arith.addi %parallel_loop3A_295, %parallel_loop3A_452 : i32
          %parallel_loop3A_454 = arith.index_cast %parallel_loop3A_453 : i32 to index
          %parallel_loop3A_455 = tpu.vector_load %arg14[%parallel_loop3A_454] {strides = array<i32>} : memref<2000xi32, #tpu.memory_space<vmem>>, vector<16xi32>,
          %parallel_loop3A_456 = arith.constant 240 : i32
          %parallel_loop3A_457 = arith.addi %parallel_loop3A_295, %parallel_loop3A_456 : i32
          %parallel_loop3A_458 = arith.index_cast %parallel_loop3A_457 : i32 to index
          %parallel_loop3A_459 = tpu.vector_load %arg14[%parallel_loop3A_458] {strides = array<i32>} : memref<2000xi32, #tpu.memory_space<vmem>>, vector<16xi32>,
          %parallel_loop3A_460 = arith.constant 256 : i32
          %parallel_loop3A_461 = arith.addi %parallel_loop3A_295, %parallel_loop3A_460 : i32
          %parallel_loop3A_462 = arith.index_cast %parallel_loop3A_461 : i32 to index
          %parallel_loop3A_463 = tpu.vector_load %arg14[%parallel_loop3A_462] {strides = array<i32>} : memref<2000xi32, #tpu.memory_space<vmem>>, vector<16xi32>,
          %parallel_loop3A_464 = arith.constant 272 : i32
          %parallel_loop3A_465 = arith.addi %parallel_loop3A_295, %parallel_loop3A_464 : i32
          %parallel_loop3A_466 = arith.index_cast %parallel_loop3A_465 : i32 to index
          %parallel_loop3A_467 = tpu.vector_load %arg14[%parallel_loop3A_466] {strides = array<i32>} : memref<2000xi32, #tpu.memory_space<vmem>>, vector<16xi32>,
          %parallel_loop3A_468 = arith.constant 288 : i32
          %parallel_loop3A_469 = arith.addi %parallel_loop3A_295, %parallel_loop3A_468 : i32
          %parallel_loop3A_470 = arith.index_cast %parallel_loop3A_469 : i32 to index
          %parallel_loop3A_471 = tpu.vector_load %arg14[%parallel_loop3A_470] {strides = array<i32>} : memref<2000xi32, #tpu.memory_space<vmem>>, vector<16xi32>,
          %parallel_loop3A_472 = arith.constant 304 : i32
          %parallel_loop3A_473 = arith.addi %parallel_loop3A_295, %parallel_loop3A_472 : i32
          %parallel_loop3A_474 = arith.index_cast %parallel_loop3A_473 : i32 to index
          %parallel_loop3A_475 = tpu.vector_load %arg14[%parallel_loop3A_474] {strides = array<i32>} : memref<2000xi32, #tpu.memory_space<vmem>>, vector<16xi32>,
          %parallel_loop3A_476 = arith.constant 320 : i32
          %parallel_loop3A_477 = arith.addi %parallel_loop3A_295, %parallel_loop3A_476 : i32
          %parallel_loop3A_478 = arith.index_cast %parallel_loop3A_477 : i32 to index
          %parallel_loop3A_479 = tpu.vector_load %arg14[%parallel_loop3A_478] {strides = array<i32>} : memref<2000xi32, #tpu.memory_space<vmem>>, vector<16xi32>,
          %parallel_loop3A_480 = arith.constant 336 : i32
          %parallel_loop3A_481 = arith.addi %parallel_loop3A_295, %parallel_loop3A_480 : i32
          %parallel_loop3A_482 = arith.index_cast %parallel_loop3A_481 : i32 to index
          %parallel_loop3A_483 = tpu.vector_load %arg14[%parallel_loop3A_482] {strides = array<i32>} : memref<2000xi32, #tpu.memory_space<vmem>>, vector<16xi32>,
          %parallel_loop3A_484 = arith.constant 352 : i32
          %parallel_loop3A_485 = arith.addi %parallel_loop3A_295, %parallel_loop3A_484 : i32
          %parallel_loop3A_486 = arith.index_cast %parallel_loop3A_485 : i32 to index
          %parallel_loop3A_487 = tpu.vector_load %arg14[%parallel_loop3A_486] {strides = array<i32>} : memref<2000xi32, #tpu.memory_space<vmem>>, vector<16xi32>,
          %parallel_loop3A_488 = arith.constant 368 : i32
          %parallel_loop3A_489 = arith.addi %parallel_loop3A_295, %parallel_loop3A_488 : i32
          %parallel_loop3A_490 = arith.index_cast %parallel_loop3A_489 : i32 to index
          %parallel_loop3A_491 = tpu.vector_load %arg14[%parallel_loop3A_490] {strides = array<i32>} : memref<2000xi32, #tpu.memory_space<vmem>>, vector<16xi32>,
          %parallel_loop3A_492 = arith.constant 384 : i32
          %parallel_loop3A_493 = arith.addi %parallel_loop3A_295, %parallel_loop3A_492 : i32
          %parallel_loop3A_494 = arith.index_cast %parallel_loop3A_493 : i32 to index
          %parallel_loop3A_495 = tpu.vector_load %arg14[%parallel_loop3A_494] {strides = array<i32>} : memref<2000xi32, #tpu.memory_space<vmem>>, vector<16xi32>,
          %parallel_loop3A_496 = tpu.vector_load_idx %arg10[%parallel_loop3A_299] : memref<50176xf32, #tpu.memory_space<vmem>>[vector<16xi32>], vector<16xf32>,
          %parallel_loop3A_497 = tpu.vector_load_idx %arg10[%parallel_loop3A_303] : memref<50176xf32, #tpu.memory_space<vmem>>[vector<16xi32>], vector<16xf32>,
          %parallel_loop3A_498 = tpu.vector_load_idx %arg10[%parallel_loop3A_307] : memref<50176xf32, #tpu.memory_space<vmem>>[vector<16xi32>], vector<16xf32>,
          %parallel_loop3A_499 = tpu.vector_load_idx %arg10[%parallel_loop3A_311] : memref<50176xf32, #tpu.memory_space<vmem>>[vector<16xi32>], vector<16xf32>,
          %parallel_loop3A_500 = tpu.vector_load_idx %arg10[%parallel_loop3A_315] : memref<50176xf32, #tpu.memory_space<vmem>>[vector<16xi32>], vector<16xf32>,
          %parallel_loop3A_501 = tpu.vector_load_idx %arg10[%parallel_loop3A_319] : memref<50176xf32, #tpu.memory_space<vmem>>[vector<16xi32>], vector<16xf32>,
          %parallel_loop3A_502 = tpu.vector_load_idx %arg10[%parallel_loop3A_323] : memref<50176xf32, #tpu.memory_space<vmem>>[vector<16xi32>], vector<16xf32>,
          %parallel_loop3A_503 = tpu.vector_load_idx %arg10[%parallel_loop3A_327] : memref<50176xf32, #tpu.memory_space<vmem>>[vector<16xi32>], vector<16xf32>,
          %parallel_loop3A_504 = tpu.vector_load_idx %arg10[%parallel_loop3A_331] : memref<50176xf32, #tpu.memory_space<vmem>>[vector<16xi32>], vector<16xf32>,
          %parallel_loop3A_505 = tpu.vector_load_idx %arg10[%parallel_loop3A_335] : memref<50176xf32, #tpu.memory_space<vmem>>[vector<16xi32>], vector<16xf32>,
          %parallel_loop3A_506 = tpu.vector_load_idx %arg10[%parallel_loop3A_339] : memref<50176xf32, #tpu.memory_space<vmem>>[vector<16xi32>], vector<16xf32>,
          %parallel_loop3A_507 = tpu.vector_load_idx %arg10[%parallel_loop3A_343] : memref<50176xf32, #tpu.memory_space<vmem>>[vector<16xi32>], vector<16xf32>,
          %parallel_loop3A_508 = tpu.vector_load_idx %arg10[%parallel_loop3A_347] : memref<50176xf32, #tpu.memory_space<vmem>>[vector<16xi32>], vector<16xf32>,
          %parallel_loop3A_509 = tpu.vector_load_idx %arg10[%parallel_loop3A_351] : memref<50176xf32, #tpu.memory_space<vmem>>[vector<16xi32>], vector<16xf32>,
          %parallel_loop3A_510 = tpu.vector_load_idx %arg10[%parallel_loop3A_355] : memref<50176xf32, #tpu.memory_space<vmem>>[vector<16xi32>], vector<16xf32>,
          %parallel_loop3A_511 = tpu.vector_load_idx %arg10[%parallel_loop3A_359] : memref<50176xf32, #tpu.memory_space<vmem>>[vector<16xi32>], vector<16xf32>,
          %parallel_loop3A_512 = tpu.vector_load_idx %arg10[%parallel_loop3A_363] : memref<50176xf32, #tpu.memory_space<vmem>>[vector<16xi32>], vector<16xf32>,
          %parallel_loop3A_513 = tpu.vector_load_idx %arg10[%parallel_loop3A_367] : memref<50176xf32, #tpu.memory_space<vmem>>[vector<16xi32>], vector<16xf32>,
          %parallel_loop3A_514 = tpu.vector_load_idx %arg10[%parallel_loop3A_371] : memref<50176xf32, #tpu.memory_space<vmem>>[vector<16xi32>], vector<16xf32>,
          %parallel_loop3A_515 = tpu.vector_load_idx %arg10[%parallel_loop3A_375] : memref<50176xf32, #tpu.memory_space<vmem>>[vector<16xi32>], vector<16xf32>,
          %parallel_loop3A_516 = tpu.vector_load_idx %arg10[%parallel_loop3A_379] : memref<50176xf32, #tpu.memory_space<vmem>>[vector<16xi32>], vector<16xf32>,
          %parallel_loop3A_517 = tpu.vector_load_idx %arg10[%parallel_loop3A_383] : memref<50176xf32, #tpu.memory_space<vmem>>[vector<16xi32>], vector<16xf32>,
          %parallel_loop3A_518 = tpu.vector_load_idx %arg10[%parallel_loop3A_387] : memref<50176xf32, #tpu.memory_space<vmem>>[vector<16xi32>], vector<16xf32>,
          %parallel_loop3A_519 = tpu.vector_load_idx %arg10[%parallel_loop3A_391] : memref<50176xf32, #tpu.memory_space<vmem>>[vector<16xi32>], vector<16xf32>,
          %parallel_loop3A_520 = tpu.vector_load_idx %arg10[%parallel_loop3A_395] : memref<50176xf32, #tpu.memory_space<vmem>>[vector<16xi32>], vector<16xf32>,
          tpu.vector_store_idx %arg11[%parallel_loop3A_399], %parallel_loop3A_496 {add = true} : memref<50176xf32, #tpu.memory_space<vmem>>[vector<16xi32>], vector<16xf32>,
          tpu.vector_store_idx %arg11[%parallel_loop3A_403], %parallel_loop3A_497 {add = true} : memref<50176xf32, #tpu.memory_space<vmem>>[vector<16xi32>], vector<16xf32>,
          tpu.vector_store_idx %arg11[%parallel_loop3A_407], %parallel_loop3A_498 {add = true} : memref<50176xf32, #tpu.memory_space<vmem>>[vector<16xi32>], vector<16xf32>,
          tpu.vector_store_idx %arg11[%parallel_loop3A_411], %parallel_loop3A_499 {add = true} : memref<50176xf32, #tpu.memory_space<vmem>>[vector<16xi32>], vector<16xf32>,
          tpu.vector_store_idx %arg11[%parallel_loop3A_415], %parallel_loop3A_500 {add = true} : memref<50176xf32, #tpu.memory_space<vmem>>[vector<16xi32>], vector<16xf32>,
          tpu.vector_store_idx %arg11[%parallel_loop3A_419], %parallel_loop3A_501 {add = true} : memref<50176xf32, #tpu.memory_space<vmem>>[vector<16xi32>], vector<16xf32>,
          tpu.vector_store_idx %arg11[%parallel_loop3A_423], %parallel_loop3A_502 {add = true} : memref<50176xf32, #tpu.memory_space<vmem>>[vector<16xi32>], vector<16xf32>,
          tpu.vector_store_idx %arg11[%parallel_loop3A_427], %parallel_loop3A_503 {add = true} : memref<50176xf32, #tpu.memory_space<vmem>>[vector<16xi32>], vector<16xf32>,
          tpu.vector_store_idx %arg11[%parallel_loop3A_431], %parallel_loop3A_504 {add = true} : memref<50176xf32, #tpu.memory_space<vmem>>[vector<16xi32>], vector<16xf32>,
          tpu.vector_store_idx %arg11[%parallel_loop3A_435], %parallel_loop3A_505 {add = true} : memref<50176xf32, #tpu.memory_space<vmem>>[vector<16xi32>], vector<16xf32>,
          tpu.vector_store_idx %arg11[%parallel_loop3A_439], %parallel_loop3A_506 {add = true} : memref<50176xf32, #tpu.memory_space<vmem>>[vector<16xi32>], vector<16xf32>,
          tpu.vector_store_idx %arg11[%parallel_loop3A_443], %parallel_loop3A_507 {add = true} : memref<50176xf32, #tpu.memory_space<vmem>>[vector<16xi32>], vector<16xf32>,
          tpu.vector_store_idx %arg11[%parallel_loop3A_447], %parallel_loop3A_508 {add = true} : memref<50176xf32, #tpu.memory_space<vmem>>[vector<16xi32>], vector<16xf32>,
          tpu.vector_store_idx %arg11[%parallel_loop3A_451], %parallel_loop3A_509 {add = true} : memref<50176xf32, #tpu.memory_space<vmem>>[vector<16xi32>], vector<16xf32>,
          tpu.vector_store_idx %arg11[%parallel_loop3A_455], %parallel_loop3A_510 {add = true} : memref<50176xf32, #tpu.memory_space<vmem>>[vector<16xi32>], vector<16xf32>,
          tpu.vector_store_idx %arg11[%parallel_loop3A_459], %parallel_loop3A_511 {add = true} : memref<50176xf32, #tpu.memory_space<vmem>>[vector<16xi32>], vector<16xf32>,
          tpu.vector_store_idx %arg11[%parallel_loop3A_463], %parallel_loop3A_512 {add = true} : memref<50176xf32, #tpu.memory_space<vmem>>[vector<16xi32>], vector<16xf32>,
          tpu.vector_store_idx %arg11[%parallel_loop3A_467], %parallel_loop3A_513 {add = true} : memref<50176xf32, #tpu.memory_space<vmem>>[vector<16xi32>], vector<16xf32>,
          tpu.vector_store_idx %arg11[%parallel_loop3A_471], %parallel_loop3A_514 {add = true} : memref<50176xf32, #tpu.memory_space<vmem>>[vector<16xi32>], vector<16xf32>,
          tpu.vector_store_idx %arg11[%parallel_loop3A_475], %parallel_loop3A_515 {add = true} : memref<50176xf32, #tpu.memory_space<vmem>>[vector<16xi32>], vector<16xf32>,
          tpu.vector_store_idx %arg11[%parallel_loop3A_479], %parallel_loop3A_516 {add = true} : memref<50176xf32, #tpu.memory_space<vmem>>[vector<16xi32>], vector<16xf32>,
          tpu.vector_store_idx %arg11[%parallel_loop3A_483], %parallel_loop3A_517 {add = true} : memref<50176xf32, #tpu.memory_space<vmem>>[vector<16xi32>], vector<16xf32>,
          tpu.vector_store_idx %arg11[%parallel_loop3A_487], %parallel_loop3A_518 {add = true} : memref<50176xf32, #tpu.memory_space<vmem>>[vector<16xi32>], vector<16xf32>,
          tpu.vector_store_idx %arg11[%parallel_loop3A_491], %parallel_loop3A_519 {add = true} : memref<50176xf32, #tpu.memory_space<vmem>>[vector<16xi32>], vector<16xf32>,
          tpu.vector_store_idx %arg11[%parallel_loop3A_495], %parallel_loop3A_520 {add = true} : memref<50176xf32, #tpu.memory_space<vmem>>[vector<16xi32>], vector<16xf32>,
        } {sc.loop_unroll_factor = 1 : i64, sc.parallel_access}
        %dma_wait3A_278 = arith.constant 0 : i32
        %dma_wait3A_279 = tpu.memref_slice %arg2[%dma_wait3A_278, %mul3A_2] : memref<2x1600000xi32, #tpu.memory_space<hbm>> -> memref<1x2000xi32, #tpu.memory_space<hbm>>
        %dma_wait3A_280 = tpu.memref_squeeze %dma_wait3A_279 : memref<1x2000xi32, #tpu.memory_space<hbm>> -> memref<2000xi32, #tpu.memory_space<hbm>>
        %dma_wait3A_281 = tpu.memref_slice %arg2[%dma_wait3A_278, %mul3A_2] : memref<2x1600000xi32, #tpu.memory_space<hbm>> -> memref<1x2000xi32, #tpu.memory_space<hbm>>
        %dma_wait3A_282 = tpu.memref_squeeze %dma_wait3A_281 : memref<1x2000xi32, #tpu.memory_space<hbm>> -> memref<2000xi32, #tpu.memory_space<hbm>>
        tpu.wait_dma2 semaphore(%arg27 : memref<!tpu.dma_semaphore, #tpu.memory_space<semaphore_mem>>) src(%dma_wait3A_282 : memref<2000xi32, #tpu.memory_space<hbm>>) dst(%arg13 : memref<2000xi32, #tpu.memory_space<vmem>>)
        %dma_wait3A_283 = arith.constant 1 : i32
        %dma_wait3A_284 = tpu.memref_slice %arg2[%dma_wait3A_283, %mul3A_2] : memref<2x1600000xi32, #tpu.memory_space<hbm>> -> memref<1x2000xi32, #tpu.memory_space<hbm>>
        %dma_wait3A_285 = tpu.memref_squeeze %dma_wait3A_284 : memref<1x2000xi32, #tpu.memory_space<hbm>> -> memref<2000xi32, #tpu.memory_space<hbm>>
        %dma_wait3A_286 = tpu.memref_slice %arg2[%dma_wait3A_283, %mul3A_2] : memref<2x1600000xi32, #tpu.memory_space<hbm>> -> memref<1x2000xi32, #tpu.memory_space<hbm>>
        %dma_wait3A_287 = tpu.memref_squeeze %dma_wait3A_286 : memref<1x2000xi32, #tpu.memory_space<hbm>> -> memref<2000xi32, #tpu.memory_space<hbm>>
        tpu.wait_dma2 semaphore(%arg27 : memref<!tpu.dma_semaphore, #tpu.memory_space<semaphore_mem>>) src(%dma_wait3A_287 : memref<2000xi32, #tpu.memory_space<hbm>>) dst(%arg15 : memref<2000xi32, #tpu.memory_space<vmem>>)
        %add3A_288 = arith.constant 1 : i32
        %add3A_289 = arith.addi %scan3A_244, %add3A_288 : i32
        %lt3A = arith.constant 25 : i32
        %lt3A_290 = arith.cmpi slt, %add3A_289, %lt3A : i32
        %convert_element_type3A = arith.extui %lt3A_290 : i1 to i32
        %cond3A = arith.constant 0 : i32
        %cond3A_291 = arith.cmpi ne, %convert_element_type3A, %cond3A : i32
        scf.if %cond3A_291 {
          %mul3A_295 = arith.constant 2 : i32
          %mul3A_296 = arith.muli %mul3A_295, %scan3A_244 : i32
          %add3A_297 = arith.constant 2 : i32
          %add3A_298 = arith.addi %mul3A_296, %add3A_297 : i32
          %mul3A_299 = arith.constant 2000 : i32
          %mul3A_300 = arith.muli %add3A_298, %mul3A_299 : i32
          %add3A_301 = arith.addi %mul3A_2, %mul3A_300 : i32
          %dma_start3A_302 = arith.constant 0 : i32
          %dma_start3A_303 = tpu.memref_slice %arg2[%dma_start3A_302, %add3A_301] : memref<2x1600000xi32, #tpu.memory_space<hbm>> -> memref<1x2000xi32, #tpu.memory_space<hbm>>
          %dma_start3A_304 = tpu.memref_squeeze %dma_start3A_303 : memref<1x2000xi32, #tpu.memory_space<hbm>> -> memref<2000xi32, #tpu.memory_space<hbm>>
          %dma_start3A_305 = tpu.memref_slice %arg2[%dma_start3A_302, %add3A_301] : memref<2x1600000xi32, #tpu.memory_space<hbm>> -> memref<1x2000xi32, #tpu.memory_space<hbm>>
          %dma_start3A_306 = tpu.memref_squeeze %dma_start3A_305 : memref<1x2000xi32, #tpu.memory_space<hbm>> -> memref<2000xi32, #tpu.memory_space<hbm>>
          tpu.enqueue_dma source(%dma_start3A_306 : memref<2000xi32, #tpu.memory_space<hbm>>) target(%arg12 : memref<2000xi32, #tpu.memory_space<vmem>>) target_semaphore(%arg26 : memref<!tpu.dma_semaphore, #tpu.memory_space<semaphore_mem>>)
          %mul3A_307 = arith.constant 2000 : i32
          %mul3A_308 = arith.muli %add3A_298, %mul3A_307 : i32
          %add3A_309 = arith.addi %mul3A_2, %mul3A_308 : i32
          %dma_start3A_310 = arith.constant 1 : i32
          %dma_start3A_311 = tpu.memref_slice %arg2[%dma_start3A_310, %add3A_309] : memref<2x1600000xi32, #tpu.memory_space<hbm>> -> memref<1x2000xi32, #tpu.memory_space<hbm>>
          %dma_start3A_312 = tpu.memref_squeeze %dma_start3A_311 : memref<1x2000xi32, #tpu.memory_space<hbm>> -> memref<2000xi32, #tpu.memory_space<hbm>>
          %dma_start3A_313 = tpu.memref_slice %arg2[%dma_start3A_310, %add3A_309] : memref<2x1600000xi32, #tpu.memory_space<hbm>> -> memref<1x2000xi32, #tpu.memory_space<hbm>>
          %dma_start3A_314 = tpu.memref_squeeze %dma_start3A_313 : memref<1x2000xi32, #tpu.memory_space<hbm>> -> memref<2000xi32, #tpu.memory_space<hbm>>
          tpu.enqueue_dma source(%dma_start3A_314 : memref<2000xi32, #tpu.memory_space<hbm>>) target(%arg14 : memref<2000xi32, #tpu.memory_space<vmem>>) target_semaphore(%arg26 : memref<!tpu.dma_semaphore, #tpu.memory_space<semaphore_mem>>)
        } else {
        }
        %parallel_loop3A_292 = arith.constant 0 : i32
        %parallel_loop3A_293 = arith.constant 2000 : i32
        %parallel_loop3A_294 = arith.constant 400 : i32
        scf.for %parallel_loop3A_295 = %parallel_loop3A_292 to %parallel_loop3A_293 step %parallel_loop3A_294  : i32 {
          %parallel_loop3A_296 = arith.constant 0 : i32
          %parallel_loop3A_297 = arith.addi %parallel_loop3A_295, %parallel_loop3A_296 : i32
          %parallel_loop3A_298 = arith.index_cast %parallel_loop3A_297 : i32 to index
          %parallel_loop3A_299 = tpu.vector_load %arg13[%parallel_loop3A_298] {strides = array<i32>} : memref<2000xi32, #tpu.memory_space<vmem>>, vector<16xi32>,
          %parallel_loop3A_300 = arith.constant 16 : i32
          %parallel_loop3A_301 = arith.addi %parallel_loop3A_295, %parallel_loop3A_300 : i32
          %parallel_loop3A_302 = arith.index_cast %parallel_loop3A_301 : i32 to index
          %parallel_loop3A_303 = tpu.vector_load %arg13[%parallel_loop3A_302] {strides = array<i32>} : memref<2000xi32, #tpu.memory_space<vmem>>, vector<16xi32>,
          %parallel_loop3A_304 = arith.constant 32 : i32
          %parallel_loop3A_305 = arith.addi %parallel_loop3A_295, %parallel_loop3A_304 : i32
          %parallel_loop3A_306 = arith.index_cast %parallel_loop3A_305 : i32 to index
          %parallel_loop3A_307 = tpu.vector_load %arg13[%parallel_loop3A_306] {strides = array<i32>} : memref<2000xi32, #tpu.memory_space<vmem>>, vector<16xi32>,
          %parallel_loop3A_308 = arith.constant 48 : i32
          %parallel_loop3A_309 = arith.addi %parallel_loop3A_295, %parallel_loop3A_308 : i32
          %parallel_loop3A_310 = arith.index_cast %parallel_loop3A_309 : i32 to index
          %parallel_loop3A_311 = tpu.vector_load %arg13[%parallel_loop3A_310] {strides = array<i32>} : memref<2000xi32, #tpu.memory_space<vmem>>, vector<16xi32>,
          %parallel_loop3A_312 = arith.constant 64 : i32
          %parallel_loop3A_313 = arith.addi %parallel_loop3A_295, %parallel_loop3A_312 : i32
          %parallel_loop3A_314 = arith.index_cast %parallel_loop3A_313 : i32 to index
          %parallel_loop3A_315 = tpu.vector_load %arg13[%parallel_loop3A_314] {strides = array<i32>} : memref<2000xi32, #tpu.memory_space<vmem>>, vector<16xi32>,
          %parallel_loop3A_316 = arith.constant 80 : i32
          %parallel_loop3A_317 = arith.addi %parallel_loop3A_295, %parallel_loop3A_316 : i32
          %parallel_loop3A_318 = arith.index_cast %parallel_loop3A_317 : i32 to index
          %parallel_loop3A_319 = tpu.vector_load %arg13[%parallel_loop3A_318] {strides = array<i32>} : memref<2000xi32, #tpu.memory_space<vmem>>, vector<16xi32>,
          %parallel_loop3A_320 = arith.constant 96 : i32
          %parallel_loop3A_321 = arith.addi %parallel_loop3A_295, %parallel_loop3A_320 : i32
          %parallel_loop3A_322 = arith.index_cast %parallel_loop3A_321 : i32 to index
          %parallel_loop3A_323 = tpu.vector_load %arg13[%parallel_loop3A_322] {strides = array<i32>} : memref<2000xi32, #tpu.memory_space<vmem>>, vector<16xi32>,
          %parallel_loop3A_324 = arith.constant 112 : i32
          %parallel_loop3A_325 = arith.addi %parallel_loop3A_295, %parallel_loop3A_324 : i32
          %parallel_loop3A_326 = arith.index_cast %parallel_loop3A_325 : i32 to index
          %parallel_loop3A_327 = tpu.vector_load %arg13[%parallel_loop3A_326] {strides = array<i32>} : memref<2000xi32, #tpu.memory_space<vmem>>, vector<16xi32>,
          %parallel_loop3A_328 = arith.constant 128 : i32
          %parallel_loop3A_329 = arith.addi %parallel_loop3A_295, %parallel_loop3A_328 : i32
          %parallel_loop3A_330 = arith.index_cast %parallel_loop3A_329 : i32 to index
          %parallel_loop3A_331 = tpu.vector_load %arg13[%parallel_loop3A_330] {strides = array<i32>} : memref<2000xi32, #tpu.memory_space<vmem>>, vector<16xi32>,
          %parallel_loop3A_332 = arith.constant 144 : i32
          %parallel_loop3A_333 = arith.addi %parallel_loop3A_295, %parallel_loop3A_332 : i32
          %parallel_loop3A_334 = arith.index_cast %parallel_loop3A_333 : i32 to index
          %parallel_loop3A_335 = tpu.vector_load %arg13[%parallel_loop3A_334] {strides = array<i32>} : memref<2000xi32, #tpu.memory_space<vmem>>, vector<16xi32>,
          %parallel_loop3A_336 = arith.constant 160 : i32
          %parallel_loop3A_337 = arith.addi %parallel_loop3A_295, %parallel_loop3A_336 : i32
          %parallel_loop3A_338 = arith.index_cast %parallel_loop3A_337 : i32 to index
          %parallel_loop3A_339 = tpu.vector_load %arg13[%parallel_loop3A_338] {strides = array<i32>} : memref<2000xi32, #tpu.memory_space<vmem>>, vector<16xi32>,
          %parallel_loop3A_340 = arith.constant 176 : i32
          %parallel_loop3A_341 = arith.addi %parallel_loop3A_295, %parallel_loop3A_340 : i32
          %parallel_loop3A_342 = arith.index_cast %parallel_loop3A_341 : i32 to index
          %parallel_loop3A_343 = tpu.vector_load %arg13[%parallel_loop3A_342] {strides = array<i32>} : memref<2000xi32, #tpu.memory_space<vmem>>, vector<16xi32>,
          %parallel_loop3A_344 = arith.constant 192 : i32
          %parallel_loop3A_345 = arith.addi %parallel_loop3A_295, %parallel_loop3A_344 : i32
          %parallel_loop3A_346 = arith.index_cast %parallel_loop3A_345 : i32 to index
          %parallel_loop3A_347 = tpu.vector_load %arg13[%parallel_loop3A_346] {strides = array<i32>} : memref<2000xi32, #tpu.memory_space<vmem>>, vector<16xi32>,
          %parallel_loop3A_348 = arith.constant 208 : i32
          %parallel_loop3A_349 = arith.addi %parallel_loop3A_295, %parallel_loop3A_348 : i32
          %parallel_loop3A_350 = arith.index_cast %parallel_loop3A_349 : i32 to index
          %parallel_loop3A_351 = tpu.vector_load %arg13[%parallel_loop3A_350] {strides = array<i32>} : memref<2000xi32, #tpu.memory_space<vmem>>, vector<16xi32>,
          %parallel_loop3A_352 = arith.constant 224 : i32
          %parallel_loop3A_353 = arith.addi %parallel_loop3A_295, %parallel_loop3A_352 : i32
          %parallel_loop3A_354 = arith.index_cast %parallel_loop3A_353 : i32 to index
          %parallel_loop3A_355 = tpu.vector_load %arg13[%parallel_loop3A_354] {strides = array<i32>} : memref<2000xi32, #tpu.memory_space<vmem>>, vector<16xi32>,
          %parallel_loop3A_356 = arith.constant 240 : i32
          %parallel_loop3A_357 = arith.addi %parallel_loop3A_295, %parallel_loop3A_356 : i32
          %parallel_loop3A_358 = arith.index_cast %parallel_loop3A_357 : i32 to index
          %parallel_loop3A_359 = tpu.vector_load %arg13[%parallel_loop3A_358] {strides = array<i32>} : memref<2000xi32, #tpu.memory_space<vmem>>, vector<16xi32>,
          %parallel_loop3A_360 = arith.constant 256 : i32
          %parallel_loop3A_361 = arith.addi %parallel_loop3A_295, %parallel_loop3A_360 : i32
          %parallel_loop3A_362 = arith.index_cast %parallel_loop3A_361 : i32 to index
          %parallel_loop3A_363 = tpu.vector_load %arg13[%parallel_loop3A_362] {strides = array<i32>} : memref<2000xi32, #tpu.memory_space<vmem>>, vector<16xi32>,
          %parallel_loop3A_364 = arith.constant 272 : i32
          %parallel_loop3A_365 = arith.addi %parallel_loop3A_295, %parallel_loop3A_364 : i32
          %parallel_loop3A_366 = arith.index_cast %parallel_loop3A_365 : i32 to index
          %parallel_loop3A_367 = tpu.vector_load %arg13[%parallel_loop3A_366] {strides = array<i32>} : memref<2000xi32, #tpu.memory_space<vmem>>, vector<16xi32>,
          %parallel_loop3A_368 = arith.constant 288 : i32
          %parallel_loop3A_369 = arith.addi %parallel_loop3A_295, %parallel_loop3A_368 : i32
          %parallel_loop3A_370 = arith.index_cast %parallel_loop3A_369 : i32 to index
          %parallel_loop3A_371 = tpu.vector_load %arg13[%parallel_loop3A_370] {strides = array<i32>} : memref<2000xi32, #tpu.memory_space<vmem>>, vector<16xi32>,
          %parallel_loop3A_372 = arith.constant 304 : i32
          %parallel_loop3A_373 = arith.addi %parallel_loop3A_295, %parallel_loop3A_372 : i32
          %parallel_loop3A_374 = arith.index_cast %parallel_loop3A_373 : i32 to index
          %parallel_loop3A_375 = tpu.vector_load %arg13[%parallel_loop3A_374] {strides = array<i32>} : memref<2000xi32, #tpu.memory_space<vmem>>, vector<16xi32>,
          %parallel_loop3A_376 = arith.constant 320 : i32
          %parallel_loop3A_377 = arith.addi %parallel_loop3A_295, %parallel_loop3A_376 : i32
          %parallel_loop3A_378 = arith.index_cast %parallel_loop3A_377 : i32 to index
          %parallel_loop3A_379 = tpu.vector_load %arg13[%parallel_loop3A_378] {strides = array<i32>} : memref<2000xi32, #tpu.memory_space<vmem>>, vector<16xi32>,
          %parallel_loop3A_380 = arith.constant 336 : i32
          %parallel_loop3A_381 = arith.addi %parallel_loop3A_295, %parallel_loop3A_380 : i32
          %parallel_loop3A_382 = arith.index_cast %parallel_loop3A_381 : i32 to index
          %parallel_loop3A_383 = tpu.vector_load %arg13[%parallel_loop3A_382] {strides = array<i32>} : memref<2000xi32, #tpu.memory_space<vmem>>, vector<16xi32>,
          %parallel_loop3A_384 = arith.constant 352 : i32
          %parallel_loop3A_385 = arith.addi %parallel_loop3A_295, %parallel_loop3A_384 : i32
          %parallel_loop3A_386 = arith.index_cast %parallel_loop3A_385 : i32 to index
          %parallel_loop3A_387 = tpu.vector_load %arg13[%parallel_loop3A_386] {strides = array<i32>} : memref<2000xi32, #tpu.memory_space<vmem>>, vector<16xi32>,
          %parallel_loop3A_388 = arith.constant 368 : i32
          %parallel_loop3A_389 = arith.addi %parallel_loop3A_295, %parallel_loop3A_388 : i32
          %parallel_loop3A_390 = arith.index_cast %parallel_loop3A_389 : i32 to index
          %parallel_loop3A_391 = tpu.vector_load %arg13[%parallel_loop3A_390] {strides = array<i32>} : memref<2000xi32, #tpu.memory_space<vmem>>, vector<16xi32>,
          %parallel_loop3A_392 = arith.constant 384 : i32
          %parallel_loop3A_393 = arith.addi %parallel_loop3A_295, %parallel_loop3A_392 : i32
          %parallel_loop3A_394 = arith.index_cast %parallel_loop3A_393 : i32 to index
          %parallel_loop3A_395 = tpu.vector_load %arg13[%parallel_loop3A_394] {strides = array<i32>} : memref<2000xi32, #tpu.memory_space<vmem>>, vector<16xi32>,
          %parallel_loop3A_396 = arith.constant 0 : i32
          %parallel_loop3A_397 = arith.addi %parallel_loop3A_295, %parallel_loop3A_396 : i32
          %parallel_loop3A_398 = arith.index_cast %parallel_loop3A_397 : i32 to index
          %parallel_loop3A_399 = tpu.vector_load %arg15[%parallel_loop3A_398] {strides = array<i32>} : memref<2000xi32, #tpu.memory_space<vmem>>, vector<16xi32>,
          %parallel_loop3A_400 = arith.constant 16 : i32
          %parallel_loop3A_401 = arith.addi %parallel_loop3A_295, %parallel_loop3A_400 : i32
          %parallel_loop3A_402 = arith.index_cast %parallel_loop3A_401 : i32 to index
          %parallel_loop3A_403 = tpu.vector_load %arg15[%parallel_loop3A_402] {strides = array<i32>} : memref<2000xi32, #tpu.memory_space<vmem>>, vector<16xi32>,
          %parallel_loop3A_404 = arith.constant 32 : i32
          %parallel_loop3A_405 = arith.addi %parallel_loop3A_295, %parallel_loop3A_404 : i32
          %parallel_loop3A_406 = arith.index_cast %parallel_loop3A_405 : i32 to index
          %parallel_loop3A_407 = tpu.vector_load %arg15[%parallel_loop3A_406] {strides = array<i32>} : memref<2000xi32, #tpu.memory_space<vmem>>, vector<16xi32>,
          %parallel_loop3A_408 = arith.constant 48 : i32
          %parallel_loop3A_409 = arith.addi %parallel_loop3A_295, %parallel_loop3A_408 : i32
          %parallel_loop3A_410 = arith.index_cast %parallel_loop3A_409 : i32 to index
          %parallel_loop3A_411 = tpu.vector_load %arg15[%parallel_loop3A_410] {strides = array<i32>} : memref<2000xi32, #tpu.memory_space<vmem>>, vector<16xi32>,
          %parallel_loop3A_412 = arith.constant 64 : i32
          %parallel_loop3A_413 = arith.addi %parallel_loop3A_295, %parallel_loop3A_412 : i32
          %parallel_loop3A_414 = arith.index_cast %parallel_loop3A_413 : i32 to index
          %parallel_loop3A_415 = tpu.vector_load %arg15[%parallel_loop3A_414] {strides = array<i32>} : memref<2000xi32, #tpu.memory_space<vmem>>, vector<16xi32>,
          %parallel_loop3A_416 = arith.constant 80 : i32
          %parallel_loop3A_417 = arith.addi %parallel_loop3A_295, %parallel_loop3A_416 : i32
          %parallel_loop3A_418 = arith.index_cast %parallel_loop3A_417 : i32 to index
          %parallel_loop3A_419 = tpu.vector_load %arg15[%parallel_loop3A_418] {strides = array<i32>} : memref<2000xi32, #tpu.memory_space<vmem>>, vector<16xi32>,
          %parallel_loop3A_420 = arith.constant 96 : i32
          %parallel_loop3A_421 = arith.addi %parallel_loop3A_295, %parallel_loop3A_420 : i32
          %parallel_loop3A_422 = arith.index_cast %parallel_loop3A_421 : i32 to index
          %parallel_loop3A_423 = tpu.vector_load %arg15[%parallel_loop3A_422] {strides = array<i32>} : memref<2000xi32, #tpu.memory_space<vmem>>, vector<16xi32>,
          %parallel_loop3A_424 = arith.constant 112 : i32
          %parallel_loop3A_425 = arith.addi %parallel_loop3A_295, %parallel_loop3A_424 : i32
          %parallel_loop3A_426 = arith.index_cast %parallel_loop3A_425 : i32 to index
          %parallel_loop3A_427 = tpu.vector_load %arg15[%parallel_loop3A_426] {strides = array<i32>} : memref<2000xi32, #tpu.memory_space<vmem>>, vector<16xi32>,
          %parallel_loop3A_428 = arith.constant 128 : i32
          %parallel_loop3A_429 = arith.addi %parallel_loop3A_295, %parallel_loop3A_428 : i32
          %parallel_loop3A_430 = arith.index_cast %parallel_loop3A_429 : i32 to index
          %parallel_loop3A_431 = tpu.vector_load %arg15[%parallel_loop3A_430] {strides = array<i32>} : memref<2000xi32, #tpu.memory_space<vmem>>, vector<16xi32>,
          %parallel_loop3A_432 = arith.constant 144 : i32
          %parallel_loop3A_433 = arith.addi %parallel_loop3A_295, %parallel_loop3A_432 : i32
          %parallel_loop3A_434 = arith.index_cast %parallel_loop3A_433 : i32 to index
          %parallel_loop3A_435 = tpu.vector_load %arg15[%parallel_loop3A_434] {strides = array<i32>} : memref<2000xi32, #tpu.memory_space<vmem>>, vector<16xi32>,
          %parallel_loop3A_436 = arith.constant 160 : i32
          %parallel_loop3A_437 = arith.addi %parallel_loop3A_295, %parallel_loop3A_436 : i32
          %parallel_loop3A_438 = arith.index_cast %parallel_loop3A_437 : i32 to index
          %parallel_loop3A_439 = tpu.vector_load %arg15[%parallel_loop3A_438] {strides = array<i32>} : memref<2000xi32, #tpu.memory_space<vmem>>, vector<16xi32>,
          %parallel_loop3A_440 = arith.constant 176 : i32
          %parallel_loop3A_441 = arith.addi %parallel_loop3A_295, %parallel_loop3A_440 : i32
          %parallel_loop3A_442 = arith.index_cast %parallel_loop3A_441 : i32 to index
          %parallel_loop3A_443 = tpu.vector_load %arg15[%parallel_loop3A_442] {strides = array<i32>} : memref<2000xi32, #tpu.memory_space<vmem>>, vector<16xi32>,
          %parallel_loop3A_444 = arith.constant 192 : i32
          %parallel_loop3A_445 = arith.addi %parallel_loop3A_295, %parallel_loop3A_444 : i32
          %parallel_loop3A_446 = arith.index_cast %parallel_loop3A_445 : i32 to index
          %parallel_loop3A_447 = tpu.vector_load %arg15[%parallel_loop3A_446] {strides = array<i32>} : memref<2000xi32, #tpu.memory_space<vmem>>, vector<16xi32>,
          %parallel_loop3A_448 = arith.constant 208 : i32
          %parallel_loop3A_449 = arith.addi %parallel_loop3A_295, %parallel_loop3A_448 : i32
          %parallel_loop3A_450 = arith.index_cast %parallel_loop3A_449 : i32 to index
          %parallel_loop3A_451 = tpu.vector_load %arg15[%parallel_loop3A_450] {strides = array<i32>} : memref<2000xi32, #tpu.memory_space<vmem>>, vector<16xi32>,
          %parallel_loop3A_452 = arith.constant 224 : i32
          %parallel_loop3A_453 = arith.addi %parallel_loop3A_295, %parallel_loop3A_452 : i32
          %parallel_loop3A_454 = arith.index_cast %parallel_loop3A_453 : i32 to index
          %parallel_loop3A_455 = tpu.vector_load %arg15[%parallel_loop3A_454] {strides = array<i32>} : memref<2000xi32, #tpu.memory_space<vmem>>, vector<16xi32>,
          %parallel_loop3A_456 = arith.constant 240 : i32
          %parallel_loop3A_457 = arith.addi %parallel_loop3A_295, %parallel_loop3A_456 : i32
          %parallel_loop3A_458 = arith.index_cast %parallel_loop3A_457 : i32 to index
          %parallel_loop3A_459 = tpu.vector_load %arg15[%parallel_loop3A_458] {strides = array<i32>} : memref<2000xi32, #tpu.memory_space<vmem>>, vector<16xi32>,
          %parallel_loop3A_460 = arith.constant 256 : i32
          %parallel_loop3A_461 = arith.addi %parallel_loop3A_295, %parallel_loop3A_460 : i32
          %parallel_loop3A_462 = arith.index_cast %parallel_loop3A_461 : i32 to index
          %parallel_loop3A_463 = tpu.vector_load %arg15[%parallel_loop3A_462] {strides = array<i32>} : memref<2000xi32, #tpu.memory_space<vmem>>, vector<16xi32>,
          %parallel_loop3A_464 = arith.constant 272 : i32
          %parallel_loop3A_465 = arith.addi %parallel_loop3A_295, %parallel_loop3A_464 : i32
          %parallel_loop3A_466 = arith.index_cast %parallel_loop3A_465 : i32 to index
          %parallel_loop3A_467 = tpu.vector_load %arg15[%parallel_loop3A_466] {strides = array<i32>} : memref<2000xi32, #tpu.memory_space<vmem>>, vector<16xi32>,
          %parallel_loop3A_468 = arith.constant 288 : i32
          %parallel_loop3A_469 = arith.addi %parallel_loop3A_295, %parallel_loop3A_468 : i32
          %parallel_loop3A_470 = arith.index_cast %parallel_loop3A_469 : i32 to index
          %parallel_loop3A_471 = tpu.vector_load %arg15[%parallel_loop3A_470] {strides = array<i32>} : memref<2000xi32, #tpu.memory_space<vmem>>, vector<16xi32>,
          %parallel_loop3A_472 = arith.constant 304 : i32
          %parallel_loop3A_473 = arith.addi %parallel_loop3A_295, %parallel_loop3A_472 : i32
          %parallel_loop3A_474 = arith.index_cast %parallel_loop3A_473 : i32 to index
          %parallel_loop3A_475 = tpu.vector_load %arg15[%parallel_loop3A_474] {strides = array<i32>} : memref<2000xi32, #tpu.memory_space<vmem>>, vector<16xi32>,
          %parallel_loop3A_476 = arith.constant 320 : i32
          %parallel_loop3A_477 = arith.addi %parallel_loop3A_295, %parallel_loop3A_476 : i32
          %parallel_loop3A_478 = arith.index_cast %parallel_loop3A_477 : i32 to index
          %parallel_loop3A_479 = tpu.vector_load %arg15[%parallel_loop3A_478] {strides = array<i32>} : memref<2000xi32, #tpu.memory_space<vmem>>, vector<16xi32>,
          %parallel_loop3A_480 = arith.constant 336 : i32
          %parallel_loop3A_481 = arith.addi %parallel_loop3A_295, %parallel_loop3A_480 : i32
          %parallel_loop3A_482 = arith.index_cast %parallel_loop3A_481 : i32 to index
          %parallel_loop3A_483 = tpu.vector_load %arg15[%parallel_loop3A_482] {strides = array<i32>} : memref<2000xi32, #tpu.memory_space<vmem>>, vector<16xi32>,
          %parallel_loop3A_484 = arith.constant 352 : i32
          %parallel_loop3A_485 = arith.addi %parallel_loop3A_295, %parallel_loop3A_484 : i32
          %parallel_loop3A_486 = arith.index_cast %parallel_loop3A_485 : i32 to index
          %parallel_loop3A_487 = tpu.vector_load %arg15[%parallel_loop3A_486] {strides = array<i32>} : memref<2000xi32, #tpu.memory_space<vmem>>, vector<16xi32>,
          %parallel_loop3A_488 = arith.constant 368 : i32
          %parallel_loop3A_489 = arith.addi %parallel_loop3A_295, %parallel_loop3A_488 : i32
          %parallel_loop3A_490 = arith.index_cast %parallel_loop3A_489 : i32 to index
          %parallel_loop3A_491 = tpu.vector_load %arg15[%parallel_loop3A_490] {strides = array<i32>} : memref<2000xi32, #tpu.memory_space<vmem>>, vector<16xi32>,
          %parallel_loop3A_492 = arith.constant 384 : i32
          %parallel_loop3A_493 = arith.addi %parallel_loop3A_295, %parallel_loop3A_492 : i32
          %parallel_loop3A_494 = arith.index_cast %parallel_loop3A_493 : i32 to index
          %parallel_loop3A_495 = tpu.vector_load %arg15[%parallel_loop3A_494] {strides = array<i32>} : memref<2000xi32, #tpu.memory_space<vmem>>, vector<16xi32>,
          %parallel_loop3A_496 = tpu.vector_load_idx %arg10[%parallel_loop3A_299] : memref<50176xf32, #tpu.memory_space<vmem>>[vector<16xi32>], vector<16xf32>,
          %parallel_loop3A_497 = tpu.vector_load_idx %arg10[%parallel_loop3A_303] : memref<50176xf32, #tpu.memory_space<vmem>>[vector<16xi32>], vector<16xf32>,
          %parallel_loop3A_498 = tpu.vector_load_idx %arg10[%parallel_loop3A_307] : memref<50176xf32, #tpu.memory_space<vmem>>[vector<16xi32>], vector<16xf32>,
          %parallel_loop3A_499 = tpu.vector_load_idx %arg10[%parallel_loop3A_311] : memref<50176xf32, #tpu.memory_space<vmem>>[vector<16xi32>], vector<16xf32>,
          %parallel_loop3A_500 = tpu.vector_load_idx %arg10[%parallel_loop3A_315] : memref<50176xf32, #tpu.memory_space<vmem>>[vector<16xi32>], vector<16xf32>,
          %parallel_loop3A_501 = tpu.vector_load_idx %arg10[%parallel_loop3A_319] : memref<50176xf32, #tpu.memory_space<vmem>>[vector<16xi32>], vector<16xf32>,
          %parallel_loop3A_502 = tpu.vector_load_idx %arg10[%parallel_loop3A_323] : memref<50176xf32, #tpu.memory_space<vmem>>[vector<16xi32>], vector<16xf32>,
          %parallel_loop3A_503 = tpu.vector_load_idx %arg10[%parallel_loop3A_327] : memref<50176xf32, #tpu.memory_space<vmem>>[vector<16xi32>], vector<16xf32>,
          %parallel_loop3A_504 = tpu.vector_load_idx %arg10[%parallel_loop3A_331] : memref<50176xf32, #tpu.memory_space<vmem>>[vector<16xi32>], vector<16xf32>,
          %parallel_loop3A_505 = tpu.vector_load_idx %arg10[%parallel_loop3A_335] : memref<50176xf32, #tpu.memory_space<vmem>>[vector<16xi32>], vector<16xf32>,
          %parallel_loop3A_506 = tpu.vector_load_idx %arg10[%parallel_loop3A_339] : memref<50176xf32, #tpu.memory_space<vmem>>[vector<16xi32>], vector<16xf32>,
          %parallel_loop3A_507 = tpu.vector_load_idx %arg10[%parallel_loop3A_343] : memref<50176xf32, #tpu.memory_space<vmem>>[vector<16xi32>], vector<16xf32>,
          %parallel_loop3A_508 = tpu.vector_load_idx %arg10[%parallel_loop3A_347] : memref<50176xf32, #tpu.memory_space<vmem>>[vector<16xi32>], vector<16xf32>,
          %parallel_loop3A_509 = tpu.vector_load_idx %arg10[%parallel_loop3A_351] : memref<50176xf32, #tpu.memory_space<vmem>>[vector<16xi32>], vector<16xf32>,
          %parallel_loop3A_510 = tpu.vector_load_idx %arg10[%parallel_loop3A_355] : memref<50176xf32, #tpu.memory_space<vmem>>[vector<16xi32>], vector<16xf32>,
          %parallel_loop3A_511 = tpu.vector_load_idx %arg10[%parallel_loop3A_359] : memref<50176xf32, #tpu.memory_space<vmem>>[vector<16xi32>], vector<16xf32>,
          %parallel_loop3A_512 = tpu.vector_load_idx %arg10[%parallel_loop3A_363] : memref<50176xf32, #tpu.memory_space<vmem>>[vector<16xi32>], vector<16xf32>,
          %parallel_loop3A_513 = tpu.vector_load_idx %arg10[%parallel_loop3A_367] : memref<50176xf32, #tpu.memory_space<vmem>>[vector<16xi32>], vector<16xf32>,
          %parallel_loop3A_514 = tpu.vector_load_idx %arg10[%parallel_loop3A_371] : memref<50176xf32, #tpu.memory_space<vmem>>[vector<16xi32>], vector<16xf32>,
          %parallel_loop3A_515 = tpu.vector_load_idx %arg10[%parallel_loop3A_375] : memref<50176xf32, #tpu.memory_space<vmem>>[vector<16xi32>], vector<16xf32>,
          %parallel_loop3A_516 = tpu.vector_load_idx %arg10[%parallel_loop3A_379] : memref<50176xf32, #tpu.memory_space<vmem>>[vector<16xi32>], vector<16xf32>,
          %parallel_loop3A_517 = tpu.vector_load_idx %arg10[%parallel_loop3A_383] : memref<50176xf32, #tpu.memory_space<vmem>>[vector<16xi32>], vector<16xf32>,
          %parallel_loop3A_518 = tpu.vector_load_idx %arg10[%parallel_loop3A_387] : memref<50176xf32, #tpu.memory_space<vmem>>[vector<16xi32>], vector<16xf32>,
          %parallel_loop3A_519 = tpu.vector_load_idx %arg10[%parallel_loop3A_391] : memref<50176xf32, #tpu.memory_space<vmem>>[vector<16xi32>], vector<16xf32>,
          %parallel_loop3A_520 = tpu.vector_load_idx %arg10[%parallel_loop3A_395] : memref<50176xf32, #tpu.memory_space<vmem>>[vector<16xi32>], vector<16xf32>,
          tpu.vector_store_idx %arg11[%parallel_loop3A_399], %parallel_loop3A_496 {add = true} : memref<50176xf32, #tpu.memory_space<vmem>>[vector<16xi32>], vector<16xf32>,
          tpu.vector_store_idx %arg11[%parallel_loop3A_403], %parallel_loop3A_497 {add = true} : memref<50176xf32, #tpu.memory_space<vmem>>[vector<16xi32>], vector<16xf32>,
          tpu.vector_store_idx %arg11[%parallel_loop3A_407], %parallel_loop3A_498 {add = true} : memref<50176xf32, #tpu.memory_space<vmem>>[vector<16xi32>], vector<16xf32>,
          tpu.vector_store_idx %arg11[%parallel_loop3A_411], %parallel_loop3A_499 {add = true} : memref<50176xf32, #tpu.memory_space<vmem>>[vector<16xi32>], vector<16xf32>,
          tpu.vector_store_idx %arg11[%parallel_loop3A_415], %parallel_loop3A_500 {add = true} : memref<50176xf32, #tpu.memory_space<vmem>>[vector<16xi32>], vector<16xf32>,
          tpu.vector_store_idx %arg11[%parallel_loop3A_419], %parallel_loop3A_501 {add = true} : memref<50176xf32, #tpu.memory_space<vmem>>[vector<16xi32>], vector<16xf32>,
          tpu.vector_store_idx %arg11[%parallel_loop3A_423], %parallel_loop3A_502 {add = true} : memref<50176xf32, #tpu.memory_space<vmem>>[vector<16xi32>], vector<16xf32>,
          tpu.vector_store_idx %arg11[%parallel_loop3A_427], %parallel_loop3A_503 {add = true} : memref<50176xf32, #tpu.memory_space<vmem>>[vector<16xi32>], vector<16xf32>,
          tpu.vector_store_idx %arg11[%parallel_loop3A_431], %parallel_loop3A_504 {add = true} : memref<50176xf32, #tpu.memory_space<vmem>>[vector<16xi32>], vector<16xf32>,
          tpu.vector_store_idx %arg11[%parallel_loop3A_435], %parallel_loop3A_505 {add = true} : memref<50176xf32, #tpu.memory_space<vmem>>[vector<16xi32>], vector<16xf32>,
          tpu.vector_store_idx %arg11[%parallel_loop3A_439], %parallel_loop3A_506 {add = true} : memref<50176xf32, #tpu.memory_space<vmem>>[vector<16xi32>], vector<16xf32>,
          tpu.vector_store_idx %arg11[%parallel_loop3A_443], %parallel_loop3A_507 {add = true} : memref<50176xf32, #tpu.memory_space<vmem>>[vector<16xi32>], vector<16xf32>,
          tpu.vector_store_idx %arg11[%parallel_loop3A_447], %parallel_loop3A_508 {add = true} : memref<50176xf32, #tpu.memory_space<vmem>>[vector<16xi32>], vector<16xf32>,
          tpu.vector_store_idx %arg11[%parallel_loop3A_451], %parallel_loop3A_509 {add = true} : memref<50176xf32, #tpu.memory_space<vmem>>[vector<16xi32>], vector<16xf32>,
          tpu.vector_store_idx %arg11[%parallel_loop3A_455], %parallel_loop3A_510 {add = true} : memref<50176xf32, #tpu.memory_space<vmem>>[vector<16xi32>], vector<16xf32>,
          tpu.vector_store_idx %arg11[%parallel_loop3A_459], %parallel_loop3A_511 {add = true} : memref<50176xf32, #tpu.memory_space<vmem>>[vector<16xi32>], vector<16xf32>,
          tpu.vector_store_idx %arg11[%parallel_loop3A_463], %parallel_loop3A_512 {add = true} : memref<50176xf32, #tpu.memory_space<vmem>>[vector<16xi32>], vector<16xf32>,
          tpu.vector_store_idx %arg11[%parallel_loop3A_467], %parallel_loop3A_513 {add = true} : memref<50176xf32, #tpu.memory_space<vmem>>[vector<16xi32>], vector<16xf32>,
          tpu.vector_store_idx %arg11[%parallel_loop3A_471], %parallel_loop3A_514 {add = true} : memref<50176xf32, #tpu.memory_space<vmem>>[vector<16xi32>], vector<16xf32>,
          tpu.vector_store_idx %arg11[%parallel_loop3A_475], %parallel_loop3A_515 {add = true} : memref<50176xf32, #tpu.memory_space<vmem>>[vector<16xi32>], vector<16xf32>,
          tpu.vector_store_idx %arg11[%parallel_loop3A_479], %parallel_loop3A_516 {add = true} : memref<50176xf32, #tpu.memory_space<vmem>>[vector<16xi32>], vector<16xf32>,
          tpu.vector_store_idx %arg11[%parallel_loop3A_483], %parallel_loop3A_517 {add = true} : memref<50176xf32, #tpu.memory_space<vmem>>[vector<16xi32>], vector<16xf32>,
          tpu.vector_store_idx %arg11[%parallel_loop3A_487], %parallel_loop3A_518 {add = true} : memref<50176xf32, #tpu.memory_space<vmem>>[vector<16xi32>], vector<16xf32>,
          tpu.vector_store_idx %arg11[%parallel_loop3A_491], %parallel_loop3A_519 {add = true} : memref<50176xf32, #tpu.memory_space<vmem>>[vector<16xi32>], vector<16xf32>,
          tpu.vector_store_idx %arg11[%parallel_loop3A_495], %parallel_loop3A_520 {add = true} : memref<50176xf32, #tpu.memory_space<vmem>>[vector<16xi32>], vector<16xf32>,
        } {sc.loop_unroll_factor = 1 : i64, sc.parallel_access}
      }
      %scan3A_68 = arith.constant 25 : i32
      "tpu.trace_stop"() : () -> ()
      "tpu.trace_start"() <{level = 10 : i32, message = "ph_reduce"}> : () -> ()
      %mul3A_69 = arith.constant 50176 : i32
      %mul3A_70 = arith.muli %arg1, %mul3A_69 : i32
      "tpu.region"() ({
        %run_scoped3A = tpu.sem_alloc : memref<!tpu.dma_semaphore, #tpu.memory_space<semaphore_mem>>
        %dma_start3A_244 = tpu.memref_slice %arg9[%mul3A_70] : memref<802816xf32, #tpu.memory_space<hbm>> -> memref<50176xf32, #tpu.memory_space<hbm>>
        %dma_start3A_245 = tpu.memref_slice %arg9[%mul3A_70] : memref<802816xf32, #tpu.memory_space<hbm>> -> memref<50176xf32, #tpu.memory_space<hbm>>
        tpu.enqueue_dma source(%arg11 : memref<50176xf32, #tpu.memory_space<vmem>>) target(%dma_start3A_245 : memref<50176xf32, #tpu.memory_space<hbm>>) target_semaphore(%run_scoped3A : memref<!tpu.dma_semaphore, #tpu.memory_space<semaphore_mem>>)
        %dma_wait3A_246 = tpu.memref_slice %arg9[%mul3A_70] : memref<802816xf32, #tpu.memory_space<hbm>> -> memref<50176xf32, #tpu.memory_space<hbm>>
        %dma_wait3A_247 = tpu.memref_slice %arg9[%mul3A_70] : memref<802816xf32, #tpu.memory_space<hbm>> -> memref<50176xf32, #tpu.memory_space<hbm>>
        tpu.wait_dma2 semaphore(%run_scoped3A : memref<!tpu.dma_semaphore, #tpu.memory_space<semaphore_mem>>) src(%arg11 : memref<50176xf32, #tpu.memory_space<vmem>>) dst(%dma_wait3A_247 : memref<50176xf32, #tpu.memory_space<hbm>>)
        tpu.yield
      }) : () -> ()
      %barrier3A_71 = arith.constant 0 : index
      tpu.barrier barrier_id(%barrier3A_71)
      %add3A_72 = arith.constant 0 : i32
      %add3A_73 = arith.addi %add3A_72, %mul3A_0 : i32
      %dma_start3A_74 = tpu.memref_slice %arg9[%add3A_73] : memref<802816xf32, #tpu.memory_space<hbm>> -> memref<3136xf32, #tpu.memory_space<hbm>>
      %dma_start3A_75 = tpu.memref_slice %arg9[%add3A_73] : memref<802816xf32, #tpu.memory_space<hbm>> -> memref<3136xf32, #tpu.memory_space<hbm>>
      tpu.enqueue_dma source(%dma_start3A_75 : memref<3136xf32, #tpu.memory_space<hbm>>) target(%arg16 : memref<3136xf32, #tpu.memory_space<vmem>>) target_semaphore(%arg26 : memref<!tpu.dma_semaphore, #tpu.memory_space<semaphore_mem>>)
      %dma_wait3A = tpu.memref_slice %arg9[%mul3A_0] : memref<802816xf32, #tpu.memory_space<hbm>> -> memref<3136xf32, #tpu.memory_space<hbm>>
      %dma_wait3A_76 = tpu.memref_slice %arg9[%mul3A_0] : memref<802816xf32, #tpu.memory_space<hbm>> -> memref<3136xf32, #tpu.memory_space<hbm>>
      tpu.wait_dma2 semaphore(%arg26 : memref<!tpu.dma_semaphore, #tpu.memory_space<semaphore_mem>>) src(%dma_wait3A_76 : memref<3136xf32, #tpu.memory_space<hbm>>) dst(%arg16 : memref<3136xf32, #tpu.memory_space<vmem>>)
      %add3A_77 = arith.constant 50176 : i32
      %add3A_78 = arith.addi %add3A_77, %mul3A_0 : i32
      %dma_start3A_79 = tpu.memref_slice %arg9[%add3A_78] : memref<802816xf32, #tpu.memory_space<hbm>> -> memref<3136xf32, #tpu.memory_space<hbm>>
      %dma_start3A_80 = tpu.memref_slice %arg9[%add3A_78] : memref<802816xf32, #tpu.memory_space<hbm>> -> memref<3136xf32, #tpu.memory_space<hbm>>
      tpu.enqueue_dma source(%dma_start3A_80 : memref<3136xf32, #tpu.memory_space<hbm>>) target(%arg17 : memref<3136xf32, #tpu.memory_space<vmem>>) target_semaphore(%arg27 : memref<!tpu.dma_semaphore, #tpu.memory_space<semaphore_mem>>)
      %parallel_loop3A_81 = arith.constant 0 : i32
      %parallel_loop3A_82 = arith.constant 3136 : i32
      %parallel_loop3A_83 = arith.constant 16 : i32
      scf.for %parallel_loop3A_244 = %parallel_loop3A_81 to %parallel_loop3A_82 step %parallel_loop3A_83  : i32 {
        %parallel_loop3A_245 = arith.index_cast %parallel_loop3A_244 : i32 to index
        %parallel_loop3A_246 = tpu.vector_load %arg16[%parallel_loop3A_245] {strides = array<i32>} : memref<3136xf32, #tpu.memory_space<vmem>>, vector<16xf32>,
        %parallel_loop3A_247 = arith.addi %mul3A_0, %parallel_loop3A_244 : i32
        %parallel_loop3A_248 = arith.index_cast %parallel_loop3A_247 : i32 to index
        %parallel_loop3A_249 = tpu.vector_load %arg11[%parallel_loop3A_248] {strides = array<i32>} : memref<50176xf32, #tpu.memory_space<vmem>>, vector<16xf32>,
        tpu.vector_store %arg11[%parallel_loop3A_248], %parallel_loop3A_246 {strides = array<i32>} : memref<50176xf32, #tpu.memory_space<vmem>>, vector<16xf32>,
      } {sc.loop_unroll_factor = 8 : i64, sc.parallel_access}
      %dma_wait3A_84 = tpu.memref_slice %arg9[%mul3A_0] : memref<802816xf32, #tpu.memory_space<hbm>> -> memref<3136xf32, #tpu.memory_space<hbm>>
      %dma_wait3A_85 = tpu.memref_slice %arg9[%mul3A_0] : memref<802816xf32, #tpu.memory_space<hbm>> -> memref<3136xf32, #tpu.memory_space<hbm>>
      tpu.wait_dma2 semaphore(%arg27 : memref<!tpu.dma_semaphore, #tpu.memory_space<semaphore_mem>>) src(%dma_wait3A_85 : memref<3136xf32, #tpu.memory_space<hbm>>) dst(%arg17 : memref<3136xf32, #tpu.memory_space<vmem>>)
      %add3A_86 = arith.constant 100352 : i32
      %add3A_87 = arith.addi %add3A_86, %mul3A_0 : i32
      %dma_start3A_88 = tpu.memref_slice %arg9[%add3A_87] : memref<802816xf32, #tpu.memory_space<hbm>> -> memref<3136xf32, #tpu.memory_space<hbm>>
      %dma_start3A_89 = tpu.memref_slice %arg9[%add3A_87] : memref<802816xf32, #tpu.memory_space<hbm>> -> memref<3136xf32, #tpu.memory_space<hbm>>
      tpu.enqueue_dma source(%dma_start3A_89 : memref<3136xf32, #tpu.memory_space<hbm>>) target(%arg16 : memref<3136xf32, #tpu.memory_space<vmem>>) target_semaphore(%arg26 : memref<!tpu.dma_semaphore, #tpu.memory_space<semaphore_mem>>)
      %parallel_loop3A_90 = arith.constant 0 : i32
      %parallel_loop3A_91 = arith.constant 3136 : i32
      %parallel_loop3A_92 = arith.constant 16 : i32
      scf.for %parallel_loop3A_244 = %parallel_loop3A_90 to %parallel_loop3A_91 step %parallel_loop3A_92  : i32 {
        %parallel_loop3A_245 = arith.addi %mul3A_0, %parallel_loop3A_244 : i32
        %parallel_loop3A_246 = arith.index_cast %parallel_loop3A_245 : i32 to index
        %parallel_loop3A_247 = tpu.vector_load %arg11[%parallel_loop3A_246] {strides = array<i32>} : memref<50176xf32, #tpu.memory_space<vmem>>, vector<16xf32>,
        %parallel_loop3A_248 = arith.index_cast %parallel_loop3A_244 : i32 to index
        %parallel_loop3A_249 = tpu.vector_load %arg17[%parallel_loop3A_248] {strides = array<i32>} : memref<3136xf32, #tpu.memory_space<vmem>>, vector<16xf32>,
        %parallel_loop3A_250 = arith.addf %parallel_loop3A_247, %parallel_loop3A_249 : vector<16xf32>
        %parallel_loop3A_251 = arith.addi %mul3A_0, %parallel_loop3A_244 : i32
        %parallel_loop3A_252 = arith.index_cast %parallel_loop3A_251 : i32 to index
        %parallel_loop3A_253 = tpu.vector_load %arg11[%parallel_loop3A_252] {strides = array<i32>} : memref<50176xf32, #tpu.memory_space<vmem>>, vector<16xf32>,
        tpu.vector_store %arg11[%parallel_loop3A_252], %parallel_loop3A_250 {strides = array<i32>} : memref<50176xf32, #tpu.memory_space<vmem>>, vector<16xf32>,
      } {sc.loop_unroll_factor = 8 : i64, sc.parallel_access}
      %dma_wait3A_93 = tpu.memref_slice %arg9[%mul3A_0] : memref<802816xf32, #tpu.memory_space<hbm>> -> memref<3136xf32, #tpu.memory_space<hbm>>
      %dma_wait3A_94 = tpu.memref_slice %arg9[%mul3A_0] : memref<802816xf32, #tpu.memory_space<hbm>> -> memref<3136xf32, #tpu.memory_space<hbm>>
      tpu.wait_dma2 semaphore(%arg26 : memref<!tpu.dma_semaphore, #tpu.memory_space<semaphore_mem>>) src(%dma_wait3A_94 : memref<3136xf32, #tpu.memory_space<hbm>>) dst(%arg16 : memref<3136xf32, #tpu.memory_space<vmem>>)
      %add3A_95 = arith.constant 150528 : i32
      %add3A_96 = arith.addi %add3A_95, %mul3A_0 : i32
      %dma_start3A_97 = tpu.memref_slice %arg9[%add3A_96] : memref<802816xf32, #tpu.memory_space<hbm>> -> memref<3136xf32, #tpu.memory_space<hbm>>
      %dma_start3A_98 = tpu.memref_slice %arg9[%add3A_96] : memref<802816xf32, #tpu.memory_space<hbm>> -> memref<3136xf32, #tpu.memory_space<hbm>>
      tpu.enqueue_dma source(%dma_start3A_98 : memref<3136xf32, #tpu.memory_space<hbm>>) target(%arg17 : memref<3136xf32, #tpu.memory_space<vmem>>) target_semaphore(%arg27 : memref<!tpu.dma_semaphore, #tpu.memory_space<semaphore_mem>>)
      %parallel_loop3A_99 = arith.constant 0 : i32
      %parallel_loop3A_100 = arith.constant 3136 : i32
      %parallel_loop3A_101 = arith.constant 16 : i32
      scf.for %parallel_loop3A_244 = %parallel_loop3A_99 to %parallel_loop3A_100 step %parallel_loop3A_101  : i32 {
        %parallel_loop3A_245 = arith.addi %mul3A_0, %parallel_loop3A_244 : i32
        %parallel_loop3A_246 = arith.index_cast %parallel_loop3A_245 : i32 to index
        %parallel_loop3A_247 = tpu.vector_load %arg11[%parallel_loop3A_246] {strides = array<i32>} : memref<50176xf32, #tpu.memory_space<vmem>>, vector<16xf32>,
        %parallel_loop3A_248 = arith.index_cast %parallel_loop3A_244 : i32 to index
        %parallel_loop3A_249 = tpu.vector_load %arg16[%parallel_loop3A_248] {strides = array<i32>} : memref<3136xf32, #tpu.memory_space<vmem>>, vector<16xf32>,
        %parallel_loop3A_250 = arith.addf %parallel_loop3A_247, %parallel_loop3A_249 : vector<16xf32>
        %parallel_loop3A_251 = arith.addi %mul3A_0, %parallel_loop3A_244 : i32
        %parallel_loop3A_252 = arith.index_cast %parallel_loop3A_251 : i32 to index
        %parallel_loop3A_253 = tpu.vector_load %arg11[%parallel_loop3A_252] {strides = array<i32>} : memref<50176xf32, #tpu.memory_space<vmem>>, vector<16xf32>,
        tpu.vector_store %arg11[%parallel_loop3A_252], %parallel_loop3A_250 {strides = array<i32>} : memref<50176xf32, #tpu.memory_space<vmem>>, vector<16xf32>,
      } {sc.loop_unroll_factor = 8 : i64, sc.parallel_access}
      %dma_wait3A_102 = tpu.memref_slice %arg9[%mul3A_0] : memref<802816xf32, #tpu.memory_space<hbm>> -> memref<3136xf32, #tpu.memory_space<hbm>>
      %dma_wait3A_103 = tpu.memref_slice %arg9[%mul3A_0] : memref<802816xf32, #tpu.memory_space<hbm>> -> memref<3136xf32, #tpu.memory_space<hbm>>
      tpu.wait_dma2 semaphore(%arg27 : memref<!tpu.dma_semaphore, #tpu.memory_space<semaphore_mem>>) src(%dma_wait3A_103 : memref<3136xf32, #tpu.memory_space<hbm>>) dst(%arg17 : memref<3136xf32, #tpu.memory_space<vmem>>)
      %add3A_104 = arith.constant 200704 : i32
      %add3A_105 = arith.addi %add3A_104, %mul3A_0 : i32
      %dma_start3A_106 = tpu.memref_slice %arg9[%add3A_105] : memref<802816xf32, #tpu.memory_space<hbm>> -> memref<3136xf32, #tpu.memory_space<hbm>>
      %dma_start3A_107 = tpu.memref_slice %arg9[%add3A_105] : memref<802816xf32, #tpu.memory_space<hbm>> -> memref<3136xf32, #tpu.memory_space<hbm>>
      tpu.enqueue_dma source(%dma_start3A_107 : memref<3136xf32, #tpu.memory_space<hbm>>) target(%arg16 : memref<3136xf32, #tpu.memory_space<vmem>>) target_semaphore(%arg26 : memref<!tpu.dma_semaphore, #tpu.memory_space<semaphore_mem>>)
      %parallel_loop3A_108 = arith.constant 0 : i32
      %parallel_loop3A_109 = arith.constant 3136 : i32
      %parallel_loop3A_110 = arith.constant 16 : i32
      scf.for %parallel_loop3A_244 = %parallel_loop3A_108 to %parallel_loop3A_109 step %parallel_loop3A_110  : i32 {
        %parallel_loop3A_245 = arith.addi %mul3A_0, %parallel_loop3A_244 : i32
        %parallel_loop3A_246 = arith.index_cast %parallel_loop3A_245 : i32 to index
        %parallel_loop3A_247 = tpu.vector_load %arg11[%parallel_loop3A_246] {strides = array<i32>} : memref<50176xf32, #tpu.memory_space<vmem>>, vector<16xf32>,
        %parallel_loop3A_248 = arith.index_cast %parallel_loop3A_244 : i32 to index
        %parallel_loop3A_249 = tpu.vector_load %arg17[%parallel_loop3A_248] {strides = array<i32>} : memref<3136xf32, #tpu.memory_space<vmem>>, vector<16xf32>,
        %parallel_loop3A_250 = arith.addf %parallel_loop3A_247, %parallel_loop3A_249 : vector<16xf32>
        %parallel_loop3A_251 = arith.addi %mul3A_0, %parallel_loop3A_244 : i32
        %parallel_loop3A_252 = arith.index_cast %parallel_loop3A_251 : i32 to index
        %parallel_loop3A_253 = tpu.vector_load %arg11[%parallel_loop3A_252] {strides = array<i32>} : memref<50176xf32, #tpu.memory_space<vmem>>, vector<16xf32>,
        tpu.vector_store %arg11[%parallel_loop3A_252], %parallel_loop3A_250 {strides = array<i32>} : memref<50176xf32, #tpu.memory_space<vmem>>, vector<16xf32>,
      } {sc.loop_unroll_factor = 8 : i64, sc.parallel_access}
      %dma_wait3A_111 = tpu.memref_slice %arg9[%mul3A_0] : memref<802816xf32, #tpu.memory_space<hbm>> -> memref<3136xf32, #tpu.memory_space<hbm>>
      %dma_wait3A_112 = tpu.memref_slice %arg9[%mul3A_0] : memref<802816xf32, #tpu.memory_space<hbm>> -> memref<3136xf32, #tpu.memory_space<hbm>>
      tpu.wait_dma2 semaphore(%arg26 : memref<!tpu.dma_semaphore, #tpu.memory_space<semaphore_mem>>) src(%dma_wait3A_112 : memref<3136xf32, #tpu.memory_space<hbm>>) dst(%arg16 : memref<3136xf32, #tpu.memory_space<vmem>>)
      %add3A_113 = arith.constant 250880 : i32
      %add3A_114 = arith.addi %add3A_113, %mul3A_0 : i32
      %dma_start3A_115 = tpu.memref_slice %arg9[%add3A_114] : memref<802816xf32, #tpu.memory_space<hbm>> -> memref<3136xf32, #tpu.memory_space<hbm>>
      %dma_start3A_116 = tpu.memref_slice %arg9[%add3A_114] : memref<802816xf32, #tpu.memory_space<hbm>> -> memref<3136xf32, #tpu.memory_space<hbm>>
      tpu.enqueue_dma source(%dma_start3A_116 : memref<3136xf32, #tpu.memory_space<hbm>>) target(%arg17 : memref<3136xf32, #tpu.memory_space<vmem>>) target_semaphore(%arg27 : memref<!tpu.dma_semaphore, #tpu.memory_space<semaphore_mem>>)
      %parallel_loop3A_117 = arith.constant 0 : i32
      %parallel_loop3A_118 = arith.constant 3136 : i32
      %parallel_loop3A_119 = arith.constant 16 : i32
      scf.for %parallel_loop3A_244 = %parallel_loop3A_117 to %parallel_loop3A_118 step %parallel_loop3A_119  : i32 {
        %parallel_loop3A_245 = arith.addi %mul3A_0, %parallel_loop3A_244 : i32
        %parallel_loop3A_246 = arith.index_cast %parallel_loop3A_245 : i32 to index
        %parallel_loop3A_247 = tpu.vector_load %arg11[%parallel_loop3A_246] {strides = array<i32>} : memref<50176xf32, #tpu.memory_space<vmem>>, vector<16xf32>,
        %parallel_loop3A_248 = arith.index_cast %parallel_loop3A_244 : i32 to index
        %parallel_loop3A_249 = tpu.vector_load %arg16[%parallel_loop3A_248] {strides = array<i32>} : memref<3136xf32, #tpu.memory_space<vmem>>, vector<16xf32>,
        %parallel_loop3A_250 = arith.addf %parallel_loop3A_247, %parallel_loop3A_249 : vector<16xf32>
        %parallel_loop3A_251 = arith.addi %mul3A_0, %parallel_loop3A_244 : i32
        %parallel_loop3A_252 = arith.index_cast %parallel_loop3A_251 : i32 to index
        %parallel_loop3A_253 = tpu.vector_load %arg11[%parallel_loop3A_252] {strides = array<i32>} : memref<50176xf32, #tpu.memory_space<vmem>>, vector<16xf32>,
        tpu.vector_store %arg11[%parallel_loop3A_252], %parallel_loop3A_250 {strides = array<i32>} : memref<50176xf32, #tpu.memory_space<vmem>>, vector<16xf32>,
      } {sc.loop_unroll_factor = 8 : i64, sc.parallel_access}
      %dma_wait3A_120 = tpu.memref_slice %arg9[%mul3A_0] : memref<802816xf32, #tpu.memory_space<hbm>> -> memref<3136xf32, #tpu.memory_space<hbm>>
      %dma_wait3A_121 = tpu.memref_slice %arg9[%mul3A_0] : memref<802816xf32, #tpu.memory_space<hbm>> -> memref<3136xf32, #tpu.memory_space<hbm>>
      tpu.wait_dma2 semaphore(%arg27 : memref<!tpu.dma_semaphore, #tpu.memory_space<semaphore_mem>>) src(%dma_wait3A_121 : memref<3136xf32, #tpu.memory_space<hbm>>) dst(%arg17 : memref<3136xf32, #tpu.memory_space<vmem>>)
      %add3A_122 = arith.constant 301056 : i32
      %add3A_123 = arith.addi %add3A_122, %mul3A_0 : i32
      %dma_start3A_124 = tpu.memref_slice %arg9[%add3A_123] : memref<802816xf32, #tpu.memory_space<hbm>> -> memref<3136xf32, #tpu.memory_space<hbm>>
      %dma_start3A_125 = tpu.memref_slice %arg9[%add3A_123] : memref<802816xf32, #tpu.memory_space<hbm>> -> memref<3136xf32, #tpu.memory_space<hbm>>
      tpu.enqueue_dma source(%dma_start3A_125 : memref<3136xf32, #tpu.memory_space<hbm>>) target(%arg16 : memref<3136xf32, #tpu.memory_space<vmem>>) target_semaphore(%arg26 : memref<!tpu.dma_semaphore, #tpu.memory_space<semaphore_mem>>)
      %parallel_loop3A_126 = arith.constant 0 : i32
      %parallel_loop3A_127 = arith.constant 3136 : i32
      %parallel_loop3A_128 = arith.constant 16 : i32
      scf.for %parallel_loop3A_244 = %parallel_loop3A_126 to %parallel_loop3A_127 step %parallel_loop3A_128  : i32 {
        %parallel_loop3A_245 = arith.addi %mul3A_0, %parallel_loop3A_244 : i32
        %parallel_loop3A_246 = arith.index_cast %parallel_loop3A_245 : i32 to index
        %parallel_loop3A_247 = tpu.vector_load %arg11[%parallel_loop3A_246] {strides = array<i32>} : memref<50176xf32, #tpu.memory_space<vmem>>, vector<16xf32>,
        %parallel_loop3A_248 = arith.index_cast %parallel_loop3A_244 : i32 to index
        %parallel_loop3A_249 = tpu.vector_load %arg17[%parallel_loop3A_248] {strides = array<i32>} : memref<3136xf32, #tpu.memory_space<vmem>>, vector<16xf32>,
        %parallel_loop3A_250 = arith.addf %parallel_loop3A_247, %parallel_loop3A_249 : vector<16xf32>
        %parallel_loop3A_251 = arith.addi %mul3A_0, %parallel_loop3A_244 : i32
        %parallel_loop3A_252 = arith.index_cast %parallel_loop3A_251 : i32 to index
        %parallel_loop3A_253 = tpu.vector_load %arg11[%parallel_loop3A_252] {strides = array<i32>} : memref<50176xf32, #tpu.memory_space<vmem>>, vector<16xf32>,
        tpu.vector_store %arg11[%parallel_loop3A_252], %parallel_loop3A_250 {strides = array<i32>} : memref<50176xf32, #tpu.memory_space<vmem>>, vector<16xf32>,
      } {sc.loop_unroll_factor = 8 : i64, sc.parallel_access}
      %dma_wait3A_129 = tpu.memref_slice %arg9[%mul3A_0] : memref<802816xf32, #tpu.memory_space<hbm>> -> memref<3136xf32, #tpu.memory_space<hbm>>
      %dma_wait3A_130 = tpu.memref_slice %arg9[%mul3A_0] : memref<802816xf32, #tpu.memory_space<hbm>> -> memref<3136xf32, #tpu.memory_space<hbm>>
      tpu.wait_dma2 semaphore(%arg26 : memref<!tpu.dma_semaphore, #tpu.memory_space<semaphore_mem>>) src(%dma_wait3A_130 : memref<3136xf32, #tpu.memory_space<hbm>>) dst(%arg16 : memref<3136xf32, #tpu.memory_space<vmem>>)
      %add3A_131 = arith.constant 351232 : i32
      %add3A_132 = arith.addi %add3A_131, %mul3A_0 : i32
      %dma_start3A_133 = tpu.memref_slice %arg9[%add3A_132] : memref<802816xf32, #tpu.memory_space<hbm>> -> memref<3136xf32, #tpu.memory_space<hbm>>
      %dma_start3A_134 = tpu.memref_slice %arg9[%add3A_132] : memref<802816xf32, #tpu.memory_space<hbm>> -> memref<3136xf32, #tpu.memory_space<hbm>>
      tpu.enqueue_dma source(%dma_start3A_134 : memref<3136xf32, #tpu.memory_space<hbm>>) target(%arg17 : memref<3136xf32, #tpu.memory_space<vmem>>) target_semaphore(%arg27 : memref<!tpu.dma_semaphore, #tpu.memory_space<semaphore_mem>>)
      %parallel_loop3A_135 = arith.constant 0 : i32
      %parallel_loop3A_136 = arith.constant 3136 : i32
      %parallel_loop3A_137 = arith.constant 16 : i32
      scf.for %parallel_loop3A_244 = %parallel_loop3A_135 to %parallel_loop3A_136 step %parallel_loop3A_137  : i32 {
        %parallel_loop3A_245 = arith.addi %mul3A_0, %parallel_loop3A_244 : i32
        %parallel_loop3A_246 = arith.index_cast %parallel_loop3A_245 : i32 to index
        %parallel_loop3A_247 = tpu.vector_load %arg11[%parallel_loop3A_246] {strides = array<i32>} : memref<50176xf32, #tpu.memory_space<vmem>>, vector<16xf32>,
        %parallel_loop3A_248 = arith.index_cast %parallel_loop3A_244 : i32 to index
        %parallel_loop3A_249 = tpu.vector_load %arg16[%parallel_loop3A_248] {strides = array<i32>} : memref<3136xf32, #tpu.memory_space<vmem>>, vector<16xf32>,
        %parallel_loop3A_250 = arith.addf %parallel_loop3A_247, %parallel_loop3A_249 : vector<16xf32>
        %parallel_loop3A_251 = arith.addi %mul3A_0, %parallel_loop3A_244 : i32
        %parallel_loop3A_252 = arith.index_cast %parallel_loop3A_251 : i32 to index
        %parallel_loop3A_253 = tpu.vector_load %arg11[%parallel_loop3A_252] {strides = array<i32>} : memref<50176xf32, #tpu.memory_space<vmem>>, vector<16xf32>,
        tpu.vector_store %arg11[%parallel_loop3A_252], %parallel_loop3A_250 {strides = array<i32>} : memref<50176xf32, #tpu.memory_space<vmem>>, vector<16xf32>,
      } {sc.loop_unroll_factor = 8 : i64, sc.parallel_access}
      %dma_wait3A_138 = tpu.memref_slice %arg9[%mul3A_0] : memref<802816xf32, #tpu.memory_space<hbm>> -> memref<3136xf32, #tpu.memory_space<hbm>>
      %dma_wait3A_139 = tpu.memref_slice %arg9[%mul3A_0] : memref<802816xf32, #tpu.memory_space<hbm>> -> memref<3136xf32, #tpu.memory_space<hbm>>
      tpu.wait_dma2 semaphore(%arg27 : memref<!tpu.dma_semaphore, #tpu.memory_space<semaphore_mem>>) src(%dma_wait3A_139 : memref<3136xf32, #tpu.memory_space<hbm>>) dst(%arg17 : memref<3136xf32, #tpu.memory_space<vmem>>)
      %add3A_140 = arith.constant 401408 : i32
      %add3A_141 = arith.addi %add3A_140, %mul3A_0 : i32
      %dma_start3A_142 = tpu.memref_slice %arg9[%add3A_141] : memref<802816xf32, #tpu.memory_space<hbm>> -> memref<3136xf32, #tpu.memory_space<hbm>>
      %dma_start3A_143 = tpu.memref_slice %arg9[%add3A_141] : memref<802816xf32, #tpu.memory_space<hbm>> -> memref<3136xf32, #tpu.memory_space<hbm>>
      tpu.enqueue_dma source(%dma_start3A_143 : memref<3136xf32, #tpu.memory_space<hbm>>) target(%arg16 : memref<3136xf32, #tpu.memory_space<vmem>>) target_semaphore(%arg26 : memref<!tpu.dma_semaphore, #tpu.memory_space<semaphore_mem>>)
      %parallel_loop3A_144 = arith.constant 0 : i32
      %parallel_loop3A_145 = arith.constant 3136 : i32
      %parallel_loop3A_146 = arith.constant 16 : i32
      scf.for %parallel_loop3A_244 = %parallel_loop3A_144 to %parallel_loop3A_145 step %parallel_loop3A_146  : i32 {
        %parallel_loop3A_245 = arith.addi %mul3A_0, %parallel_loop3A_244 : i32
        %parallel_loop3A_246 = arith.index_cast %parallel_loop3A_245 : i32 to index
        %parallel_loop3A_247 = tpu.vector_load %arg11[%parallel_loop3A_246] {strides = array<i32>} : memref<50176xf32, #tpu.memory_space<vmem>>, vector<16xf32>,
        %parallel_loop3A_248 = arith.index_cast %parallel_loop3A_244 : i32 to index
        %parallel_loop3A_249 = tpu.vector_load %arg17[%parallel_loop3A_248] {strides = array<i32>} : memref<3136xf32, #tpu.memory_space<vmem>>, vector<16xf32>,
        %parallel_loop3A_250 = arith.addf %parallel_loop3A_247, %parallel_loop3A_249 : vector<16xf32>
        %parallel_loop3A_251 = arith.addi %mul3A_0, %parallel_loop3A_244 : i32
        %parallel_loop3A_252 = arith.index_cast %parallel_loop3A_251 : i32 to index
        %parallel_loop3A_253 = tpu.vector_load %arg11[%parallel_loop3A_252] {strides = array<i32>} : memref<50176xf32, #tpu.memory_space<vmem>>, vector<16xf32>,
        tpu.vector_store %arg11[%parallel_loop3A_252], %parallel_loop3A_250 {strides = array<i32>} : memref<50176xf32, #tpu.memory_space<vmem>>, vector<16xf32>,
      } {sc.loop_unroll_factor = 8 : i64, sc.parallel_access}
      %dma_wait3A_147 = tpu.memref_slice %arg9[%mul3A_0] : memref<802816xf32, #tpu.memory_space<hbm>> -> memref<3136xf32, #tpu.memory_space<hbm>>
      %dma_wait3A_148 = tpu.memref_slice %arg9[%mul3A_0] : memref<802816xf32, #tpu.memory_space<hbm>> -> memref<3136xf32, #tpu.memory_space<hbm>>
      tpu.wait_dma2 semaphore(%arg26 : memref<!tpu.dma_semaphore, #tpu.memory_space<semaphore_mem>>) src(%dma_wait3A_148 : memref<3136xf32, #tpu.memory_space<hbm>>) dst(%arg16 : memref<3136xf32, #tpu.memory_space<vmem>>)
      %add3A_149 = arith.constant 451584 : i32
      %add3A_150 = arith.addi %add3A_149, %mul3A_0 : i32
      %dma_start3A_151 = tpu.memref_slice %arg9[%add3A_150] : memref<802816xf32, #tpu.memory_space<hbm>> -> memref<3136xf32, #tpu.memory_space<hbm>>
      %dma_start3A_152 = tpu.memref_slice %arg9[%add3A_150] : memref<802816xf32, #tpu.memory_space<hbm>> -> memref<3136xf32, #tpu.memory_space<hbm>>
      tpu.enqueue_dma source(%dma_start3A_152 : memref<3136xf32, #tpu.memory_space<hbm>>) target(%arg17 : memref<3136xf32, #tpu.memory_space<vmem>>) target_semaphore(%arg27 : memref<!tpu.dma_semaphore, #tpu.memory_space<semaphore_mem>>)
      %parallel_loop3A_153 = arith.constant 0 : i32
      %parallel_loop3A_154 = arith.constant 3136 : i32
      %parallel_loop3A_155 = arith.constant 16 : i32
      scf.for %parallel_loop3A_244 = %parallel_loop3A_153 to %parallel_loop3A_154 step %parallel_loop3A_155  : i32 {
        %parallel_loop3A_245 = arith.addi %mul3A_0, %parallel_loop3A_244 : i32
        %parallel_loop3A_246 = arith.index_cast %parallel_loop3A_245 : i32 to index
        %parallel_loop3A_247 = tpu.vector_load %arg11[%parallel_loop3A_246] {strides = array<i32>} : memref<50176xf32, #tpu.memory_space<vmem>>, vector<16xf32>,
        %parallel_loop3A_248 = arith.index_cast %parallel_loop3A_244 : i32 to index
        %parallel_loop3A_249 = tpu.vector_load %arg16[%parallel_loop3A_248] {strides = array<i32>} : memref<3136xf32, #tpu.memory_space<vmem>>, vector<16xf32>,
        %parallel_loop3A_250 = arith.addf %parallel_loop3A_247, %parallel_loop3A_249 : vector<16xf32>
        %parallel_loop3A_251 = arith.addi %mul3A_0, %parallel_loop3A_244 : i32
        %parallel_loop3A_252 = arith.index_cast %parallel_loop3A_251 : i32 to index
        %parallel_loop3A_253 = tpu.vector_load %arg11[%parallel_loop3A_252] {strides = array<i32>} : memref<50176xf32, #tpu.memory_space<vmem>>, vector<16xf32>,
        tpu.vector_store %arg11[%parallel_loop3A_252], %parallel_loop3A_250 {strides = array<i32>} : memref<50176xf32, #tpu.memory_space<vmem>>, vector<16xf32>,
      } {sc.loop_unroll_factor = 8 : i64, sc.parallel_access}
      %dma_wait3A_156 = tpu.memref_slice %arg9[%mul3A_0] : memref<802816xf32, #tpu.memory_space<hbm>> -> memref<3136xf32, #tpu.memory_space<hbm>>
      %dma_wait3A_157 = tpu.memref_slice %arg9[%mul3A_0] : memref<802816xf32, #tpu.memory_space<hbm>> -> memref<3136xf32, #tpu.memory_space<hbm>>
      tpu.wait_dma2 semaphore(%arg27 : memref<!tpu.dma_semaphore, #tpu.memory_space<semaphore_mem>>) src(%dma_wait3A_157 : memref<3136xf32, #tpu.memory_space<hbm>>) dst(%arg17 : memref<3136xf32, #tpu.memory_space<vmem>>)
      %add3A_158 = arith.constant 501760 : i32
      %add3A_159 = arith.addi %add3A_158, %mul3A_0 : i32
      %dma_start3A_160 = tpu.memref_slice %arg9[%add3A_159] : memref<802816xf32, #tpu.memory_space<hbm>> -> memref<3136xf32, #tpu.memory_space<hbm>>
      %dma_start3A_161 = tpu.memref_slice %arg9[%add3A_159] : memref<802816xf32, #tpu.memory_space<hbm>> -> memref<3136xf32, #tpu.memory_space<hbm>>
      tpu.enqueue_dma source(%dma_start3A_161 : memref<3136xf32, #tpu.memory_space<hbm>>) target(%arg16 : memref<3136xf32, #tpu.memory_space<vmem>>) target_semaphore(%arg26 : memref<!tpu.dma_semaphore, #tpu.memory_space<semaphore_mem>>)
      %parallel_loop3A_162 = arith.constant 0 : i32
      %parallel_loop3A_163 = arith.constant 3136 : i32
      %parallel_loop3A_164 = arith.constant 16 : i32
      scf.for %parallel_loop3A_244 = %parallel_loop3A_162 to %parallel_loop3A_163 step %parallel_loop3A_164  : i32 {
        %parallel_loop3A_245 = arith.addi %mul3A_0, %parallel_loop3A_244 : i32
        %parallel_loop3A_246 = arith.index_cast %parallel_loop3A_245 : i32 to index
        %parallel_loop3A_247 = tpu.vector_load %arg11[%parallel_loop3A_246] {strides = array<i32>} : memref<50176xf32, #tpu.memory_space<vmem>>, vector<16xf32>,
        %parallel_loop3A_248 = arith.index_cast %parallel_loop3A_244 : i32 to index
        %parallel_loop3A_249 = tpu.vector_load %arg17[%parallel_loop3A_248] {strides = array<i32>} : memref<3136xf32, #tpu.memory_space<vmem>>, vector<16xf32>,
        %parallel_loop3A_250 = arith.addf %parallel_loop3A_247, %parallel_loop3A_249 : vector<16xf32>
        %parallel_loop3A_251 = arith.addi %mul3A_0, %parallel_loop3A_244 : i32
        %parallel_loop3A_252 = arith.index_cast %parallel_loop3A_251 : i32 to index
        %parallel_loop3A_253 = tpu.vector_load %arg11[%parallel_loop3A_252] {strides = array<i32>} : memref<50176xf32, #tpu.memory_space<vmem>>, vector<16xf32>,
        tpu.vector_store %arg11[%parallel_loop3A_252], %parallel_loop3A_250 {strides = array<i32>} : memref<50176xf32, #tpu.memory_space<vmem>>, vector<16xf32>,
      } {sc.loop_unroll_factor = 8 : i64, sc.parallel_access}
      %dma_wait3A_165 = tpu.memref_slice %arg9[%mul3A_0] : memref<802816xf32, #tpu.memory_space<hbm>> -> memref<3136xf32, #tpu.memory_space<hbm>>
      %dma_wait3A_166 = tpu.memref_slice %arg9[%mul3A_0] : memref<802816xf32, #tpu.memory_space<hbm>> -> memref<3136xf32, #tpu.memory_space<hbm>>
      tpu.wait_dma2 semaphore(%arg26 : memref<!tpu.dma_semaphore, #tpu.memory_space<semaphore_mem>>) src(%dma_wait3A_166 : memref<3136xf32, #tpu.memory_space<hbm>>) dst(%arg16 : memref<3136xf32, #tpu.memory_space<vmem>>)
      %add3A_167 = arith.constant 551936 : i32
      %add3A_168 = arith.addi %add3A_167, %mul3A_0 : i32
      %dma_start3A_169 = tpu.memref_slice %arg9[%add3A_168] : memref<802816xf32, #tpu.memory_space<hbm>> -> memref<3136xf32, #tpu.memory_space<hbm>>
      %dma_start3A_170 = tpu.memref_slice %arg9[%add3A_168] : memref<802816xf32, #tpu.memory_space<hbm>> -> memref<3136xf32, #tpu.memory_space<hbm>>
      tpu.enqueue_dma source(%dma_start3A_170 : memref<3136xf32, #tpu.memory_space<hbm>>) target(%arg17 : memref<3136xf32, #tpu.memory_space<vmem>>) target_semaphore(%arg27 : memref<!tpu.dma_semaphore, #tpu.memory_space<semaphore_mem>>)
      %parallel_loop3A_171 = arith.constant 0 : i32
      %parallel_loop3A_172 = arith.constant 3136 : i32
      %parallel_loop3A_173 = arith.constant 16 : i32
      scf.for %parallel_loop3A_244 = %parallel_loop3A_171 to %parallel_loop3A_172 step %parallel_loop3A_173  : i32 {
        %parallel_loop3A_245 = arith.addi %mul3A_0, %parallel_loop3A_244 : i32
        %parallel_loop3A_246 = arith.index_cast %parallel_loop3A_245 : i32 to index
        %parallel_loop3A_247 = tpu.vector_load %arg11[%parallel_loop3A_246] {strides = array<i32>} : memref<50176xf32, #tpu.memory_space<vmem>>, vector<16xf32>,
        %parallel_loop3A_248 = arith.index_cast %parallel_loop3A_244 : i32 to index
        %parallel_loop3A_249 = tpu.vector_load %arg16[%parallel_loop3A_248] {strides = array<i32>} : memref<3136xf32, #tpu.memory_space<vmem>>, vector<16xf32>,
        %parallel_loop3A_250 = arith.addf %parallel_loop3A_247, %parallel_loop3A_249 : vector<16xf32>
        %parallel_loop3A_251 = arith.addi %mul3A_0, %parallel_loop3A_244 : i32
        %parallel_loop3A_252 = arith.index_cast %parallel_loop3A_251 : i32 to index
        %parallel_loop3A_253 = tpu.vector_load %arg11[%parallel_loop3A_252] {strides = array<i32>} : memref<50176xf32, #tpu.memory_space<vmem>>, vector<16xf32>,
        tpu.vector_store %arg11[%parallel_loop3A_252], %parallel_loop3A_250 {strides = array<i32>} : memref<50176xf32, #tpu.memory_space<vmem>>, vector<16xf32>,
      } {sc.loop_unroll_factor = 8 : i64, sc.parallel_access}
      %dma_wait3A_174 = tpu.memref_slice %arg9[%mul3A_0] : memref<802816xf32, #tpu.memory_space<hbm>> -> memref<3136xf32, #tpu.memory_space<hbm>>
      %dma_wait3A_175 = tpu.memref_slice %arg9[%mul3A_0] : memref<802816xf32, #tpu.memory_space<hbm>> -> memref<3136xf32, #tpu.memory_space<hbm>>
      tpu.wait_dma2 semaphore(%arg27 : memref<!tpu.dma_semaphore, #tpu.memory_space<semaphore_mem>>) src(%dma_wait3A_175 : memref<3136xf32, #tpu.memory_space<hbm>>) dst(%arg17 : memref<3136xf32, #tpu.memory_space<vmem>>)
      %add3A_176 = arith.constant 602112 : i32
      %add3A_177 = arith.addi %add3A_176, %mul3A_0 : i32
      %dma_start3A_178 = tpu.memref_slice %arg9[%add3A_177] : memref<802816xf32, #tpu.memory_space<hbm>> -> memref<3136xf32, #tpu.memory_space<hbm>>
      %dma_start3A_179 = tpu.memref_slice %arg9[%add3A_177] : memref<802816xf32, #tpu.memory_space<hbm>> -> memref<3136xf32, #tpu.memory_space<hbm>>
      tpu.enqueue_dma source(%dma_start3A_179 : memref<3136xf32, #tpu.memory_space<hbm>>) target(%arg16 : memref<3136xf32, #tpu.memory_space<vmem>>) target_semaphore(%arg26 : memref<!tpu.dma_semaphore, #tpu.memory_space<semaphore_mem>>)
      %parallel_loop3A_180 = arith.constant 0 : i32
      %parallel_loop3A_181 = arith.constant 3136 : i32
      %parallel_loop3A_182 = arith.constant 16 : i32
      scf.for %parallel_loop3A_244 = %parallel_loop3A_180 to %parallel_loop3A_181 step %parallel_loop3A_182  : i32 {
        %parallel_loop3A_245 = arith.addi %mul3A_0, %parallel_loop3A_244 : i32
        %parallel_loop3A_246 = arith.index_cast %parallel_loop3A_245 : i32 to index
        %parallel_loop3A_247 = tpu.vector_load %arg11[%parallel_loop3A_246] {strides = array<i32>} : memref<50176xf32, #tpu.memory_space<vmem>>, vector<16xf32>,
        %parallel_loop3A_248 = arith.index_cast %parallel_loop3A_244 : i32 to index
        %parallel_loop3A_249 = tpu.vector_load %arg17[%parallel_loop3A_248] {strides = array<i32>} : memref<3136xf32, #tpu.memory_space<vmem>>, vector<16xf32>,
        %parallel_loop3A_250 = arith.addf %parallel_loop3A_247, %parallel_loop3A_249 : vector<16xf32>
        %parallel_loop3A_251 = arith.addi %mul3A_0, %parallel_loop3A_244 : i32
        %parallel_loop3A_252 = arith.index_cast %parallel_loop3A_251 : i32 to index
        %parallel_loop3A_253 = tpu.vector_load %arg11[%parallel_loop3A_252] {strides = array<i32>} : memref<50176xf32, #tpu.memory_space<vmem>>, vector<16xf32>,
        tpu.vector_store %arg11[%parallel_loop3A_252], %parallel_loop3A_250 {strides = array<i32>} : memref<50176xf32, #tpu.memory_space<vmem>>, vector<16xf32>,
      } {sc.loop_unroll_factor = 8 : i64, sc.parallel_access}
      %dma_wait3A_183 = tpu.memref_slice %arg9[%mul3A_0] : memref<802816xf32, #tpu.memory_space<hbm>> -> memref<3136xf32, #tpu.memory_space<hbm>>
      %dma_wait3A_184 = tpu.memref_slice %arg9[%mul3A_0] : memref<802816xf32, #tpu.memory_space<hbm>> -> memref<3136xf32, #tpu.memory_space<hbm>>
      tpu.wait_dma2 semaphore(%arg26 : memref<!tpu.dma_semaphore, #tpu.memory_space<semaphore_mem>>) src(%dma_wait3A_184 : memref<3136xf32, #tpu.memory_space<hbm>>) dst(%arg16 : memref<3136xf32, #tpu.memory_space<vmem>>)
      %add3A_185 = arith.constant 652288 : i32
      %add3A_186 = arith.addi %add3A_185, %mul3A_0 : i32
      %dma_start3A_187 = tpu.memref_slice %arg9[%add3A_186] : memref<802816xf32, #tpu.memory_space<hbm>> -> memref<3136xf32, #tpu.memory_space<hbm>>
      %dma_start3A_188 = tpu.memref_slice %arg9[%add3A_186] : memref<802816xf32, #tpu.memory_space<hbm>> -> memref<3136xf32, #tpu.memory_space<hbm>>
      tpu.enqueue_dma source(%dma_start3A_188 : memref<3136xf32, #tpu.memory_space<hbm>>) target(%arg17 : memref<3136xf32, #tpu.memory_space<vmem>>) target_semaphore(%arg27 : memref<!tpu.dma_semaphore, #tpu.memory_space<semaphore_mem>>)
      %parallel_loop3A_189 = arith.constant 0 : i32
      %parallel_loop3A_190 = arith.constant 3136 : i32
      %parallel_loop3A_191 = arith.constant 16 : i32
      scf.for %parallel_loop3A_244 = %parallel_loop3A_189 to %parallel_loop3A_190 step %parallel_loop3A_191  : i32 {
        %parallel_loop3A_245 = arith.addi %mul3A_0, %parallel_loop3A_244 : i32
        %parallel_loop3A_246 = arith.index_cast %parallel_loop3A_245 : i32 to index
        %parallel_loop3A_247 = tpu.vector_load %arg11[%parallel_loop3A_246] {strides = array<i32>} : memref<50176xf32, #tpu.memory_space<vmem>>, vector<16xf32>,
        %parallel_loop3A_248 = arith.index_cast %parallel_loop3A_244 : i32 to index
        %parallel_loop3A_249 = tpu.vector_load %arg16[%parallel_loop3A_248] {strides = array<i32>} : memref<3136xf32, #tpu.memory_space<vmem>>, vector<16xf32>,
        %parallel_loop3A_250 = arith.addf %parallel_loop3A_247, %parallel_loop3A_249 : vector<16xf32>
        %parallel_loop3A_251 = arith.addi %mul3A_0, %parallel_loop3A_244 : i32
        %parallel_loop3A_252 = arith.index_cast %parallel_loop3A_251 : i32 to index
        %parallel_loop3A_253 = tpu.vector_load %arg11[%parallel_loop3A_252] {strides = array<i32>} : memref<50176xf32, #tpu.memory_space<vmem>>, vector<16xf32>,
        tpu.vector_store %arg11[%parallel_loop3A_252], %parallel_loop3A_250 {strides = array<i32>} : memref<50176xf32, #tpu.memory_space<vmem>>, vector<16xf32>,
      } {sc.loop_unroll_factor = 8 : i64, sc.parallel_access}
      %dma_wait3A_192 = tpu.memref_slice %arg9[%mul3A_0] : memref<802816xf32, #tpu.memory_space<hbm>> -> memref<3136xf32, #tpu.memory_space<hbm>>
      %dma_wait3A_193 = tpu.memref_slice %arg9[%mul3A_0] : memref<802816xf32, #tpu.memory_space<hbm>> -> memref<3136xf32, #tpu.memory_space<hbm>>
      tpu.wait_dma2 semaphore(%arg27 : memref<!tpu.dma_semaphore, #tpu.memory_space<semaphore_mem>>) src(%dma_wait3A_193 : memref<3136xf32, #tpu.memory_space<hbm>>) dst(%arg17 : memref<3136xf32, #tpu.memory_space<vmem>>)
      %add3A_194 = arith.constant 702464 : i32
      %add3A_195 = arith.addi %add3A_194, %mul3A_0 : i32
      %dma_start3A_196 = tpu.memref_slice %arg9[%add3A_195] : memref<802816xf32, #tpu.memory_space<hbm>> -> memref<3136xf32, #tpu.memory_space<hbm>>
      %dma_start3A_197 = tpu.memref_slice %arg9[%add3A_195] : memref<802816xf32, #tpu.memory_space<hbm>> -> memref<3136xf32, #tpu.memory_space<hbm>>
      tpu.enqueue_dma source(%dma_start3A_197 : memref<3136xf32, #tpu.memory_space<hbm>>) target(%arg16 : memref<3136xf32, #tpu.memory_space<vmem>>) target_semaphore(%arg26 : memref<!tpu.dma_semaphore, #tpu.memory_space<semaphore_mem>>)
      %parallel_loop3A_198 = arith.constant 0 : i32
      %parallel_loop3A_199 = arith.constant 3136 : i32
      %parallel_loop3A_200 = arith.constant 16 : i32
      scf.for %parallel_loop3A_244 = %parallel_loop3A_198 to %parallel_loop3A_199 step %parallel_loop3A_200  : i32 {
        %parallel_loop3A_245 = arith.addi %mul3A_0, %parallel_loop3A_244 : i32
        %parallel_loop3A_246 = arith.index_cast %parallel_loop3A_245 : i32 to index
        %parallel_loop3A_247 = tpu.vector_load %arg11[%parallel_loop3A_246] {strides = array<i32>} : memref<50176xf32, #tpu.memory_space<vmem>>, vector<16xf32>,
        %parallel_loop3A_248 = arith.index_cast %parallel_loop3A_244 : i32 to index
        %parallel_loop3A_249 = tpu.vector_load %arg17[%parallel_loop3A_248] {strides = array<i32>} : memref<3136xf32, #tpu.memory_space<vmem>>, vector<16xf32>,
        %parallel_loop3A_250 = arith.addf %parallel_loop3A_247, %parallel_loop3A_249 : vector<16xf32>
        %parallel_loop3A_251 = arith.addi %mul3A_0, %parallel_loop3A_244 : i32
        %parallel_loop3A_252 = arith.index_cast %parallel_loop3A_251 : i32 to index
        %parallel_loop3A_253 = tpu.vector_load %arg11[%parallel_loop3A_252] {strides = array<i32>} : memref<50176xf32, #tpu.memory_space<vmem>>, vector<16xf32>,
        tpu.vector_store %arg11[%parallel_loop3A_252], %parallel_loop3A_250 {strides = array<i32>} : memref<50176xf32, #tpu.memory_space<vmem>>, vector<16xf32>,
      } {sc.loop_unroll_factor = 8 : i64, sc.parallel_access}
      %dma_wait3A_201 = tpu.memref_slice %arg9[%mul3A_0] : memref<802816xf32, #tpu.memory_space<hbm>> -> memref<3136xf32, #tpu.memory_space<hbm>>
      %dma_wait3A_202 = tpu.memref_slice %arg9[%mul3A_0] : memref<802816xf32, #tpu.memory_space<hbm>> -> memref<3136xf32, #tpu.memory_space<hbm>>
      tpu.wait_dma2 semaphore(%arg26 : memref<!tpu.dma_semaphore, #tpu.memory_space<semaphore_mem>>) src(%dma_wait3A_202 : memref<3136xf32, #tpu.memory_space<hbm>>) dst(%arg16 : memref<3136xf32, #tpu.memory_space<vmem>>)
      %add3A_203 = arith.constant 752640 : i32
      %add3A_204 = arith.addi %add3A_203, %mul3A_0 : i32
      %dma_start3A_205 = tpu.memref_slice %arg9[%add3A_204] : memref<802816xf32, #tpu.memory_space<hbm>> -> memref<3136xf32, #tpu.memory_space<hbm>>
      %dma_start3A_206 = tpu.memref_slice %arg9[%add3A_204] : memref<802816xf32, #tpu.memory_space<hbm>> -> memref<3136xf32, #tpu.memory_space<hbm>>
      tpu.enqueue_dma source(%dma_start3A_206 : memref<3136xf32, #tpu.memory_space<hbm>>) target(%arg17 : memref<3136xf32, #tpu.memory_space<vmem>>) target_semaphore(%arg27 : memref<!tpu.dma_semaphore, #tpu.memory_space<semaphore_mem>>)
      %parallel_loop3A_207 = arith.constant 0 : i32
      %parallel_loop3A_208 = arith.constant 3136 : i32
      %parallel_loop3A_209 = arith.constant 16 : i32
      scf.for %parallel_loop3A_244 = %parallel_loop3A_207 to %parallel_loop3A_208 step %parallel_loop3A_209  : i32 {
        %parallel_loop3A_245 = arith.addi %mul3A_0, %parallel_loop3A_244 : i32
        %parallel_loop3A_246 = arith.index_cast %parallel_loop3A_245 : i32 to index
        %parallel_loop3A_247 = tpu.vector_load %arg11[%parallel_loop3A_246] {strides = array<i32>} : memref<50176xf32, #tpu.memory_space<vmem>>, vector<16xf32>,
        %parallel_loop3A_248 = arith.index_cast %parallel_loop3A_244 : i32 to index
        %parallel_loop3A_249 = tpu.vector_load %arg16[%parallel_loop3A_248] {strides = array<i32>} : memref<3136xf32, #tpu.memory_space<vmem>>, vector<16xf32>,
        %parallel_loop3A_250 = arith.addf %parallel_loop3A_247, %parallel_loop3A_249 : vector<16xf32>
        %parallel_loop3A_251 = arith.addi %mul3A_0, %parallel_loop3A_244 : i32
        %parallel_loop3A_252 = arith.index_cast %parallel_loop3A_251 : i32 to index
        %parallel_loop3A_253 = tpu.vector_load %arg11[%parallel_loop3A_252] {strides = array<i32>} : memref<50176xf32, #tpu.memory_space<vmem>>, vector<16xf32>,
        tpu.vector_store %arg11[%parallel_loop3A_252], %parallel_loop3A_250 {strides = array<i32>} : memref<50176xf32, #tpu.memory_space<vmem>>, vector<16xf32>,
      } {sc.loop_unroll_factor = 8 : i64, sc.parallel_access}
      %dma_wait3A_210 = tpu.memref_slice %arg9[%mul3A_0] : memref<802816xf32, #tpu.memory_space<hbm>> -> memref<3136xf32, #tpu.memory_space<hbm>>
      %dma_wait3A_211 = tpu.memref_slice %arg9[%mul3A_0] : memref<802816xf32, #tpu.memory_space<hbm>> -> memref<3136xf32, #tpu.memory_space<hbm>>
      tpu.wait_dma2 semaphore(%arg27 : memref<!tpu.dma_semaphore, #tpu.memory_space<semaphore_mem>>) src(%dma_wait3A_211 : memref<3136xf32, #tpu.memory_space<hbm>>) dst(%arg17 : memref<3136xf32, #tpu.memory_space<vmem>>)
      %parallel_loop3A_212 = arith.constant 0 : i32
      %parallel_loop3A_213 = arith.constant 3136 : i32
      %parallel_loop3A_214 = arith.constant 16 : i32
      scf.for %parallel_loop3A_244 = %parallel_loop3A_212 to %parallel_loop3A_213 step %parallel_loop3A_214  : i32 {
        %parallel_loop3A_245 = arith.addi %mul3A_0, %parallel_loop3A_244 : i32
        %parallel_loop3A_246 = arith.index_cast %parallel_loop3A_245 : i32 to index
        %parallel_loop3A_247 = tpu.vector_load %arg11[%parallel_loop3A_246] {strides = array<i32>} : memref<50176xf32, #tpu.memory_space<vmem>>, vector<16xf32>,
        %parallel_loop3A_248 = arith.index_cast %parallel_loop3A_244 : i32 to index
        %parallel_loop3A_249 = tpu.vector_load %arg17[%parallel_loop3A_248] {strides = array<i32>} : memref<3136xf32, #tpu.memory_space<vmem>>, vector<16xf32>,
        %parallel_loop3A_250 = arith.addf %parallel_loop3A_247, %parallel_loop3A_249 : vector<16xf32>
        %parallel_loop3A_251 = arith.addi %mul3A_0, %parallel_loop3A_244 : i32
        %parallel_loop3A_252 = arith.index_cast %parallel_loop3A_251 : i32 to index
        %parallel_loop3A_253 = tpu.vector_load %arg11[%parallel_loop3A_252] {strides = array<i32>} : memref<50176xf32, #tpu.memory_space<vmem>>, vector<16xf32>,
        tpu.vector_store %arg11[%parallel_loop3A_252], %parallel_loop3A_250 {strides = array<i32>} : memref<50176xf32, #tpu.memory_space<vmem>>, vector<16xf32>,
      } {sc.loop_unroll_factor = 8 : i64, sc.parallel_access}
      "tpu.trace_stop"() : () -> ()
      "tpu.trace_start"() <{level = 10 : i32, message = "ph_update"}> : () -> ()
      %dma_wait3A_215 = arith.constant 0 : i32
      %dma_wait3A_216 = tpu.memref_slice %arg3[%dma_wait3A_215] : memref<2100368xf32, #tpu.memory_space<hbm>> -> memref<6272xf32, #tpu.memory_space<hbm>>
      %dma_wait3A_217 = arith.constant 0 : i32
      %dma_wait3A_218 = tpu.memref_slice %arg3[%dma_wait3A_217] : memref<2100368xf32, #tpu.memory_space<hbm>> -> memref<6272xf32, #tpu.memory_space<hbm>>
      tpu.wait_dma2 semaphore(%arg28 : memref<!tpu.dma_semaphore, #tpu.memory_space<semaphore_mem>>) src(%dma_wait3A_218 : memref<6272xf32, #tpu.memory_space<hbm>>) dst(%arg19 : memref<6272xf32, #tpu.memory_space<vmem>>)
      %dma_wait3A_219 = arith.constant 0 : i32
      %dma_wait3A_220 = tpu.memref_slice %arg3[%dma_wait3A_219] : memref<2100368xf32, #tpu.memory_space<hbm>> -> memref<6272xf32, #tpu.memory_space<hbm>>
      %dma_wait3A_221 = arith.constant 0 : i32
      %dma_wait3A_222 = tpu.memref_slice %arg3[%dma_wait3A_221] : memref<2100368xf32, #tpu.memory_space<hbm>> -> memref<6272xf32, #tpu.memory_space<hbm>>
      tpu.wait_dma2 semaphore(%arg29 : memref<!tpu.dma_semaphore, #tpu.memory_space<semaphore_mem>>) src(%dma_wait3A_222 : memref<6272xf32, #tpu.memory_space<hbm>>) dst(%arg20 : memref<6272xf32, #tpu.memory_space<vmem>>)
      %broadcast_in_dim3A_223 = arith.constant 0.000000e+00 : f32
      %broadcast_in_dim3A_224 = vector.broadcast %broadcast_in_dim3A_223 : f32 to vector<16xf32>
      %broadcast_in_dim3A_225 = arith.constant 0.000000e+00 : f32
      %broadcast_in_dim3A_226 = vector.broadcast %broadcast_in_dim3A_225 : f32 to vector<16xf32>
      %parallel_loop3A_227 = arith.constant 0 : i32
      %parallel_loop3A_228 = arith.constant 3136 : i32
      %parallel_loop3A_229 = arith.constant 16 : i32
      %parallel_loop3A_230:2 = scf.for %parallel_loop3A_244 = %parallel_loop3A_227 to %parallel_loop3A_228 step %parallel_loop3A_229 iter_args(%parallel_loop3A_245 = %broadcast_in_dim3A_224, %parallel_loop3A_246 = %broadcast_in_dim3A_226) -> (vector<16xf32>, vector<16xf32>)  : i32 {
        %parallel_loop3A_247 = arith.constant 2 : i32
        %parallel_loop3A_248 = arith.muli %parallel_loop3A_247, %parallel_loop3A_244 : i32
        %parallel_loop3A_249 = vector.broadcast %parallel_loop3A_248 : i32 to vector<16xi32>
        %parallel_loop3A_250 = arith.addi %mul3A_8, %parallel_loop3A_249 : vector<16xi32>
        %parallel_loop3A_251 = tpu.vector_load_idx %arg19[%parallel_loop3A_250] : memref<6272xf32, #tpu.memory_space<vmem>>[vector<16xi32>], vector<16xf32>,
        %parallel_loop3A_252 = arith.constant 1 : i32
        %parallel_loop3A_253 = vector.broadcast %parallel_loop3A_252 : i32 to vector<16xi32>
        %parallel_loop3A_254 = arith.addi %parallel_loop3A_250, %parallel_loop3A_253 : vector<16xi32>
        %parallel_loop3A_255 = tpu.vector_load_idx %arg19[%parallel_loop3A_254] : memref<6272xf32, #tpu.memory_space<vmem>>[vector<16xi32>], vector<16xf32>,
        %parallel_loop3A_256 = arith.subf %parallel_loop3A_251, %parallel_loop3A_255 : vector<16xf32>
        %parallel_loop3A_257 = tpu.vector_load_idx %arg20[%parallel_loop3A_250] : memref<6272xf32, #tpu.memory_space<vmem>>[vector<16xi32>], vector<16xf32>,
        %parallel_loop3A_258 = arith.constant 1 : i32
        %parallel_loop3A_259 = vector.broadcast %parallel_loop3A_258 : i32 to vector<16xi32>
        %parallel_loop3A_260 = arith.addi %parallel_loop3A_250, %parallel_loop3A_259 : vector<16xi32>
        %parallel_loop3A_261 = tpu.vector_load_idx %arg20[%parallel_loop3A_260] : memref<6272xf32, #tpu.memory_space<vmem>>[vector<16xi32>], vector<16xf32>,
        %parallel_loop3A_262 = arith.subf %parallel_loop3A_257, %parallel_loop3A_261 : vector<16xf32>
        %parallel_loop3A_263 = arith.addi %mul3A_0, %parallel_loop3A_244 : i32
        %parallel_loop3A_264 = arith.index_cast %parallel_loop3A_263 : i32 to index
        %parallel_loop3A_265 = tpu.vector_load %arg11[%parallel_loop3A_264] {strides = array<i32>} : memref<50176xf32, #tpu.memory_space<vmem>>, vector<16xf32>,
        %parallel_loop3A_266 = arith.index_cast %parallel_loop3A_244 : i32 to index
        %parallel_loop3A_267 = tpu.vector_load %arg18[%parallel_loop3A_266] {strides = array<i32>} : memref<3136xf32, #tpu.memory_space<vmem>>, vector<16xf32>,
        %parallel_loop3A_268 = arith.addi %mul3A_0, %parallel_loop3A_244 : i32
        %parallel_loop3A_269 = arith.index_cast %parallel_loop3A_268 : i32 to index
        %parallel_loop3A_270 = tpu.vector_load %arg10[%parallel_loop3A_269] {strides = array<i32>} : memref<50176xf32, #tpu.memory_space<vmem>>, vector<16xf32>,
        %parallel_loop3A_271 = arith.mulf %parallel_loop3A_265, %parallel_loop3A_267 : vector<16xf32>
        %parallel_loop3A_272 = arith.constant 2.550000e+02 : f32
        %parallel_loop3A_273 = vector.broadcast %parallel_loop3A_272 : f32 to vector<16xf32>
        %parallel_loop3A_274 = arith.minimumf %parallel_loop3A_271, %parallel_loop3A_273 : vector<16xf32>
        %parallel_loop3A_275 = arith.fptosi %parallel_loop3A_274 : vector<16xf32> to vector<16xi32>
        %parallel_loop3A_276 = tpu.vector_load_idx %arg21[%parallel_loop3A_275] : memref<256xf32, #tpu.memory_space<vmem>>[vector<16xi32>], vector<16xf32>,
        %parallel_loop3A_277 = arith.cmpf ogt, %parallel_loop3A_256, %parallel_loop3A_276 : vector<16xf32>
        %parallel_loop3A_278 = arith.constant 1.000000e+00 : f32
        %parallel_loop3A_279 = arith.constant 0.000000e+00 : f32
        %parallel_loop3A_280 = vector.broadcast %parallel_loop3A_278 : f32 to vector<16xf32>
        %parallel_loop3A_281 = vector.broadcast %parallel_loop3A_279 : f32 to vector<16xf32>
        %parallel_loop3A_282 = arith.select %parallel_loop3A_277, %parallel_loop3A_280, %parallel_loop3A_281 : vector<16xi1>, vector<16xf32>
        %parallel_loop3A_283 = arith.cmpf ogt, %parallel_loop3A_262, %get3A_5 : vector<16xf32>
        %parallel_loop3A_284 = arith.constant 1.000000e+00 : f32
        %parallel_loop3A_285 = arith.constant 0.000000e+00 : f32
        %parallel_loop3A_286 = vector.broadcast %parallel_loop3A_284 : f32 to vector<16xf32>
        %parallel_loop3A_287 = vector.broadcast %parallel_loop3A_285 : f32 to vector<16xf32>
        %parallel_loop3A_288 = arith.select %parallel_loop3A_283, %parallel_loop3A_286, %parallel_loop3A_287 : vector<16xi1>, vector<16xf32>
        %parallel_loop3A_289 = arith.mulf %parallel_loop3A_270, %parallel_loop3A_288 : vector<16xf32>
        %parallel_loop3A_290 = arith.addf %parallel_loop3A_270, %parallel_loop3A_282 : vector<16xf32>
        %parallel_loop3A_291 = arith.subf %parallel_loop3A_290, %parallel_loop3A_289 : vector<16xf32>
        %parallel_loop3A_292 = arith.subf %parallel_loop3A_267, %parallel_loop3A_282 : vector<16xf32>
        %parallel_loop3A_293 = arith.index_cast %parallel_loop3A_244 : i32 to index
        %parallel_loop3A_294 = tpu.vector_load %arg18[%parallel_loop3A_293] {strides = array<i32>} : memref<3136xf32, #tpu.memory_space<vmem>>, vector<16xf32>,
        tpu.vector_store %arg18[%parallel_loop3A_293], %parallel_loop3A_292 {strides = array<i32>} : memref<3136xf32, #tpu.memory_space<vmem>>, vector<16xf32>,
        %parallel_loop3A_295 = arith.index_cast %parallel_loop3A_244 : i32 to index
        %parallel_loop3A_296 = tpu.vector_load %arg16[%parallel_loop3A_295] {strides = array<i32>} : memref<3136xf32, #tpu.memory_space<vmem>>, vector<16xf32>,
        tpu.vector_store %arg16[%parallel_loop3A_295], %parallel_loop3A_291 {strides = array<i32>} : memref<3136xf32, #tpu.memory_space<vmem>>, vector<16xf32>,
        %parallel_loop3A_297 = arith.addf %parallel_loop3A_245, %parallel_loop3A_291 : vector<16xf32>
        %parallel_loop3A_298 = arith.addf %parallel_loop3A_246, %parallel_loop3A_289 : vector<16xf32>
        scf.yield %parallel_loop3A_297, %parallel_loop3A_298 : vector<16xf32>, vector<16xf32>
      } {sc.loop_unroll_factor = 4 : i64, sc.parallel_access}
      %mul3A_231 = arith.constant 16 : i32
      %mul3A_232 = arith.muli %scan3A_25, %mul3A_231 : i32
      %add3A_233 = arith.constant 16 : i32
      %add3A_234 = arith.addi %mul3A_232, %add3A_233 : i32
      %swap3A_235 = arith.index_cast %add3A_234 : i32 to index
      %swap3A_236 = tpu.vector_load %arg23[%swap3A_235] {strides = array<i32>} : memref<176xf32, #tpu.memory_space<vmem>>, vector<16xf32>,
      tpu.vector_store %arg23[%swap3A_235], %parallel_loop3A_230#0 {strides = array<i32>} : memref<176xf32, #tpu.memory_space<vmem>>, vector<16xf32>,
      %mul3A_237 = arith.constant 16 : i32
      %mul3A_238 = arith.muli %scan3A_25, %mul3A_237 : i32
      %add3A_239 = arith.constant 16 : i32
      %add3A_240 = arith.addi %mul3A_238, %add3A_239 : i32
      %swap3A_241 = arith.index_cast %add3A_240 : i32 to index
      %swap3A_242 = tpu.vector_load %arg24[%swap3A_241] {strides = array<i32>} : memref<176xf32, #tpu.memory_space<vmem>>, vector<16xf32>,
      tpu.vector_store %arg24[%swap3A_241], %parallel_loop3A_230#1 {strides = array<i32>} : memref<176xf32, #tpu.memory_space<vmem>>, vector<16xf32>,
      "tpu.region"() ({
        %run_scoped3A = tpu.sem_alloc : memref<!tpu.dma_semaphore, #tpu.memory_space<semaphore_mem>>
        %dma_start3A_244 = tpu.memref_slice %arg8[%mul3A_0] : memref<50176xf32, #tpu.memory_space<hbm>> -> memref<3136xf32, #tpu.memory_space<hbm>>
        %dma_start3A_245 = tpu.memref_slice %arg8[%mul3A_0] : memref<50176xf32, #tpu.memory_space<hbm>> -> memref<3136xf32, #tpu.memory_space<hbm>>
        tpu.enqueue_dma source(%arg16 : memref<3136xf32, #tpu.memory_space<vmem>>) target(%dma_start3A_245 : memref<3136xf32, #tpu.memory_space<hbm>>) target_semaphore(%run_scoped3A : memref<!tpu.dma_semaphore, #tpu.memory_space<semaphore_mem>>)
        %dma_wait3A_246 = tpu.memref_slice %arg8[%mul3A_0] : memref<50176xf32, #tpu.memory_space<hbm>> -> memref<3136xf32, #tpu.memory_space<hbm>>
        %dma_wait3A_247 = tpu.memref_slice %arg8[%mul3A_0] : memref<50176xf32, #tpu.memory_space<hbm>> -> memref<3136xf32, #tpu.memory_space<hbm>>
        tpu.wait_dma2 semaphore(%run_scoped3A : memref<!tpu.dma_semaphore, #tpu.memory_space<semaphore_mem>>) src(%arg16 : memref<3136xf32, #tpu.memory_space<vmem>>) dst(%dma_wait3A_247 : memref<3136xf32, #tpu.memory_space<hbm>>)
        tpu.yield
      }) : () -> ()
      %barrier3A_243 = arith.constant 0 : index
      tpu.barrier barrier_id(%barrier3A_243)
      "tpu.trace_stop"() : () -> ()
    }
    %scan3A_24 = arith.constant 10 : i32
    "tpu.region"() ({
      %run_scoped3A = tpu.sem_alloc : memref<!tpu.dma_semaphore, #tpu.memory_space<semaphore_mem>>
      %dma_start3A = arith.constant 0 : i32
      %dma_start3A_25 = tpu.memref_slice %arg6[%arg1, %dma_start3A] : memref<16x176xf32, #tpu.memory_space<hbm>> -> memref<1x176xf32, #tpu.memory_space<hbm>>
      %dma_start3A_26 = tpu.memref_squeeze %dma_start3A_25 : memref<1x176xf32, #tpu.memory_space<hbm>> -> memref<176xf32, #tpu.memory_space<hbm>>
      %dma_start3A_27 = arith.constant 0 : i32
      %dma_start3A_28 = tpu.memref_slice %arg6[%arg1, %dma_start3A_27] : memref<16x176xf32, #tpu.memory_space<hbm>> -> memref<1x176xf32, #tpu.memory_space<hbm>>
      %dma_start3A_29 = tpu.memref_squeeze %dma_start3A_28 : memref<1x176xf32, #tpu.memory_space<hbm>> -> memref<176xf32, #tpu.memory_space<hbm>>
      tpu.enqueue_dma source(%arg23 : memref<176xf32, #tpu.memory_space<vmem>>) target(%dma_start3A_29 : memref<176xf32, #tpu.memory_space<hbm>>) target_semaphore(%run_scoped3A : memref<!tpu.dma_semaphore, #tpu.memory_space<semaphore_mem>>)
      %dma_wait3A = arith.constant 0 : i32
      %dma_wait3A_30 = tpu.memref_slice %arg6[%arg1, %dma_wait3A] : memref<16x176xf32, #tpu.memory_space<hbm>> -> memref<1x176xf32, #tpu.memory_space<hbm>>
      %dma_wait3A_31 = tpu.memref_squeeze %dma_wait3A_30 : memref<1x176xf32, #tpu.memory_space<hbm>> -> memref<176xf32, #tpu.memory_space<hbm>>
      %dma_wait3A_32 = arith.constant 0 : i32
      %dma_wait3A_33 = tpu.memref_slice %arg6[%arg1, %dma_wait3A_32] : memref<16x176xf32, #tpu.memory_space<hbm>> -> memref<1x176xf32, #tpu.memory_space<hbm>>
      %dma_wait3A_34 = tpu.memref_squeeze %dma_wait3A_33 : memref<1x176xf32, #tpu.memory_space<hbm>> -> memref<176xf32, #tpu.memory_space<hbm>>
      tpu.wait_dma2 semaphore(%run_scoped3A : memref<!tpu.dma_semaphore, #tpu.memory_space<semaphore_mem>>) src(%arg23 : memref<176xf32, #tpu.memory_space<vmem>>) dst(%dma_wait3A_34 : memref<176xf32, #tpu.memory_space<hbm>>)
      tpu.yield
    }) : () -> ()
    "tpu.region"() ({
      %run_scoped3A = tpu.sem_alloc : memref<!tpu.dma_semaphore, #tpu.memory_space<semaphore_mem>>
      %dma_start3A = arith.constant 0 : i32
      %dma_start3A_25 = tpu.memref_slice %arg7[%arg1, %dma_start3A] : memref<16x176xf32, #tpu.memory_space<hbm>> -> memref<1x176xf32, #tpu.memory_space<hbm>>
      %dma_start3A_26 = tpu.memref_squeeze %dma_start3A_25 : memref<1x176xf32, #tpu.memory_space<hbm>> -> memref<176xf32, #tpu.memory_space<hbm>>
      %dma_start3A_27 = arith.constant 0 : i32
      %dma_start3A_28 = tpu.memref_slice %arg7[%arg1, %dma_start3A_27] : memref<16x176xf32, #tpu.memory_space<hbm>> -> memref<1x176xf32, #tpu.memory_space<hbm>>
      %dma_start3A_29 = tpu.memref_squeeze %dma_start3A_28 : memref<1x176xf32, #tpu.memory_space<hbm>> -> memref<176xf32, #tpu.memory_space<hbm>>
      tpu.enqueue_dma source(%arg24 : memref<176xf32, #tpu.memory_space<vmem>>) target(%dma_start3A_29 : memref<176xf32, #tpu.memory_space<hbm>>) target_semaphore(%run_scoped3A : memref<!tpu.dma_semaphore, #tpu.memory_space<semaphore_mem>>)
      %dma_wait3A = arith.constant 0 : i32
      %dma_wait3A_30 = tpu.memref_slice %arg7[%arg1, %dma_wait3A] : memref<16x176xf32, #tpu.memory_space<hbm>> -> memref<1x176xf32, #tpu.memory_space<hbm>>
      %dma_wait3A_31 = tpu.memref_squeeze %dma_wait3A_30 : memref<1x176xf32, #tpu.memory_space<hbm>> -> memref<176xf32, #tpu.memory_space<hbm>>
      %dma_wait3A_32 = arith.constant 0 : i32
      %dma_wait3A_33 = tpu.memref_slice %arg7[%arg1, %dma_wait3A_32] : memref<16x176xf32, #tpu.memory_space<hbm>> -> memref<1x176xf32, #tpu.memory_space<hbm>>
      %dma_wait3A_34 = tpu.memref_squeeze %dma_wait3A_33 : memref<1x176xf32, #tpu.memory_space<hbm>> -> memref<176xf32, #tpu.memory_space<hbm>>
      tpu.wait_dma2 semaphore(%run_scoped3A : memref<!tpu.dma_semaphore, #tpu.memory_space<semaphore_mem>>) src(%arg24 : memref<176xf32, #tpu.memory_space<vmem>>) dst(%dma_wait3A_34 : memref<176xf32, #tpu.memory_space<hbm>>)
      tpu.yield
    }) : () -> ()
    return
  }
}

</mosaic_0001>

<sc_bundles>
// kernel: kernel.3.cloned.1.call-start
scs
__scs_entry_jumppad:
0x0: {  	(pc) =	sbr.rel $0x88, $3  }
0x1: {  	(tag) =	ssettag $0x0;
	lr =	simm.s32 $0x1  }
0x2: {  	[smem:$0x3F9F] =	sst lr;
	_ =	strace $0xD0000000  }
0x3: {  	_ = 	snop  }
0x4: {  	_ = 	snop  }
0x5: {  	_ = 	snop  }
0x6: {  	_ = 	snop  }
0x7: {  	_ = 	snop  }
__scs_overlays_trampoline_lowered:
0x8: {  	[smem:$0x3FAE] =	sst s0  }
0x9: {  	[smem:$0x3FAF] =	sst s1  }
0xa: {  	[smem:$0x3FB0] =	sst s2  }
0xb: {  	[smem:$0x3FB1] =	sst s3  }
0xc: {  	[smem:$0x3FB2] =	sst s4  }
0xd: {  	[smem:$0x3FB3] =	sst s5  }
0xe: {  	[smem:$0x3FB4] =	sst s6  }
0xf: {  	[smem:$0x3FB5] =	sst s7  }
0x10: {  	[smem:$0x3FB6] =	sst s8  }
0x11: {  	[smem:$0x3FB7] =	sst s9;
	s0 =	simm.s32 @!p0 $0x0  }
0x12: {  	s1 =	sld [smem:$0x3F9D];
	s0 =	simm.s32 @p0 $0x1  }
0x13: {  	[smem:$0x3FB8] =	sst s0;
	s0 =	simm.s32 @!p1 $0x0  }
0x14: {  	s2 =	sld [smem:$0x3F9C];
	s0 =	simm.s32 @p1 $0x1  }
0x15: {  	[smem:$0x3FB9] =	sst s0;
	s0 =	simm.s32 @!p2 $0x0  }
0x16: {  	s3 =	sld [smem:$0x3FDB];
	s0 =	simm.s32 @p2 $0x1  }
0x17: {  	s4 =	simm.s32 $0x1BF5;
	[smem:$0x3FBB] =	sst s0  }
0x18: {  	s0 =	sld [smem:$0x3F9E];
	_ =	swait.ge [sflag:s4], $0x0  }
0x19: {  	s7 =	sld [smem:$0x3F9F]  }
0x1a: {  	s8 =	sadd.s32 $0xFFFFE003, lr  }
0x1b: {  	s9 =	sadd.s32 $0xFFFFFEF7, lr;
	s5 =	simm.s32 $0xFFFFFFFF;
	p2 =	slt.u32 s8, $0xFFFFF086  }
0x1c: {  	p1 =	slt.u32 s9, $0xF7A;
	s5 =	simm.s32 @!p2 $0x0  }
0x1d: {  	s5 =	simm.s32 @p1 $0x1;
	p0 =	seq.s32 s7, s2  }
0x1e: {  	s7 =	smul.u32 @!p0 $0xF7A, s2;
	p2 =	seq.s32 @!p0 s5, $0x0  }
0x1f: {  	s9 =	smul.u32 $0xF7A, s1;
	s8 =	simm.s32 @!p0 $0x1BF5;
	p2 =	por !p2, p0  }
0x20: {  	[sflag:s8] =	ssyncset.s32 @!p0 $0xFFFFF086;
	s6 =	sadd.s32 @!p0 s3, s7;
	s7 =	simm.s32 @!p0 $0x108  }
0x21: {  	s3 =	sadd.s32 s3, s9;
	s6 =	sadd.s32 @!p0 $0x88, s6;
	s7 =	simm.s32 @p2 $0x1082  }
0x22: {  	[simem:s7], [sflag:s8] =	dma.local @!p0 [hbm:s6], $0xF7A  }
0x23: {  	s9 =	sor.u32 $0xD0000000, s2;
	s6 =	simm.s32 $0x108;
	_ =	swait.ge @!p0 [sflag:s8], $0x0  }
0x24: {  	s3 =	sadd.s32 $0x88, s3;
	s6 =	simm.s32 @!p1 $0x1082;
	[sflag:s4] =	ssyncset.s32 $0xFFFFF086  }
0x25: {  	[simem:s6], [sflag:s4] =	dma.local [hbm:s3], $0xF7A  }
0x26: {  	[smem:$0x3F9F] =	sst s1;
	(tag) =	ssettag s2;
	_ =	strace s9  }
0x27: {  	s1 =	sld [smem:$0x3FAF]  }
0x28: {  	s2 =	sld [smem:$0x3FB0]  }
0x29: {  	s4 =	sld [smem:$0x3FB2]  }
0x2a: {  	p0 =	seq.s32 s5, $0x0;
	s5 =	sld [smem:$0x3FB3]  }
0x2b: {  	s6 =	sld [smem:$0x3FB4]  }
0x2c: {  	s7 =	sld [smem:$0x3FB5]  }
0x2d: {  	s3 =	simm.s32 $0x108;
	s8 =	sld [smem:$0x3FB6]  }
0x2e: {  	s3 =	simm.s32 @!p0 $0x1082;
	s9 =	sld [smem:$0x3FB7]  }
0x2f: {  	lr =	sadd.s32 s0, s3;
	s0 =	sld [smem:$0x3FAE]  }
0x30: {  	s3 =	sld [smem:$0x3FB1]  }
0x31: {  	[smem:$0x3FBA] =	sst s10  }
0x32: {  	s10 =	sld [smem:$0x3FB8];
	_ =	sdelay $0x3  }
0x33: {  	p0 =	seq.s32 s10, $0x1;
	s10 =	sld [smem:$0x3FBA];
	_ =	sdelay $0x3  }
0x34: {  	[smem:$0x3FBA] =	sst s10  }
0x35: {  	s10 =	sld [smem:$0x3FB9];
	_ =	sdelay $0x3  }
0x36: {  	p1 =	seq.s32 s10, $0x1;
	s10 =	sld [smem:$0x3FBA];
	_ =	sdelay $0x3  }
0x37: {  	[smem:$0x3FBA] =	sst s10  }
0x38: {  	s10 =	sld [smem:$0x3FBB]  }
0x39: {  	_ = 	snop;
	(pc) =	sbr.ind lr, $3  }
0x3a: {  	_ = 	snop  }
0x3b: {  	_ = 	snop  }
0x3c: {  	p2 =	seq.s32 s10, $0x1;
	s10 =	sld [smem:$0x3FBA]  }
0x3d: {  	_ =	shalt  }
0x3e: {  	_ =	shalt  }
0x3f: {  	_ =	shalt  }
0x40: {  	_ =	shalt  }
0x41: {  	_ =	shalt  }
0x42: {  	_ =	shalt  }
0x43: {  	_ =	shalt  }
0x44: {  	_ =	shalt  }
0x45: {  	_ =	shalt  }
0x46: {  	_ =	shalt  }
0x47: {  	_ =	shalt  }
0x48: {  	_ =	shalt  }
0x49: {  	_ =	shalt  }
0x4a: {  	_ =	shalt  }
0x4b: {  	_ =	shalt  }
0x4c: {  	_ =	shalt  }
0x4d: {  	_ =	shalt  }
0x4e: {  	_ =	shalt  }
0x4f: {  	_ =	shalt  }
0x50: {  	_ =	shalt  }
0x51: {  	_ =	shalt  }
0x52: {  	_ =	shalt  }
0x53: {  	_ =	shalt  }
0x54: {  	_ =	shalt  }
0x55: {  	_ =	shalt  }
0x56: {  	_ =	shalt  }
0x57: {  	_ =	shalt  }
0x58: {  	_ =	shalt  }
0x59: {  	_ =	shalt  }
0x5a: {  	_ =	shalt  }
0x5b: {  	_ =	shalt  }
0x5c: {  	_ =	shalt  }
0x5d: {  	_ =	shalt  }
0x5e: {  	_ =	shalt  }
0x5f: {  	_ =	shalt  }
0x60: {  	_ =	shalt  }
0x61: {  	_ =	shalt  }
0x62: {  	_ =	shalt  }
0x63: {  	_ =	shalt  }
0x64: {  	_ =	shalt  }
0x65: {  	_ =	shalt  }
0x66: {  	_ =	shalt  }
0x67: {  	_ =	shalt  }
0x68: {  	_ =	shalt  }
0x69: {  	_ =	shalt  }
0x6a: {  	_ =	shalt  }
0x6b: {  	_ =	shalt  }
0x6c: {  	_ =	shalt  }
0x6d: {  	_ =	shalt  }
0x6e: {  	_ =	shalt  }
0x6f: {  	_ =	shalt  }
0x70: {  	_ =	shalt  }
0x71: {  	_ =	shalt  }
0x72: {  	_ =	shalt  }
0x73: {  	_ =	shalt  }
0x74: {  	_ =	shalt  }
0x75: {  	_ =	shalt  }
0x76: {  	_ =	shalt  }
0x77: {  	_ =	shalt  }
0x78: {  	_ =	shalt  }
0x79: {  	_ =	shalt  }
0x7a: {  	_ =	shalt  }
0x7b: {  	_ =	shalt  }
0x7c: {  	_ =	shalt  }
0x7d: {  	_ =	shalt  }
0x7e: {  	_ =	shalt  }
0x7f: {  	_ =	shalt  }
0x80: {  	_ =	shalt  }
0x81: {  	_ =	shalt  }
0x82: {  	_ =	shalt  }
0x83: {  	_ =	shalt  }
0x84: {  	_ =	shalt  }
0x85: {  	_ =	shalt  }
0x86: {  	_ =	shalt  }
0x87: {  	_ =	shalt  }
.Lfunc_end0:
.L_simem_size_0:
called_computation_lowered:
.L_overlay_start_0:
0x88: {  	s0 =	sld [smem:$0x3FD9]  }
0x89: {  	s1 =	sld [smem:$0x3FFE];
	_ =	sdelay $0x3  }
0x8a: {  	s0 =	sadd.s32 s1, s0  }
0x8b: {  	[smem:$0x3FC6] =	sst s0  }
0x8c: {  	_ = 	snop  }
0x8d: {  	s0 =	sld [smem:$0x3FD0];
	_ =	sdelay $0x2  }
0x8e: {  	s13 =	simm.s32 $0xA;
	s2 =	simm.s32 $0x10  }
0x8f: {  	[smem:s2], [sflag:s13] =	dma.local [hbm:s0], $0x1  }
0x90: {  	_ =	swait.eq [sflag:s13], $0x1  }
0x91: {  	[sflag:s13] =	ssyncset.done $0x0  }
0x92: {  	[sflag:s13] =	ssyncadd.s32 $0xFFFFFFFF  }
0x93: {  	s14 =	sld [smem:$0x11];
	(tm) =	ssettm $0x1  }
0x94: {  	s15 =	sld [smem:$0x3FFB];
	_ =	sdelay $0x3  }
0x95: {  	_ =	strace s15  }
0x96: {  	s1 =	sld [smem:$0x3FFC];
	_ =	sdelay $0x3  }
0x97: {  	_ =	strace s1  }
0x98: {  	s1 =	sld [smem:$0x3FFD];
	_ =	sdelay $0x3  }
0x99: {  	_ =	strace s1  }
0x9a: {  	_ =	strace $0x8FFFFFFF  }
0x9b: {  	s16 =	sld [smem:$0x3FDB];
	_ =	sdelay $0x1  }
0x9c: {  	s17 =	simm.s32 $_scs_section_size  }
0x9d: {  	s3 =	simm.s32 $_size__tile_overlayer_lowered;
	s4 =	simm.s32 $_tile_overlayer_lowered  }
0x9e: {  	s20 =	simm.s32 $0x1BFF;
	s19 =	sshll.u32 s4, $0x1;
	s1 =	sadd.s32 s17, s16  }
0x9f: {  	s5 =	simm.s32 $0x0;
	s18 =	sshll.u32 s3, $0x1;
	s3 =	sadd.s32 s19, s1  }
0xa0: {  	[timem:s5], [sflag:s20] =	dma.local [hbm:s3], s18  }
0xa1: {  	_ =	swait.ge [sflag:s20], s18  }
0xa2: {  	s2 =	ssub.s32 $0x0, s18;
	[sflag:s20] =	ssyncset.done $0x0  }
0xa3: {  	[sflag:s20] =	ssyncadd.s32 s2;
	_ =	sdelay $0x1  }
0xa4: {  	s21 =	simm.s32 $0x1B8B  }
0xa5: {  	_ =	swait.ge [sflag:s21], $0x1  }
0xa6: {  	[sflag:s21] =	ssyncset.done $0x0  }
0xa7: {  	s23 =	simm.s32 $0x1B8E;
	s22 =	sld [smem:$0x3FFE];
	[sflag:s21] =	ssyncadd.s32 $0xFFFFFFFF  }
0xa8: {  	s24 =	simm.s32 $execute0_lowered;
	[smem:$0x3FD2] =	sst s23  }
0xa9: {  	s3 =	sshll.u32 s24, $0x1;
	_ =	strace $0x80000046;
	[dreg:$0x1] =	wrdreg $0xFFFFFFFF  }
0xaa: {  	s25 =	simm.s32 $_size_execute0_lowered;
	s1 =	sadd.s32 s1, s3;
	[dreg:$0x0] =	wrdreg $0x0  }
0xab: {  	s3 =	sshll.u32 s25, $0x1;
	[dreg:$0x2] =	wrdreg s1  }
0xac: {  	[dreg:$0x3] =	wrdreg s3  }
0xad: {  	[dreg:$0x4] =	wrdreg $0xC0  }
0xae: {  	_ =	task [dreg:s5], $0x5FFFF  }
0xaf: {  	[dreg:$0x1] =	wrdreg $0xFFFFFFFF  }
0xb0: {  	[dreg:$0x0] =	wrdreg $0x60  }
0xb1: {  	[dreg:$0x2] =	wrdreg s22  }
0xb2: {  	[dreg:$0x3] =	wrdreg s14  }
0xb3: {  	[dreg:$0x4] =	wrdreg $0x9  }
0xb4: {  	_ =	task.clear_ibuf [dreg:s5], $0x5FFFF;
	_ =	strace $0x90000046  }
0xb5: {  	s26 =	simm.s32 $0x9;
	_ =	strace $0x8000004C  }
0xb6: {  	_ =	swait.ge [sflag:s26], $0x1  }
0xb7: {  	[sflag:s26] =	ssyncadd.s32 $0xFFFFFFFF  }
0xb8: {  	_ =	strace $0x9000004C  }
0xb9: {  	_ =	sfence  }
0xba: {  	s28 =	sld [smem:$0x0];
	_ =	sdelay $0x1  }
0xbb: {  	s29 =	srdreg.scid  }
0xbc: {  	s30 =	sshll.u32 s29, $0xD;
	s31 =	sshrl.u32 s29, $0x2  }
0xbd: {  	s2 =	sand.u32 $0x4000, s30;
	s1 =	sand.u32 $0x1, s29;
	s0 =	sadd.s32 s31, s28  }
0xbe: {  	s1 =	sor.u32 s2, s1;
	s0 =	sshll.u32 s0, $0x11  }
0xbf: {  	s0 =	sor.u32 s0, s1  }
0xc0: {  	s0 =	sadd.s32 $0x8F2B, s0  }
0xc1: {  	[sflag:s0] =	ssyncadd.remote.s32 $0x1  }
0xc2: {  	_ =	sfence.sel $0xFFFF  }
0xc3: {  	[dreg:$0x0] =	wrdreg $0xFFFFFFFF;
	(pc) =	sbr.abs _section_cstart, $3  }
0xc4: {  	[dreg:$0x1] =	wrdreg $0xFFFFFFFF  }
0xc5: {  	_ =	task.clear_ibuf [dreg:s5], $0x2FFFF;
	_ =	strace $0x9FFFFFFF  }
0xc6: {  	(tm) =	ssettm $0x7FFFFFFF  }
0xc7: {  	_ =	shalt  }
tec
execute0_lowered:
.L_overlay_start_1:
0x0: {  	(tag) =	ssettag $0x1  }
0x1: {  	s2 =	rddreg [dreg:$0x0]  }
0x2: {  	s0 =	rddreg [dreg:$0x1];
	s4 =	simm.s32 $0x0  }
0x3: {  	[smem:$0x7FF] =	sst s4  }
0x4: {  	s1 =	simm.s32 $0x1FD00;
	s5 =	simm.s32 $0x6;
	_ =	strace $0x80000047  }
0x5: {  	[tilespmem:s1], [sflag:$0x6] =	stream.linear.gather [hbm4b:s2+s4], $0x100, $0x38;
	[tilespmem:$0x1FF80] =	vst v63  }
0x6: {  	_ =	swait.ge [sflag:s5], $0x100  }
0x7: {  	[sflag:s5] =	ssyncset.done $0x0  }
0x8: {  	s15 =	simm.s32 $0x1FE00;
	s3 =	stileid.u32;
	[sflag:s5] =	ssyncadd.s32 $0xFFFFFF00  }
0x9: {  	v0 =	vlaneseq.u32;
	[tilespmem:s15], [sflag:$0x6] =	stream.linear.gather [hbm4b:s0+s4], $0x20, $0x38;
	[tilespmem:$0x1FF80] =	vst v63  }
0xa: {  	s16 =	smul.u32 $0x1880, s3;
	v2 =	vmul.u32 $0x2, v0;
	v0 =	vand.u32 $0x3, v0;
	_ =	swait.ge [sflag:s5], $0x20  }
0xb: {  	s18 =	simm.s32 $0x20;
	s17 =	sadd.s32 $0xE2200, s2;
	v3 =	vmul.u32 $0x2, v0;
	[sflag:s5] =	ssyncset.done $0x0  }
0xc: {  	v4 =	vor.u32 $0x1, v2;
	s0 =	sshrl.u32 s16, $0x3;
	[dreg:$0x3] =	wrdreg s16;
	[sflag:s5] =	ssyncadd.s32 $0xFFFFFFE0  }
0xd: {  	s1 =	simm.s32 $0x1CC00;
	v6 =	vor.u32 s4, v2;
	v5 =	vor.u32 $0xFFFFFF98, v3;
	v8 =	vor.u32 s4, v4;
	[dreg:$0x4] =	wrdreg s17;
	s0 =	sadd.s32 s17, s0;
	v1 =	vld [tilespmem:$0x1FE00]  }
0xe: {  	v9 =	vand.u32 v5, v6;
	v0 =	vld [tilespmem:$0x1FE10];
	[tilespmem:s1], [sflag:$0x6] =	stream.linear.gather [hbm4b:s0+s4], $0x1880, $0x38  }
0xf: {  	v7 =	vor.u32 s18, v2;
	v10 =	vor.u32 s18, v4;
	v6 =	vor.u32 $0xFFFFFFB8, v3;
	_ =	swait.ge [sflag:s5], $0x1880  }
0x10: {  	s19 =	simm.s32 $0x40;
	v11 =	vand.u32 v6, v7;
	[sflag:s5] =	ssyncset.done $0x0  }
0x11: {  	s20 =	simm.s32 $0x60;
	v13 =	vor.u32 s19, v2;
	v12 =	vor.u32 s19, v4;
	v7 =	vor.u32 $0xFFFFFFD8, v3;
	[sflag:s5] =	ssyncadd.s32 $0xFFFFE780  }
0x12: {  	v13 =	vand.u32 v7, v13;
	v14 =	vld.idx.msk [tilespmem:v8+s1+$0x0], $0xffff;
	v8 =	vor.u32 $0xFFFFFFF8, v3;
	v3 =	vor.u32 s20, v2  }
0x13: {  	v16 =	vld.idx.msk [tilespmem:v9+s1+$0x0], $0xffff;
	v17 =	vand.u32 v8, v3  }
0x14: {  	v10 =	vld.idx.msk [tilespmem:v10+s1+$0x0], $0xffff  }
0x15: {  	v15 =	vor.u32 s20, v4;
	s0 =	smul.u32 $0xC40, s3;
	v11 =	vld.idx.msk [tilespmem:v11+s1+$0x0], $0xffff  }
0x16: {  	s21 =	simm.s32 $0x80;
	v12 =	vld.idx.msk [tilespmem:v12+s1+$0x0], $0xffff  }
0x17: {  	v18 =	vimm.f32 $0.0e+00;
	s6 =	simm.s32 $0xE0;
	v20 =	vor.u32 s21, v2;
	v19 =	vor.u32 s21, v4;
	s7 =	sadd.s32 $0xFFFFFFC0, s0;
	v13 =	vld.idx.msk [tilespmem:v13+s1+$0x0], $0xffff  }
0x18: {  	s22 =	simm.s32 $0xC0;
	s23 =	simm.s32 $0xA0;
	v23 =	vor.u32 s6, v2;
	s24 =	sadd.s32 $0x40, s7;
	v14 =	vsub.f32 v16, v14;
	v16 =	vld.idx.msk [tilespmem:v17+s1+$0x0], $0xffff;
	v17 =	vand.u32 v5, v20  }
0x19: {  	v21 =	vor.u32 s22, v4;
	v24 =	vor.u32 s23, v4;
	p0 =	slt.u32 s24, $0xC350;
	v3 =	vimm.f32 $1.000000000e+00  }
0x1a: {  	s25 =	sadd.s32 $0x50, s7;
	v9 =	vor.u32 s6, v4;
	v22 =	vld.idx.msk [tilespmem:v15+s1+$0x0], $0xffff;
	v25 =	vpsel !p0, $0x0, v3;
	vm0 =	vgt.f32 v14, v1  }
0x1b: {  	s4 =	simm.s32 $0x1A760;
	p4 =	slt.u32 s25, $0xC350;
	v10 =	vsub.f32 v11, v10;
	v20 =	vor.u32 s23, v2;
	v26 =	vnsel vm0, $0x0, v25  }
0x1c: {  	s29 =	sadd.s32 $0x1A600, s2;
	s26 =	sadd.s32 $0x60, s7;
	v15 =	vor.u32 s22, v2;
	v11 =	vld.idx.msk [tilespmem:v19+s1+$0x0], $0xffff;
	v14 =	vand.u32 v6, v20;
	v20 =	vpsel !p4, $0x0, v3;
	[tilespmem:s4+$0xFFFFFFE0] =	vst v26  }
0x1d: {  	s30 =	sadd.s32 $0x1A400, s2;
	p5 =	slt.u32 s26, $0xC350;
	vm13 =	vgt.f32 v10, v1;
	v10 =	vsub.f32 v13, v12;
	v18 =	vadd.f32 v26, v18;
	v13 =	vld.idx.msk [tilespmem:v17+s1+$0x0], $0xffff;
	[dreg:$0x6] =	wrdreg s29  }
0x1e: {  	v15 =	vand.u32 v7, v15;
	v27 =	vpsel !p5, $0x0, v3;
	v12 =	vnsel vm13, $0x0, v20;
	[dreg:$0x5] =	wrdreg s30  }
0x1f: {  	s31 =	sadd.s32 $0x200, s2;
	s28 =	sadd.s32 $0x70, s7;
	vm14 =	vgt.f32 v10, v1;
	v17 =	vadd.f32 v12, v18;
	v18 =	vsub.f32 v16, v22;
	[tilespmem:s4+$0xFFFFFFF0] =	vst v12  }
0x20: {  	p6 =	slt.u32 s28, $0xC350;
	v16 =	vand.u32 v8, v23;
	v22 =	vsub.f32 v20, v12;
	v23 =	vnsel vm14, $0x0, v27;
	v10 =	vld.idx.msk [tilespmem:v24+s1+$0x0], $0xffff;
	[dreg:$0x7] =	wrdreg s31  }
0x21: {  	s8 =	simm.s32 $0x40;
	s9 =	simm.s32 $0x100;
	s6 =	simm.s32 $0x1BFE0;
	v20 =	vpsel !p6, $0x0, v3;
	v19 =	vadd.f32 v23, v17;
	vm15 =	vgt.f32 v18, v1;
	v14 =	vld.idx.msk [tilespmem:v14+s1+$0x0], $0xffff;
	[tilespmem:s4+$0x0] =	vst v23  }
0x22: {  	s5 =	sadd.s32 $0x80600, s2;
	s2 =	sadd.s32 $0x1C00, s2;
	s7 =	simm.s32 $0x0;
	v17 =	vsub.f32 v25, v26;
	v18 =	vsub.f32 v27, v23;
	v12 =	vld.idx.msk [tilespmem:v21+s1+$0x0], $0xffff;
	[tilespmem:s6+$0xFFFFFFF0] =	vst v22;
	v21 =	vnsel vm15, $0x0, v20  }
.LBB2_1:
0x23: {  	v22 =	vor.u32 s9, v4;
	s10 =	sadd.s32 $0x40, s9;
	s11 =	sadd.s32 $0x60, s9;
	v15 =	vld.idx.msk [tilespmem:v15+s1+$0x0], $0xffff;
	[tilespmem:s4+$0x10] =	vst v21;
	v20 =	vsub.f32 v20, v21;
	v19 =	vadd.f32 v21, v19  }
0x24: {  	v21 =	vor.u32 s9, v2;
	s12 =	sadd.s32 s7, s0;
	s7 =	smov.u32 s8;
	v23 =	vor.u32 s10, v4;
	v24 =	vld.idx.msk [tilespmem:v9+s1+$0x0], $0xffff;
	v9 =	vor.u32 s11, v4  }
0x25: {  	s13 =	sadd.s32 $0x20, s9;
	s8 =	sadd.s32 $0x40, s8;
	v25 =	vor.u32 s10, v2;
	v26 =	vor.u32 s11, v2;
	v11 =	vsub.f32 v13, v11;
	s10 =	sadd.s32 $0x40, s12;
	v16 =	vld.idx.msk [tilespmem:v16+s1+$0x0], $0xffff;
	[tilespmem:s6+$0x10] =	vst v20  }
0x26: {  	v13 =	vand.u32 v5, v21;
	v21 =	vor.u32 s13, v4;
	p0 =	slt.u32 s8, $0xC00;
	v20 =	vor.u32 s13, v2;
	p1 =	slt.u32 s10, $0xC350;
	s10 =	sadd.s32 $0x50, s12;
	[tilespmem:s6+$0x0] =	vst v18  }
0x27: {  	v18 =	vpsel !p1, $0x0, v3;
	vm0 =	vgt.f32 v11, v1;
	v10 =	vsub.f32 v14, v10;
	p1 =	slt.u32 s10, $0xC350;
	[tilespmem:s6+$0xFFFFFFE0] =	vst v17  }
0x28: {  	s4 =	sadd.s32 $0x40, s4;
	v14 =	vand.u32 v6, v20;
	s10 =	sadd.s32 $0x60, s12;
	v17 =	vnsel vm0, $0x0, v18;
	v20 =	vpsel !p1, $0x0, v3  }
0x29: {  	p1 =	slt.u32 s10, $0xC350;
	v19 =	vadd.f32 v17, v19;
	vm0 =	vgt.f32 v10, v1;
	v10 =	vsub.f32 v15, v12;
	[tilespmem:s4+$0xFFFFFFE0] =	vst v17  }
.Ltmp0:
0x2a: {  	v15 =	vand.u32 v7, v25;
	v12 =	vnsel vm0, $0x0, v20;
	v11 =	vld.idx.msk [tilespmem:v22+s1+$0x0], $0xffff;
	v22 =	vpsel !p1, $0x0, v3;
	(pc) =	sbr.rel @p0 .LBB2_1-.Ltmp0, $4  }
0x2b: {  	s10 =	sadd.s32 $0x70, s12;
	v19 =	vadd.f32 v12, v19;
	vm0 =	vgt.f32 v10, v1;
	v24 =	vsub.f32 v16, v24;
	v13 =	vld.idx.msk [tilespmem:v13+s1+$0x0], $0xffff  }
0x2c: {  	v16 =	vand.u32 v8, v26;
	p1 =	slt.u32 s10, $0xC350;
	v25 =	vnsel vm0, $0x0, v22;
	v10 =	vld.idx.msk [tilespmem:v21+s1+$0x0], $0xffff;
	[tilespmem:s4+$0xFFFFFFF0] =	vst v12;
	v21 =	vsub.f32 v20, v12  }
0x2d: {  	s6 =	sadd.s32 $0x40, s6;
	v19 =	vadd.f32 v25, v19;
	v20 =	vpsel !p1, $0x0, v3;
	vm0 =	vgt.f32 v24, v1;
	v14 =	vld.idx.msk [tilespmem:v14+s1+$0x0], $0xffff;
	[tilespmem:s4+$0x0] =	vst v25  }
0x2e: {  	s9 =	sadd.s32 $0x80, s9;
	v17 =	vsub.f32 v18, v17;
	v18 =	vsub.f32 v22, v25;
	v12 =	vld.idx.msk [tilespmem:v23+s1+$0x0], $0xffff;
	[tilespmem:s6+$0xFFFFFFF0] =	vst v21;
	v21 =	vnsel vm0, $0x0, v20  }
0x2f: {  	_ =	sdelay $0x3  }
0x30: {  	v2 =	vld.idx.msk [tilespmem:v15+s1+$0x0], $0xffff  }
0x31: {  	v4 =	vld.idx.msk [tilespmem:v9+s1+$0x0], $0xffff  }
0x32: {  	s7 =	sadd.s32 s7, s0;
	v6 =	vld.idx.msk [tilespmem:v16+s1+$0x0], $0xffff  }
0x33: {  	v5 =	vsub.f32 v13, v11;
	s8 =	sadd.s32 $0x40, s7  }
0x34: {  	v7 =	vsub.f32 v20, v21;
	[tilespmem:s4+$0x10] =	vst v21;
	s16 =	sadd.s32 $0x50, s7;
	p0 =	slt.u32 s8, $0xC350  }
0x35: {  	[tilespmem:s6+$0x0] =	vst v18;
	s17 =	sadd.s32 $0x60, s7;
	p4 =	slt.u32 s16, $0xC350;
	v8 =	vpsel !p0, $0x0, v3;
	vm0 =	vgt.f32 v5, v1;
	v5 =	vsub.f32 v14, v10  }
0x36: {  	s19 =	sadd.s32 $0x70, s7;
	[tilespmem:s6+$0x10] =	vst v7;
	p5 =	slt.u32 s17, $0xC350;
	v61 =	vpsel !p4, $0x0, v3;
	v7 =	vnsel vm0, $0x0, v8;
	v2 =	vsub.f32 v2, v12  }
0x37: {  	s18 =	sadd.s32 $0x40, s4;
	[tilespmem:s6+$0xFFFFFFE0] =	vst v17;
	p6 =	slt.u32 s19, $0xC350;
	vm13 =	vgt.f32 v5, v1;
	v4 =	vsub.f32 v6, v4;
	v6 =	vpsel !p5, $0x0, v3  }
0x38: {  	[tilespmem:s18+$0xFFFFFFE0] =	vst v7;
	v3 =	vpsel !p6, $0x0, v3;
	v62 =	vnsel vm13, $0x0, v61;
	vm14 =	vgt.f32 v2, v1  }
0x39: {  	v2 =	vsub.f32 v61, v62;
	[tilespmem:s18+$0xFFFFFFF0] =	vst v62;
	vm15 =	vgt.f32 v4, v1;
	v63 =	vnsel vm14, $0x0, v6  }
0x3a: {  	s20 =	sadd.s32 $0x40, s6;
	v4 =	vnsel vm15, $0x0, v3;
	[tilespmem:s18+$0x0] =	vst v63  }
0x3b: {  	[tilespmem:s20+$0xFFFFFFF0] =	vst v2;
	v2 =	vsub.f32 v3, v4  }
0x3c: {  	[tilespmem:s18+$0x10] =	vst v4  }
0x3d: {  	[tilespmem:s20+$0x10] =	vst v2  }
0x3e: {  	v60 =	vadd.f32 v21, v19;
	s21 =	smul.u32 $0x186A0, s3;
	s26 =	rddreg [dreg:$0x3]  }
0x3f: {  	v3 =	vsub.f32 v6, v63;
	s9 =	sadd.s32 $0x10C8E0, s26  }
0x40: {  	s23 =	sshrl.u32 s21, $0x3;
	v5 =	vadd.f32 v7, v60;
	[dreg:$0x9] =	wrdreg s9  }
0x41: {  	s4 =	sadd.s32 s5, s23;
	s24 =	rddreg [dreg:$0x7];
	[tilespmem:s20+$0x0] =	vst v3  }
0x42: {  	v1 =	vadd.f32 v62, v5;
	v5 =	vsub.f32 v8, v7;
	[dreg:$0xa] =	wrdreg s4;
	s4 =	sadd.s32 $0x30D40, s4  }
0x43: {  	s22 =	sshrl.u32 s0, $0x3;
	s29 =	simm.s32 $0x1FD00;
	[dreg:$0xb] =	wrdreg s4  }
0x44: {  	s30 =	simm.s32 $0x0;
	s28 =	sadd.s32 s2, s22;
	s1 =	sadd.s32 s2, s26;
	[tilespmem:s20+$0xFFFFFFE0] =	vst v5  }
0x45: {  	s12 =	sadd.s32 $0x7D0, s21;
	s2 =	sadd.s32 $0x1880, s28;
	[dreg:$0xd] =	wrdreg s1  }
0x46: {  	s14 =	sadd.s32 $0xFA0, s21;
	s4 =	sadd.s32 $0x3100, s28;
	[dreg:$0xe] =	wrdreg s2  }
0x47: {  	s6 =	sadd.s32 $0x4980, s28;
	s7 =	sadd.s32 $0x6200, s28;
	[dreg:$0xf] =	wrdreg s4  }
0x48: {  	s10 =	sadd.s32 $0x7A80, s28;
	s21 =	simm.s32 $0x0;
	v1 =	vadd.f32 v63, v1;
	[dreg:$0x10] =	wrdreg s6  }
0x49: {  	s11 =	sadd.s32 $0x9300, s28;
	s13 =	sadd.s32 $0xAB80, s28;
	[dreg:$0x11] =	wrdreg s7  }
0x4a: {  	s15 =	sadd.s32 $0xC400, s28;
	v1 =	vadd.f32 v4, v1;
	s25 =	sadd.s32 s24, s22;
	[dreg:$0x12] =	wrdreg s10  }
0x4b: {  	s16 =	smul.u32 $0x3100, s3;
	s17 =	sadd.s32 $0xDC80, s28;
	[dreg:$0x8] =	wrdreg s25  }
0x4c: {  	s19 =	sadd.s32 $0x10D80, s28;
	s23 =	sadd.s32 $0x12600, s28;
	[tilespmem:$0x1FE20] =	vst v1;
	v1 =	vimm.f32 $0.0e+00;
	[dreg:$0x13] =	wrdreg s11  }
0x4d: {  	s18 =	sadd.s32 $0xF500, s28;
	s22 =	simm.s32 $0x1A740;
	[dreg:$0x14] =	wrdreg s13;
	[tilespmem:$0x1FED0] =	vst v1  }
0x4e: {  	[hbm4b:s25+s21] =	stream.linear.scatter [tilespmem:s22], [sflag:$0x6], $0xC40, $0x38;
	[tilespmem:$0x1FF80] =	vst v63  }
0x4f: {  	s24 =	sadd.s32 $0x13E80, s28;
	[dreg:$0x15] =	wrdreg s15;
	s25 =	simm.s32 $0x6  }
0x50: {  	s26 =	sadd.s32 $0x15700, s28;
	_ =	swait.ge [sflag:s25], $0xC40;
	[dreg:$0x16] =	wrdreg s17  }
0x51: {  	s20 =	sshrl.u32 s16, $0x2;
	[dreg:$0x17] =	wrdreg s18;
	[sflag:s25] =	ssyncset.done $0x0  }
0x52: {  	s16 =	simm.s32 $0x1E480;
	[dreg:$0x18] =	wrdreg s19;
	[sflag:s25] =	ssyncadd.s32 $0xFFFFF3C0  }
0x53: {  	v2 =	vlaneseq.u32;
	s31 =	sadd.s32 $0xC440, s20;
	s0 =	sadd.s32 $0xD000, s20;
	[bflag:$0x0] =	sbarrier.arrive $0xFFFF  }
0x54: {  	v3 =	vand.u32 $0x3, v2;
	s4 =	sor.u32 $0x20, s20;
	s6 =	sadd.s32 $0xC420, s20;
	[dreg:$0x19] =	wrdreg s23  }
0x55: {  	v2 =	vmul.u32 $0x2, v2;
	v7 =	vmul.u32 $0x2, v3;
	s15 =	simm.s32 $0x1CC00;
	s20 =	simm.s32 $0x19F70;
	[dreg:$0x1a] =	wrdreg s24  }
0x56: {  	s2 =	simm.s32 $0xC400;
	s18 =	simm.s32 $0x2;
	[dreg:$0x1b] =	wrdreg s26  }
0x57: {  	v4 =	vor.u32 $0x1, v2;
	v3 =	vor.u32 $0xFFFFFF98, v7;
	s19 =	simm.s32 $0x18FD0;
	[dreg:$0xc] =	wrdreg s28;
	s28 =	sadd.s32 $0x16F80, s28  }
0x58: {  	v5 =	vor.u32 $0xFFFFFFB8, v7;
	v6 =	vor.u32 $0xFFFFFFD8, v7;
	v7 =	vor.u32 $0xFFFFFFF8, v7;
	s23 =	simm.s32 $0x3;
	s24 =	simm.s32 $0x1B380;
	[dreg:$0x1c] =	wrdreg s28  }
.LBB2_3:
0x59: {  	_ =	strace $0x80000048  }
0x5a: {  	s3 =	rddreg [dreg:$0x7]  }
0x5b: {  	s1 =	smul.u32 $0x186A0, s30;
	s17 =	rddreg [dreg:$0x3]  }
0x5c: {  	[tilespmem:s21], [sflag:$0x1] =	stream.linear.gather [hbm4b:s3+s21], $0xC400, $0x200038;
	[tilespmem:$0x1FF80] =	vst v63  }
0x5d: {  	s7 =	sadd.s32 s17, s1  }
0x5e: {  	s28 =	rddreg [dreg:$0x9];
	s7 =	sadd.s32 $0x186A0, s7  }
0x5f: {  	s26 =	rddreg [dreg:$0x4];
	s1 =	sadd.s32 s1, s28;
	s7 =	sshrl.u32 s7, $0x3  }
0x60: {  	s1 =	sshrl.u32 s1, $0x3;
	s7 =	sadd.s32 s26, s7  }
0x61: {  	[tilespmem:s15], [sflag:$0x4] =	stream.linear.gather [hbm4b:s7+s21], $0x1880, $0x200038;
	[tilespmem:$0x1FF80] =	vst v63  }
0x62: {  	s1 =	sadd.s32 s26, s1;
	s7 =	simm.s32 $0xC440  }
0x63: {  	[tilespmem:s16], [sflag:$0x5] =	stream.linear.gather [hbm4b:s1+s21], $0x1880, $0x200038;
	[tilespmem:$0x1FF80] =	vst v63  }
0x64: {  	[tilespmem:s7+$0xFFFFFFC0] =	vst v1  }
0x65: {  	[tilespmem:s7+$0x30] =	vst v1  }
0x66: {  	[tilespmem:s7+$0x20] =	vst v1  }
0x67: {  	[tilespmem:s7+$0x10] =	vst v1  }
0x68: {  	[tilespmem:s7+$0x0] =	vst v1  }
0x69: {  	[tilespmem:s7+$0xFFFFFFF0] =	vst v1  }
0x6a: {  	s8 =	simm.s32 $0x0;
	s1 =	sadd.s32 $0x1, s30;
	[tilespmem:s7+$0xFFFFFFE0] =	vst v1  }
.LBB2_4:
0x6b: {  	s8 =	sadd.s32 $0x80, s8;
	[tilespmem:s7+$0xFFFFFFD0] =	vst v1;
	s7 =	sadd.s32 $0x80, s7  }
0x6c: {  	[tilespmem:s7+$0xFFFFFFC0] =	vst v1;
	p0 =	slt.u32 s8, $0xC380  }
0x6d: {  	[tilespmem:s7+$0x30] =	vst v1  }
.Ltmp1:
0x6e: {  	[tilespmem:s7+$0x20] =	vst v1;
	(pc) =	sbr.rel @p0 .LBB2_4-.Ltmp1, $4  }
0x6f: {  	[tilespmem:s7+$0x10] =	vst v1  }
0x70: {  	[tilespmem:s7+$0x0] =	vst v1  }
0x71: {  	[tilespmem:s7+$0xFFFFFFF0] =	vst v1  }
0x72: {  	[tilespmem:s7+$0xFFFFFFE0] =	vst v1  }
0x73: {  	[tilespmem:s7+$0xFFFFFFD0] =	vst v1;
	s3 =	simm.s32 $0x1  }
0x74: {  	_ =	swait.ge [sflag:s3], $0xC400  }
0x75: {  	[sflag:s3] =	ssyncset.done $0x0  }
0x76: {  	[sflag:s3] =	ssyncadd.s32 $0xFFFF3C00  }
0x77: {  	_ =	strace $0x90000048  }
0x78: {  	_ =	strace $0x80000049  }
0x79: {  	s7 =	simm.s32 $0x0;
	s8 =	simm.s32 $0x18800;
	s17 =	rddreg [dreg:$0xa]  }
0x7a: {  	[tilespmem:s8], [sflag:$0x2] =	stream.linear.gather [hbm4b:s17+s7], $0x7D0, $0x200038;
	[tilespmem:$0x1FF80] =	vst v63  }
0x7b: {  	s28 =	simm.s32 $0x197A0;
	s26 =	rddreg [dreg:$0xb]  }
0x7c: {  	[tilespmem:s28], [sflag:$0x2] =	stream.linear.gather [hbm4b:s26+s7], $0x7D0, $0x200038;
	[tilespmem:$0x1FF80] =	vst v63  }
.LBB2_7:
0x7d: {  	_ =	swait.ge [sflag:s18], $0x7D0  }
0x7e: {  	s9 =	smul.u32 $0xFA0, s7;
	[sflag:s18] =	ssyncset.done $0x0  }
0x7f: {  	[sflag:s18] =	ssyncadd.s32 $0xFFFFF830  }
0x80: {  	s8 =	sadd.s32 s9, s12;
	_ =	swait.ge [sflag:s18], $0x7D0  }
0x81: {  	s8 =	sshrl.u32 s8, $0x3;
	[sflag:s18] =	ssyncset.done $0x0  }
0x82: {  	s8 =	sadd.s32 s5, s8;
	[sflag:s18] =	ssyncadd.s32 $0xFFFFF830  }
0x83: {  	[tilespmem:s19], [sflag:$0x3] =	stream.linear.gather [hbm4b:s8+s21], $0x7D0, $0x200038;
	[tilespmem:$0x1FF80] =	vst v63  }
0x84: {  	s28 =	simm.s32 $0x19860;
	s8 =	sadd.s32 $0x30D40, s8  }
0x85: {  	[tilespmem:s20], [sflag:$0x3] =	stream.linear.gather [hbm4b:s8+s21], $0x7D0, $0x200038;
	[tilespmem:$0x1FF80] =	vst v63  }
0x86: {  	v8 =	vld [tilespmem:s28+$0xFFFFFF40]  }
0x87: {  	v9 =	vld [tilespmem:s28+$0xFFFFFF50]  }
0x88: {  	v10 =	vld [tilespmem:s28+$0xFFFFFF60]  }
0x89: {  	v11 =	vld [tilespmem:s28+$0xFFFFFF70]  }
0x8a: {  	v12 =	vld [tilespmem:s28+$0xFFFFFF80]  }
0x8b: {  	v13 =	vld [tilespmem:s28+$0xFFFFFF90]  }
0x8c: {  	v14 =	vld [tilespmem:s28+$0xFFFFFFA0]  }
0x8d: {  	v15 =	vld [tilespmem:s28+$0xFFFFFFB0]  }
0x8e: {  	v16 =	vld [tilespmem:s28+$0xFFFFFFC0]  }
0x8f: {  	v17 =	vld [tilespmem:s28+$0xFFFFFFD0]  }
0x90: {  	v18 =	vld [tilespmem:s28+$0xFFFFFFE0]  }
0x91: {  	v19 =	vld [tilespmem:s28+$0xFFFFFFF0]  }
0x92: {  	v20 =	vld [tilespmem:s28+$0x0]  }
0x93: {  	v21 =	vld [tilespmem:s28+$0x10]  }
0x94: {  	v22 =	vld [tilespmem:s28+$0x20]  }
0x95: {  	v23 =	vld [tilespmem:s28+$0x30]  }
0x96: {  	v24 =	vld [tilespmem:s28+$0x40]  }
0x97: {  	v25 =	vld [tilespmem:s28+$0x50]  }
0x98: {  	v26 =	vld [tilespmem:s28+$0x60]  }
0x99: {  	v27 =	vld [tilespmem:s28+$0x70]  }
0x9a: {  	v28 =	vld [tilespmem:s28+$0x80]  }
0x9b: {  	v29 =	vld [tilespmem:s28+$0x90]  }
0x9c: {  	v30 =	vld [tilespmem:s28+$0xA0]  }
0x9d: {  	v31 =	vld [tilespmem:s28+$0xB0]  }
0x9e: {  	s11 =	simm.s32 $0x188C0;
	v32 =	vld [tilespmem:s28+$0xC0]  }
0x9f: {  	v33 =	vld [tilespmem:s11+$0xFFFFFF40]  }
0xa0: {  	v34 =	vld [tilespmem:s11+$0xFFFFFF50]  }
0xa1: {  	v35 =	vld [tilespmem:s11+$0xFFFFFF60]  }
0xa2: {  	v36 =	vld [tilespmem:s11+$0xFFFFFF70]  }
0xa3: {  	v37 =	vld [tilespmem:s11+$0xFFFFFF80]  }
0xa4: {  	v38 =	vld [tilespmem:s11+$0xFFFFFF90]  }
0xa5: {  	v39 =	vld [tilespmem:s11+$0xFFFFFFA0]  }
0xa6: {  	v40 =	vld [tilespmem:s11+$0xFFFFFFB0]  }
0xa7: {  	v41 =	vld [tilespmem:s11+$0xFFFFFFC0]  }
0xa8: {  	v42 =	vld [tilespmem:s11+$0xFFFFFFD0]  }
0xa9: {  	v43 =	vld [tilespmem:s11+$0xFFFFFFE0]  }
0xaa: {  	v44 =	vld [tilespmem:s11+$0xFFFFFFF0]  }
0xab: {  	v45 =	vld [tilespmem:s11+$0x0]  }
0xac: {  	v46 =	vld [tilespmem:s11+$0x10]  }
0xad: {  	v47 =	vld [tilespmem:s11+$0x20]  }
0xae: {  	v48 =	vld [tilespmem:s11+$0x30]  }
0xaf: {  	v49 =	vld [tilespmem:s11+$0x40]  }
0xb0: {  	v50 =	vld [tilespmem:s11+$0x50]  }
0xb1: {  	v51 =	vld [tilespmem:s11+$0x60]  }
0xb2: {  	v52 =	vld [tilespmem:s11+$0x70]  }
0xb3: {  	v53 =	vld [tilespmem:s11+$0x80]  }
0xb4: {  	v54 =	vld [tilespmem:s11+$0x90]  }
0xb5: {  	v55 =	vld [tilespmem:s11+$0xA0]  }
0xb6: {  	v56 =	vld [tilespmem:s11+$0xB0]  }
0xb7: {  	v57 =	vld [tilespmem:s11+$0xC0]  }
0xb8: {  	v33 =	vld.idx.msk [tilespmem:v33+s21+$0x0], $0xffff  }
0xb9: {  	v34 =	vld.idx.msk [tilespmem:v34+s21+$0x0], $0xffff  }
0xba: {  	v35 =	vld.idx.msk [tilespmem:v35+s21+$0x0], $0xffff  }
0xbb: {  	v36 =	vld.idx.msk [tilespmem:v36+s21+$0x0], $0xffff  }
0xbc: {  	v37 =	vld.idx.msk [tilespmem:v37+s21+$0x0], $0xffff  }
0xbd: {  	v38 =	vld.idx.msk [tilespmem:v38+s21+$0x0], $0xffff  }
0xbe: {  	v39 =	vld.idx.msk [tilespmem:v39+s21+$0x0], $0xffff  }
0xbf: {  	v40 =	vld.idx.msk [tilespmem:v40+s21+$0x0], $0xffff  }
0xc0: {  	v41 =	vld.idx.msk [tilespmem:v41+s21+$0x0], $0xffff  }
0xc1: {  	v42 =	vld.idx.msk [tilespmem:v42+s21+$0x0], $0xffff  }
0xc2: {  	v43 =	vld.idx.msk [tilespmem:v43+s21+$0x0], $0xffff  }
0xc3: {  	v44 =	vld.idx.msk [tilespmem:v44+s21+$0x0], $0xffff  }
0xc4: {  	v45 =	vld.idx.msk [tilespmem:v45+s21+$0x0], $0xffff  }
0xc5: {  	v46 =	vld.idx.msk [tilespmem:v46+s21+$0x0], $0xffff  }
0xc6: {  	v47 =	vld.idx.msk [tilespmem:v47+s21+$0x0], $0xffff  }
0xc7: {  	v48 =	vld.idx.msk [tilespmem:v48+s21+$0x0], $0xffff  }
0xc8: {  	v49 =	vld.idx.msk [tilespmem:v49+s21+$0x0], $0xffff  }
0xc9: {  	v50 =	vld.idx.msk [tilespmem:v50+s21+$0x0], $0xffff  }
0xca: {  	v51 =	vld.idx.msk [tilespmem:v51+s21+$0x0], $0xffff  }
0xcb: {  	v52 =	vld.idx.msk [tilespmem:v52+s21+$0x0], $0xffff  }
0xcc: {  	v53 =	vld.idx.msk [tilespmem:v53+s21+$0x0], $0xffff  }
0xcd: {  	v54 =	vld.idx.msk [tilespmem:v54+s21+$0x0], $0xffff  }
0xce: {  	v55 =	vld.idx.msk [tilespmem:v55+s21+$0x0], $0xffff  }
0xcf: {  	v56 =	vld.idx.msk [tilespmem:v56+s21+$0x0], $0xffff  }
0xd0: {  	v57 =	vld.idx.msk [tilespmem:v57+s21+$0x0], $0xffff  }
0xd1: {  	[tilespmem:v8+s2+$0x0] =	vst.idx.add.f32.msk $0xffff, v33  }
0xd2: {  	[tilespmem:v9+s2+$0x0] =	vst.idx.add.f32.msk $0xffff, v34  }
0xd3: {  	[tilespmem:v10+s2+$0x0] =	vst.idx.add.f32.msk $0xffff, v35  }
0xd4: {  	[tilespmem:v11+s2+$0x0] =	vst.idx.add.f32.msk $0xffff, v36  }
0xd5: {  	[tilespmem:v12+s2+$0x0] =	vst.idx.add.f32.msk $0xffff, v37  }
0xd6: {  	[tilespmem:v13+s2+$0x0] =	vst.idx.add.f32.msk $0xffff, v38  }
0xd7: {  	[tilespmem:v14+s2+$0x0] =	vst.idx.add.f32.msk $0xffff, v39  }
0xd8: {  	[tilespmem:v15+s2+$0x0] =	vst.idx.add.f32.msk $0xffff, v40  }
0xd9: {  	[tilespmem:v16+s2+$0x0] =	vst.idx.add.f32.msk $0xffff, v41  }
0xda: {  	[tilespmem:v17+s2+$0x0] =	vst.idx.add.f32.msk $0xffff, v42  }
0xdb: {  	[tilespmem:v18+s2+$0x0] =	vst.idx.add.f32.msk $0xffff, v43  }
0xdc: {  	[tilespmem:v19+s2+$0x0] =	vst.idx.add.f32.msk $0xffff, v44  }
0xdd: {  	[tilespmem:v20+s2+$0x0] =	vst.idx.add.f32.msk $0xffff, v45  }
0xde: {  	[tilespmem:v21+s2+$0x0] =	vst.idx.add.f32.msk $0xffff, v46  }
0xdf: {  	[tilespmem:v22+s2+$0x0] =	vst.idx.add.f32.msk $0xffff, v47  }
0xe0: {  	[tilespmem:v23+s2+$0x0] =	vst.idx.add.f32.msk $0xffff, v48  }
0xe1: {  	[tilespmem:v24+s2+$0x0] =	vst.idx.add.f32.msk $0xffff, v49  }
0xe2: {  	[tilespmem:v25+s2+$0x0] =	vst.idx.add.f32.msk $0xffff, v50  }
0xe3: {  	[tilespmem:v26+s2+$0x0] =	vst.idx.add.f32.msk $0xffff, v51  }
0xe4: {  	[tilespmem:v27+s2+$0x0] =	vst.idx.add.f32.msk $0xffff, v52  }
0xe5: {  	[tilespmem:v28+s2+$0x0] =	vst.idx.add.f32.msk $0xffff, v53  }
0xe6: {  	[tilespmem:v29+s2+$0x0] =	vst.idx.add.f32.msk $0xffff, v54  }
0xe7: {  	[tilespmem:v30+s2+$0x0] =	vst.idx.add.f32.msk $0xffff, v55  }
0xe8: {  	[tilespmem:v31+s2+$0x0] =	vst.idx.add.f32.msk $0xffff, v56  }
0xe9: {  	s10 =	simm.s32 $0x199F0;
	s8 =	simm.s32 $0x0;
	[tilespmem:v32+s2+$0x0] =	vst.idx.add.f32.msk $0xffff, v57  }
.LBB2_8:
0xea: {  	v22 =	vld [tilespmem:s10+$0xFFFFFF40]  }
0xeb: {  	v23 =	vld [tilespmem:s10+$0xFFFFFF50]  }
0xec: {  	v24 =	vld [tilespmem:s10+$0xFFFFFF60]  }
0xed: {  	v25 =	vld [tilespmem:s10+$0xFFFFFF70]  }
0xee: {  	v26 =	vld [tilespmem:s10+$0xFFFFFF80]  }
0xef: {  	v27 =	vld [tilespmem:s10+$0xFFFFFF90]  }
0xf0: {  	v28 =	vld [tilespmem:s10+$0xFFFFFFA0]  }
0xf1: {  	v29 =	vld [tilespmem:s10+$0xFFFFFFB0]  }
0xf2: {  	v30 =	vld [tilespmem:s10+$0xFFFFFFC0]  }
0xf3: {  	v31 =	vld [tilespmem:s10+$0xFFFFFFD0]  }
0xf4: {  	v32 =	vld [tilespmem:s10+$0xFFFFFFE0]  }
0xf5: {  	v21 =	vld [tilespmem:s10+$0xFFFFFFF0]  }
0xf6: {  	v8 =	vld [tilespmem:s10+$0x0]  }
0xf7: {  	v9 =	vld [tilespmem:s10+$0x10]  }
0xf8: {  	v10 =	vld [tilespmem:s10+$0x20]  }
0xf9: {  	v11 =	vld [tilespmem:s10+$0x30]  }
0xfa: {  	v12 =	vld [tilespmem:s10+$0x40]  }
0xfb: {  	v13 =	vld [tilespmem:s10+$0x50]  }
0xfc: {  	v14 =	vld [tilespmem:s10+$0x60]  }
0xfd: {  	v15 =	vld [tilespmem:s10+$0x70]  }
0xfe: {  	v16 =	vld [tilespmem:s10+$0x80]  }
0xff: {  	v17 =	vld [tilespmem:s10+$0x90]  }
0x100: {  	v18 =	vld [tilespmem:s10+$0xA0]  }
0x101: {  	v19 =	vld [tilespmem:s10+$0xB0]  }
0x102: {  	s11 =	sadd.s32 $0x190, s11;
	v20 =	vld [tilespmem:s10+$0xC0]  }
0x103: {  	v33 =	vld [tilespmem:s11+$0xFFFFFF40]  }
0x104: {  	v34 =	vld [tilespmem:s11+$0xFFFFFF50]  }
0x105: {  	v35 =	vld [tilespmem:s11+$0xFFFFFF60]  }
0x106: {  	v36 =	vld [tilespmem:s11+$0xFFFFFF70]  }
0x107: {  	v37 =	vld [tilespmem:s11+$0xFFFFFF80]  }
0x108: {  	v38 =	vld [tilespmem:s11+$0xFFFFFF90]  }
0x109: {  	v39 =	vld [tilespmem:s11+$0xFFFFFFA0]  }
0x10a: {  	v40 =	vld [tilespmem:s11+$0xFFFFFFB0]  }
0x10b: {  	v41 =	vld [tilespmem:s11+$0xFFFFFFC0]  }
0x10c: {  	v42 =	vld [tilespmem:s11+$0xFFFFFFD0]  }
0x10d: {  	v43 =	vld [tilespmem:s11+$0xFFFFFFE0]  }
0x10e: {  	v44 =	vld [tilespmem:s11+$0xFFFFFFF0]  }
0x10f: {  	v45 =	vld [tilespmem:s11+$0x0]  }
0x110: {  	v46 =	vld [tilespmem:s11+$0x10]  }
0x111: {  	v47 =	vld [tilespmem:s11+$0x20]  }
0x112: {  	v48 =	vld [tilespmem:s11+$0x30]  }
0x113: {  	v49 =	vld [tilespmem:s11+$0x40]  }
0x114: {  	v50 =	vld [tilespmem:s11+$0x50]  }
0x115: {  	v51 =	vld [tilespmem:s11+$0x60]  }
0x116: {  	v52 =	vld [tilespmem:s11+$0x70]  }
0x117: {  	v53 =	vld [tilespmem:s11+$0x80]  }
0x118: {  	v54 =	vld [tilespmem:s11+$0x90]  }
0x119: {  	v55 =	vld [tilespmem:s11+$0xA0]  }
0x11a: {  	v56 =	vld [tilespmem:s11+$0xB0]  }
0x11b: {  	v57 =	vld [tilespmem:s11+$0xC0]  }
0x11c: {  	v33 =	vld.idx.msk [tilespmem:v33+s21+$0x0], $0xffff  }
0x11d: {  	v34 =	vld.idx.msk [tilespmem:v34+s21+$0x0], $0xffff  }
0x11e: {  	v35 =	vld.idx.msk [tilespmem:v35+s21+$0x0], $0xffff  }
0x11f: {  	v36 =	vld.idx.msk [tilespmem:v36+s21+$0x0], $0xffff  }
0x120: {  	v37 =	vld.idx.msk [tilespmem:v37+s21+$0x0], $0xffff  }
0x121: {  	v38 =	vld.idx.msk [tilespmem:v38+s21+$0x0], $0xffff  }
0x122: {  	v39 =	vld.idx.msk [tilespmem:v39+s21+$0x0], $0xffff  }
0x123: {  	v40 =	vld.idx.msk [tilespmem:v40+s21+$0x0], $0xffff  }
0x124: {  	v41 =	vld.idx.msk [tilespmem:v41+s21+$0x0], $0xffff  }
0x125: {  	v42 =	vld.idx.msk [tilespmem:v42+s21+$0x0], $0xffff  }
0x126: {  	v43 =	vld.idx.msk [tilespmem:v43+s21+$0x0], $0xffff  }
0x127: {  	v44 =	vld.idx.msk [tilespmem:v44+s21+$0x0], $0xffff  }
0x128: {  	v45 =	vld.idx.msk [tilespmem:v45+s21+$0x0], $0xffff  }
0x129: {  	v46 =	vld.idx.msk [tilespmem:v46+s21+$0x0], $0xffff  }
0x12a: {  	v47 =	vld.idx.msk [tilespmem:v47+s21+$0x0], $0xffff  }
0x12b: {  	v48 =	vld.idx.msk [tilespmem:v48+s21+$0x0], $0xffff  }
0x12c: {  	v49 =	vld.idx.msk [tilespmem:v49+s21+$0x0], $0xffff  }
0x12d: {  	v50 =	vld.idx.msk [tilespmem:v50+s21+$0x0], $0xffff  }
0x12e: {  	v51 =	vld.idx.msk [tilespmem:v51+s21+$0x0], $0xffff  }
0x12f: {  	v52 =	vld.idx.msk [tilespmem:v52+s21+$0x0], $0xffff  }
0x130: {  	v53 =	vld.idx.msk [tilespmem:v53+s21+$0x0], $0xffff  }
0x131: {  	v54 =	vld.idx.msk [tilespmem:v54+s21+$0x0], $0xffff  }
0x132: {  	v55 =	vld.idx.msk [tilespmem:v55+s21+$0x0], $0xffff  }
0x133: {  	v56 =	vld.idx.msk [tilespmem:v56+s21+$0x0], $0xffff  }
0x134: {  	v57 =	vld.idx.msk [tilespmem:v57+s21+$0x0], $0xffff  }
0x135: {  	[tilespmem:v22+s2+$0x0] =	vst.idx.add.f32.msk $0xffff, v33  }
0x136: {  	[tilespmem:v23+s2+$0x0] =	vst.idx.add.f32.msk $0xffff, v34  }
0x137: {  	[tilespmem:v24+s2+$0x0] =	vst.idx.add.f32.msk $0xffff, v35  }
0x138: {  	[tilespmem:v25+s2+$0x0] =	vst.idx.add.f32.msk $0xffff, v36  }
0x139: {  	[tilespmem:v26+s2+$0x0] =	vst.idx.add.f32.msk $0xffff, v37  }
0x13a: {  	[tilespmem:v27+s2+$0x0] =	vst.idx.add.f32.msk $0xffff, v38  }
0x13b: {  	[tilespmem:v28+s2+$0x0] =	vst.idx.add.f32.msk $0xffff, v39  }
0x13c: {  	[tilespmem:v29+s2+$0x0] =	vst.idx.add.f32.msk $0xffff, v40  }
0x13d: {  	[tilespmem:v30+s2+$0x0] =	vst.idx.add.f32.msk $0xffff, v41  }
0x13e: {  	[tilespmem:v31+s2+$0x0] =	vst.idx.add.f32.msk $0xffff, v42  }
0x13f: {  	s8 =	sadd.s32 $0x190, s8;
	[tilespmem:v32+s2+$0x0] =	vst.idx.add.f32.msk $0xffff, v43  }
0x140: {  	p0 =	slt.u32 s8, $0x640;
	[tilespmem:v21+s2+$0x0] =	vst.idx.add.f32.msk $0xffff, v44  }
0x141: {  	[tilespmem:v8+s2+$0x0] =	vst.idx.add.f32.msk $0xffff, v45  }
0x142: {  	[tilespmem:v9+s2+$0x0] =	vst.idx.add.f32.msk $0xffff, v46  }
0x143: {  	[tilespmem:v10+s2+$0x0] =	vst.idx.add.f32.msk $0xffff, v47  }
0x144: {  	[tilespmem:v11+s2+$0x0] =	vst.idx.add.f32.msk $0xffff, v48  }
0x145: {  	[tilespmem:v12+s2+$0x0] =	vst.idx.add.f32.msk $0xffff, v49  }
0x146: {  	[tilespmem:v13+s2+$0x0] =	vst.idx.add.f32.msk $0xffff, v50  }
0x147: {  	[tilespmem:v14+s2+$0x0] =	vst.idx.add.f32.msk $0xffff, v51  }
0x148: {  	[tilespmem:v15+s2+$0x0] =	vst.idx.add.f32.msk $0xffff, v52  }
.Ltmp2:
0x149: {  	[tilespmem:v16+s2+$0x0] =	vst.idx.add.f32.msk $0xffff, v53;
	(pc) =	sbr.rel @p0 .LBB2_8-.Ltmp2, $4  }
0x14a: {  	[tilespmem:v17+s2+$0x0] =	vst.idx.add.f32.msk $0xffff, v54  }
0x14b: {  	[tilespmem:v18+s2+$0x0] =	vst.idx.add.f32.msk $0xffff, v55  }
0x14c: {  	[tilespmem:v19+s2+$0x0] =	vst.idx.add.f32.msk $0xffff, v56  }
0x14d: {  	s10 =	sadd.s32 $0x190, s10;
	[tilespmem:v20+s2+$0x0] =	vst.idx.add.f32.msk $0xffff, v57  }
0x14e: {  	_ =	swait.ge [sflag:s23], $0x7D0  }
0x14f: {  	[sflag:s23] =	ssyncset.done $0x0  }
0x150: {  	p0 =	seq.s32 s7, $0x18;
	[sflag:s23] =	ssyncadd.s32 $0xFFFFF830  }
0x151: {  	s8 =	sadd.s32 @!p0 s9, s14;
	_ =	swait.ge [sflag:s23], $0x7D0  }
0x152: {  	s9 =	simm.s32 @!p0 $0x0;
	s8 =	sshrl.u32 @!p0 s8, $0x3;
	[sflag:s23] =	ssyncset.done $0x0  }
0x153: {  	s10 =	simm.s32 @!p0 $0x18800;
	s8 =	sadd.s32 @!p0 s5, s8;
	[sflag:s23] =	ssyncadd.s32 $0xFFFFF830  }
0x154: {  	[tilespmem:s10], [sflag:$0x2] =	stream.linear.gather @!p0 [hbm4b:s8+s9], $0x7D0, $0x200038;
	[tilespmem:$0x1FF80] =	vst v63  }
0x155: {  	s28 =	simm.s32 $0x1A030;
	s8 =	sadd.s32 @!p0 $0x30D40, s8;
	s10 =	simm.s32 @!p0 $0x197A0  }
0x156: {  	[tilespmem:s10], [sflag:$0x2] =	stream.linear.gather @!p0 [hbm4b:s8+s9], $0x7D0, $0x200038;
	[tilespmem:$0x1FF80] =	vst v63  }
0x157: {  	v8 =	vld [tilespmem:s28+$0xFFFFFF40]  }
0x158: {  	v9 =	vld [tilespmem:s28+$0xFFFFFF50]  }
0x159: {  	v10 =	vld [tilespmem:s28+$0xFFFFFF60]  }
0x15a: {  	v11 =	vld [tilespmem:s28+$0xFFFFFF70]  }
0x15b: {  	v12 =	vld [tilespmem:s28+$0xFFFFFF80]  }
0x15c: {  	v13 =	vld [tilespmem:s28+$0xFFFFFF90]  }
0x15d: {  	v14 =	vld [tilespmem:s28+$0xFFFFFFA0]  }
0x15e: {  	v15 =	vld [tilespmem:s28+$0xFFFFFFB0]  }
0x15f: {  	v16 =	vld [tilespmem:s28+$0xFFFFFFC0]  }
0x160: {  	v17 =	vld [tilespmem:s28+$0xFFFFFFD0]  }
0x161: {  	v18 =	vld [tilespmem:s28+$0xFFFFFFE0]  }
0x162: {  	v19 =	vld [tilespmem:s28+$0xFFFFFFF0]  }
0x163: {  	v20 =	vld [tilespmem:s28+$0x0]  }
0x164: {  	v21 =	vld [tilespmem:s28+$0x10]  }
0x165: {  	v22 =	vld [tilespmem:s28+$0x20]  }
0x166: {  	v23 =	vld [tilespmem:s28+$0x30]  }
0x167: {  	v24 =	vld [tilespmem:s28+$0x40]  }
0x168: {  	v25 =	vld [tilespmem:s28+$0x50]  }
0x169: {  	v26 =	vld [tilespmem:s28+$0x60]  }
0x16a: {  	v27 =	vld [tilespmem:s28+$0x70]  }
0x16b: {  	v28 =	vld [tilespmem:s28+$0x80]  }
0x16c: {  	v29 =	vld [tilespmem:s28+$0x90]  }
0x16d: {  	v30 =	vld [tilespmem:s28+$0xA0]  }
0x16e: {  	v31 =	vld [tilespmem:s28+$0xB0]  }
0x16f: {  	s9 =	simm.s32 $0x19090;
	v32 =	vld [tilespmem:s28+$0xC0]  }
0x170: {  	v33 =	vld [tilespmem:s9+$0xFFFFFF40]  }
0x171: {  	v34 =	vld [tilespmem:s9+$0xFFFFFF50]  }
0x172: {  	v35 =	vld [tilespmem:s9+$0xFFFFFF60]  }
0x173: {  	v36 =	vld [tilespmem:s9+$0xFFFFFF70]  }
0x174: {  	v37 =	vld [tilespmem:s9+$0xFFFFFF80]  }
0x175: {  	v38 =	vld [tilespmem:s9+$0xFFFFFF90]  }
0x176: {  	v39 =	vld [tilespmem:s9+$0xFFFFFFA0]  }
0x177: {  	v40 =	vld [tilespmem:s9+$0xFFFFFFB0]  }
0x178: {  	v41 =	vld [tilespmem:s9+$0xFFFFFFC0]  }
0x179: {  	v42 =	vld [tilespmem:s9+$0xFFFFFFD0]  }
0x17a: {  	v43 =	vld [tilespmem:s9+$0xFFFFFFE0]  }
0x17b: {  	v44 =	vld [tilespmem:s9+$0xFFFFFFF0]  }
0x17c: {  	v45 =	vld [tilespmem:s9+$0x0]  }
0x17d: {  	v46 =	vld [tilespmem:s9+$0x10]  }
0x17e: {  	v47 =	vld [tilespmem:s9+$0x20]  }
0x17f: {  	v48 =	vld [tilespmem:s9+$0x30]  }
0x180: {  	v49 =	vld [tilespmem:s9+$0x40]  }
0x181: {  	v50 =	vld [tilespmem:s9+$0x50]  }
0x182: {  	v51 =	vld [tilespmem:s9+$0x60]  }
0x183: {  	v52 =	vld [tilespmem:s9+$0x70]  }
0x184: {  	v53 =	vld [tilespmem:s9+$0x80]  }
0x185: {  	v54 =	vld [tilespmem:s9+$0x90]  }
0x186: {  	v55 =	vld [tilespmem:s9+$0xA0]  }
0x187: {  	v56 =	vld [tilespmem:s9+$0xB0]  }
0x188: {  	v57 =	vld [tilespmem:s9+$0xC0]  }
0x189: {  	v33 =	vld.idx.msk [tilespmem:v33+s21+$0x0], $0xffff  }
0x18a: {  	v34 =	vld.idx.msk [tilespmem:v34+s21+$0x0], $0xffff  }
0x18b: {  	v35 =	vld.idx.msk [tilespmem:v35+s21+$0x0], $0xffff  }
0x18c: {  	v36 =	vld.idx.msk [tilespmem:v36+s21+$0x0], $0xffff  }
0x18d: {  	v37 =	vld.idx.msk [tilespmem:v37+s21+$0x0], $0xffff  }
0x18e: {  	v38 =	vld.idx.msk [tilespmem:v38+s21+$0x0], $0xffff  }
0x18f: {  	v39 =	vld.idx.msk [tilespmem:v39+s21+$0x0], $0xffff  }
0x190: {  	v40 =	vld.idx.msk [tilespmem:v40+s21+$0x0], $0xffff  }
0x191: {  	v41 =	vld.idx.msk [tilespmem:v41+s21+$0x0], $0xffff  }
0x192: {  	v42 =	vld.idx.msk [tilespmem:v42+s21+$0x0], $0xffff  }
0x193: {  	v43 =	vld.idx.msk [tilespmem:v43+s21+$0x0], $0xffff  }
0x194: {  	v44 =	vld.idx.msk [tilespmem:v44+s21+$0x0], $0xffff  }
0x195: {  	v45 =	vld.idx.msk [tilespmem:v45+s21+$0x0], $0xffff  }
0x196: {  	v46 =	vld.idx.msk [tilespmem:v46+s21+$0x0], $0xffff  }
0x197: {  	v47 =	vld.idx.msk [tilespmem:v47+s21+$0x0], $0xffff  }
0x198: {  	v48 =	vld.idx.msk [tilespmem:v48+s21+$0x0], $0xffff  }
0x199: {  	v49 =	vld.idx.msk [tilespmem:v49+s21+$0x0], $0xffff  }
0x19a: {  	v50 =	vld.idx.msk [tilespmem:v50+s21+$0x0], $0xffff  }
0x19b: {  	v51 =	vld.idx.msk [tilespmem:v51+s21+$0x0], $0xffff  }
0x19c: {  	v52 =	vld.idx.msk [tilespmem:v52+s21+$0x0], $0xffff  }
0x19d: {  	v53 =	vld.idx.msk [tilespmem:v53+s21+$0x0], $0xffff  }
0x19e: {  	v54 =	vld.idx.msk [tilespmem:v54+s21+$0x0], $0xffff  }
0x19f: {  	v55 =	vld.idx.msk [tilespmem:v55+s21+$0x0], $0xffff  }
0x1a0: {  	v56 =	vld.idx.msk [tilespmem:v56+s21+$0x0], $0xffff  }
0x1a1: {  	v57 =	vld.idx.msk [tilespmem:v57+s21+$0x0], $0xffff  }
0x1a2: {  	[tilespmem:v8+s2+$0x0] =	vst.idx.add.f32.msk $0xffff, v33  }
0x1a3: {  	[tilespmem:v9+s2+$0x0] =	vst.idx.add.f32.msk $0xffff, v34  }
0x1a4: {  	[tilespmem:v10+s2+$0x0] =	vst.idx.add.f32.msk $0xffff, v35  }
0x1a5: {  	[tilespmem:v11+s2+$0x0] =	vst.idx.add.f32.msk $0xffff, v36  }
0x1a6: {  	[tilespmem:v12+s2+$0x0] =	vst.idx.add.f32.msk $0xffff, v37  }
0x1a7: {  	[tilespmem:v13+s2+$0x0] =	vst.idx.add.f32.msk $0xffff, v38  }
0x1a8: {  	[tilespmem:v14+s2+$0x0] =	vst.idx.add.f32.msk $0xffff, v39  }
0x1a9: {  	[tilespmem:v15+s2+$0x0] =	vst.idx.add.f32.msk $0xffff, v40  }
0x1aa: {  	[tilespmem:v16+s2+$0x0] =	vst.idx.add.f32.msk $0xffff, v41  }
0x1ab: {  	[tilespmem:v17+s2+$0x0] =	vst.idx.add.f32.msk $0xffff, v42  }
0x1ac: {  	[tilespmem:v18+s2+$0x0] =	vst.idx.add.f32.msk $0xffff, v43  }
0x1ad: {  	[tilespmem:v19+s2+$0x0] =	vst.idx.add.f32.msk $0xffff, v44  }
0x1ae: {  	[tilespmem:v20+s2+$0x0] =	vst.idx.add.f32.msk $0xffff, v45  }
0x1af: {  	[tilespmem:v21+s2+$0x0] =	vst.idx.add.f32.msk $0xffff, v46  }
0x1b0: {  	[tilespmem:v22+s2+$0x0] =	vst.idx.add.f32.msk $0xffff, v47  }
0x1b1: {  	[tilespmem:v23+s2+$0x0] =	vst.idx.add.f32.msk $0xffff, v48  }
0x1b2: {  	[tilespmem:v24+s2+$0x0] =	vst.idx.add.f32.msk $0xffff, v49  }
0x1b3: {  	[tilespmem:v25+s2+$0x0] =	vst.idx.add.f32.msk $0xffff, v50  }
0x1b4: {  	[tilespmem:v26+s2+$0x0] =	vst.idx.add.f32.msk $0xffff, v51  }
0x1b5: {  	[tilespmem:v27+s2+$0x0] =	vst.idx.add.f32.msk $0xffff, v52  }
0x1b6: {  	[tilespmem:v28+s2+$0x0] =	vst.idx.add.f32.msk $0xffff, v53  }
0x1b7: {  	[tilespmem:v29+s2+$0x0] =	vst.idx.add.f32.msk $0xffff, v54  }
0x1b8: {  	[tilespmem:v30+s2+$0x0] =	vst.idx.add.f32.msk $0xffff, v55  }
0x1b9: {  	[tilespmem:v31+s2+$0x0] =	vst.idx.add.f32.msk $0xffff, v56  }
0x1ba: {  	s7 =	sadd.s32 $0x1, s7;
	s8 =	simm.s32 $0x0;
	s10 =	simm.s32 $0x1A1C0;
	[tilespmem:v32+s2+$0x0] =	vst.idx.add.f32.msk $0xffff, v57  }
.LBB2_10:
0x1bb: {  	v22 =	vld [tilespmem:s10+$0xFFFFFF40]  }
0x1bc: {  	v23 =	vld [tilespmem:s10+$0xFFFFFF50]  }
0x1bd: {  	v24 =	vld [tilespmem:s10+$0xFFFFFF60]  }
0x1be: {  	v25 =	vld [tilespmem:s10+$0xFFFFFF70]  }
0x1bf: {  	v26 =	vld [tilespmem:s10+$0xFFFFFF80]  }
0x1c0: {  	v27 =	vld [tilespmem:s10+$0xFFFFFF90]  }
0x1c1: {  	v28 =	vld [tilespmem:s10+$0xFFFFFFA0]  }
0x1c2: {  	v29 =	vld [tilespmem:s10+$0xFFFFFFB0]  }
0x1c3: {  	v30 =	vld [tilespmem:s10+$0xFFFFFFC0]  }
0x1c4: {  	v31 =	vld [tilespmem:s10+$0xFFFFFFD0]  }
0x1c5: {  	v32 =	vld [tilespmem:s10+$0xFFFFFFE0]  }
0x1c6: {  	v21 =	vld [tilespmem:s10+$0xFFFFFFF0]  }
0x1c7: {  	v8 =	vld [tilespmem:s10+$0x0]  }
0x1c8: {  	v9 =	vld [tilespmem:s10+$0x10]  }
0x1c9: {  	v10 =	vld [tilespmem:s10+$0x20]  }
0x1ca: {  	v11 =	vld [tilespmem:s10+$0x30]  }
0x1cb: {  	v12 =	vld [tilespmem:s10+$0x40]  }
0x1cc: {  	v13 =	vld [tilespmem:s10+$0x50]  }
0x1cd: {  	v14 =	vld [tilespmem:s10+$0x60]  }
0x1ce: {  	v15 =	vld [tilespmem:s10+$0x70]  }
0x1cf: {  	v16 =	vld [tilespmem:s10+$0x80]  }
0x1d0: {  	v17 =	vld [tilespmem:s10+$0x90]  }
0x1d1: {  	v18 =	vld [tilespmem:s10+$0xA0]  }
0x1d2: {  	v19 =	vld [tilespmem:s10+$0xB0]  }
0x1d3: {  	s9 =	sadd.s32 $0x190, s9;
	v20 =	vld [tilespmem:s10+$0xC0]  }
0x1d4: {  	v33 =	vld [tilespmem:s9+$0xFFFFFF40]  }
0x1d5: {  	v34 =	vld [tilespmem:s9+$0xFFFFFF50]  }
0x1d6: {  	v35 =	vld [tilespmem:s9+$0xFFFFFF60]  }
0x1d7: {  	v36 =	vld [tilespmem:s9+$0xFFFFFF70]  }
0x1d8: {  	v37 =	vld [tilespmem:s9+$0xFFFFFF80]  }
0x1d9: {  	v38 =	vld [tilespmem:s9+$0xFFFFFF90]  }
0x1da: {  	v39 =	vld [tilespmem:s9+$0xFFFFFFA0]  }
0x1db: {  	v40 =	vld [tilespmem:s9+$0xFFFFFFB0]  }
0x1dc: {  	v41 =	vld [tilespmem:s9+$0xFFFFFFC0]  }
0x1dd: {  	v42 =	vld [tilespmem:s9+$0xFFFFFFD0]  }
0x1de: {  	v43 =	vld [tilespmem:s9+$0xFFFFFFE0]  }
0x1df: {  	v44 =	vld [tilespmem:s9+$0xFFFFFFF0]  }
0x1e0: {  	v45 =	vld [tilespmem:s9+$0x0]  }
0x1e1: {  	v46 =	vld [tilespmem:s9+$0x10]  }
0x1e2: {  	v47 =	vld [tilespmem:s9+$0x20]  }
0x1e3: {  	v48 =	vld [tilespmem:s9+$0x30]  }
0x1e4: {  	v49 =	vld [tilespmem:s9+$0x40]  }
0x1e5: {  	v50 =	vld [tilespmem:s9+$0x50]  }
0x1e6: {  	v51 =	vld [tilespmem:s9+$0x60]  }
0x1e7: {  	v52 =	vld [tilespmem:s9+$0x70]  }
0x1e8: {  	v53 =	vld [tilespmem:s9+$0x80]  }
0x1e9: {  	v54 =	vld [tilespmem:s9+$0x90]  }
0x1ea: {  	v55 =	vld [tilespmem:s9+$0xA0]  }
0x1eb: {  	v56 =	vld [tilespmem:s9+$0xB0]  }
0x1ec: {  	v57 =	vld [tilespmem:s9+$0xC0]  }
0x1ed: {  	v33 =	vld.idx.msk [tilespmem:v33+s21+$0x0], $0xffff  }
0x1ee: {  	v34 =	vld.idx.msk [tilespmem:v34+s21+$0x0], $0xffff  }
0x1ef: {  	v35 =	vld.idx.msk [tilespmem:v35+s21+$0x0], $0xffff  }
0x1f0: {  	v36 =	vld.idx.msk [tilespmem:v36+s21+$0x0], $0xffff  }
0x1f1: {  	v37 =	vld.idx.msk [tilespmem:v37+s21+$0x0], $0xffff  }
0x1f2: {  	v38 =	vld.idx.msk [tilespmem:v38+s21+$0x0], $0xffff  }
0x1f3: {  	v39 =	vld.idx.msk [tilespmem:v39+s21+$0x0], $0xffff  }
0x1f4: {  	v40 =	vld.idx.msk [tilespmem:v40+s21+$0x0], $0xffff  }
0x1f5: {  	v41 =	vld.idx.msk [tilespmem:v41+s21+$0x0], $0xffff  }
0x1f6: {  	v42 =	vld.idx.msk [tilespmem:v42+s21+$0x0], $0xffff  }
0x1f7: {  	v43 =	vld.idx.msk [tilespmem:v43+s21+$0x0], $0xffff  }
0x1f8: {  	v44 =	vld.idx.msk [tilespmem:v44+s21+$0x0], $0xffff  }
0x1f9: {  	v45 =	vld.idx.msk [tilespmem:v45+s21+$0x0], $0xffff  }
0x1fa: {  	v46 =	vld.idx.msk [tilespmem:v46+s21+$0x0], $0xffff  }
0x1fb: {  	v47 =	vld.idx.msk [tilespmem:v47+s21+$0x0], $0xffff  }
0x1fc: {  	v48 =	vld.idx.msk [tilespmem:v48+s21+$0x0], $0xffff  }
0x1fd: {  	v49 =	vld.idx.msk [tilespmem:v49+s21+$0x0], $0xffff  }
0x1fe: {  	v50 =	vld.idx.msk [tilespmem:v50+s21+$0x0], $0xffff  }
0x1ff: {  	v51 =	vld.idx.msk [tilespmem:v51+s21+$0x0], $0xffff  }
0x200: {  	v52 =	vld.idx.msk [tilespmem:v52+s21+$0x0], $0xffff  }
0x201: {  	v53 =	vld.idx.msk [tilespmem:v53+s21+$0x0], $0xffff  }
0x202: {  	v54 =	vld.idx.msk [tilespmem:v54+s21+$0x0], $0xffff  }
0x203: {  	v55 =	vld.idx.msk [tilespmem:v55+s21+$0x0], $0xffff  }
0x204: {  	v56 =	vld.idx.msk [tilespmem:v56+s21+$0x0], $0xffff  }
0x205: {  	v57 =	vld.idx.msk [tilespmem:v57+s21+$0x0], $0xffff  }
0x206: {  	[tilespmem:v22+s2+$0x0] =	vst.idx.add.f32.msk $0xffff, v33  }
0x207: {  	[tilespmem:v23+s2+$0x0] =	vst.idx.add.f32.msk $0xffff, v34  }
0x208: {  	[tilespmem:v24+s2+$0x0] =	vst.idx.add.f32.msk $0xffff, v35  }
0x209: {  	[tilespmem:v25+s2+$0x0] =	vst.idx.add.f32.msk $0xffff, v36  }
0x20a: {  	[tilespmem:v26+s2+$0x0] =	vst.idx.add.f32.msk $0xffff, v37  }
0x20b: {  	[tilespmem:v27+s2+$0x0] =	vst.idx.add.f32.msk $0xffff, v38  }
0x20c: {  	[tilespmem:v28+s2+$0x0] =	vst.idx.add.f32.msk $0xffff, v39  }
0x20d: {  	[tilespmem:v29+s2+$0x0] =	vst.idx.add.f32.msk $0xffff, v40  }
0x20e: {  	[tilespmem:v30+s2+$0x0] =	vst.idx.add.f32.msk $0xffff, v41  }
0x20f: {  	[tilespmem:v31+s2+$0x0] =	vst.idx.add.f32.msk $0xffff, v42  }
0x210: {  	s8 =	sadd.s32 $0x190, s8;
	[tilespmem:v32+s2+$0x0] =	vst.idx.add.f32.msk $0xffff, v43  }
0x211: {  	p0 =	slt.u32 s8, $0x640;
	[tilespmem:v21+s2+$0x0] =	vst.idx.add.f32.msk $0xffff, v44  }
0x212: {  	[tilespmem:v8+s2+$0x0] =	vst.idx.add.f32.msk $0xffff, v45  }
0x213: {  	[tilespmem:v9+s2+$0x0] =	vst.idx.add.f32.msk $0xffff, v46  }
0x214: {  	[tilespmem:v10+s2+$0x0] =	vst.idx.add.f32.msk $0xffff, v47  }
0x215: {  	[tilespmem:v11+s2+$0x0] =	vst.idx.add.f32.msk $0xffff, v48  }
0x216: {  	[tilespmem:v12+s2+$0x0] =	vst.idx.add.f32.msk $0xffff, v49  }
0x217: {  	[tilespmem:v13+s2+$0x0] =	vst.idx.add.f32.msk $0xffff, v50  }
0x218: {  	[tilespmem:v14+s2+$0x0] =	vst.idx.add.f32.msk $0xffff, v51  }
0x219: {  	[tilespmem:v15+s2+$0x0] =	vst.idx.add.f32.msk $0xffff, v52  }
.Ltmp3:
0x21a: {  	[tilespmem:v16+s2+$0x0] =	vst.idx.add.f32.msk $0xffff, v53;
	(pc) =	sbr.rel @p0 .LBB2_10-.Ltmp3, $4  }
0x21b: {  	[tilespmem:v17+s2+$0x0] =	vst.idx.add.f32.msk $0xffff, v54  }
0x21c: {  	[tilespmem:v18+s2+$0x0] =	vst.idx.add.f32.msk $0xffff, v55  }
0x21d: {  	[tilespmem:v19+s2+$0x0] =	vst.idx.add.f32.msk $0xffff, v56  }
0x21e: {  	s10 =	sadd.s32 $0x190, s10;
	[tilespmem:v20+s2+$0x0] =	vst.idx.add.f32.msk $0xffff, v57  }
0x21f: {  	p0 =	seq.s32 s7, $0x19  }
.Ltmp4:
0x220: {  	_ = 	snop;
	(pc) =	sbr.rel @!p0 .LBB2_7-.Ltmp4, $1  }
0x221: {  	_ =	sdelay $0x3  }
0x222: {  	_ =	strace $0x90000049  }
0x223: {  	_ =	strace $0x8000004A  }
0x224: {  	s3 =	rddreg [dreg:$0xd]  }
0x225: {  	[hbm4b:s3+s21] =	stream.linear.scatter [tilespmem:s2], [sflag:$0x6], $0xC400, $0x200038;
	[tilespmem:$0x1FF80] =	vst v63  }
0x226: {  	_ =	swait.ge [sflag:s25], $0xC400  }
0x227: {  	[sflag:s25] =	ssyncset.done $0x0  }
0x228: {  	[sflag:s25] =	ssyncadd.s32 $0xFFFF3C00  }
0x229: {  	[bflag:$0x0] =	sbarrier.arrive $0xFFFF  }
0x22a: {  	s26 =	rddreg [dreg:$0xc]  }
0x22b: {  	[tilespmem:s22], [sflag:$0x2] =	stream.linear.gather [hbm4b:s26+s21], $0xC40, $0x200038;
	[tilespmem:$0x1FF80] =	vst v63  }
0x22c: {  	_ =	swait.ge [sflag:s18], $0xC40  }
0x22d: {  	[sflag:s18] =	ssyncset.done $0x0  }
0x22e: {  	s10 =	simm.s32 $0x1A780;
	s28 =	rddreg [dreg:$0xe];
	[sflag:s18] =	ssyncadd.s32 $0xFFFFF3C0  }
0x22f: {  	[tilespmem:s24], [sflag:$0x3] =	stream.linear.gather [hbm4b:s28+s21], $0xC40, $0x200038;
	[tilespmem:$0x1FF80] =	vst v63  }
0x230: {  	v11 =	vld [tilespmem:s10+$0x30]  }
0x231: {  	v12 =	vld [tilespmem:s10+$0xFFFFFFD0]  }
0x232: {  	v13 =	vld [tilespmem:s10+$0xFFFFFFE0]  }
0x233: {  	v9 =	vld [tilespmem:s10+$0xFFFFFFF0]  }
0x234: {  	v8 =	vld [tilespmem:s10+$0x0]  }
0x235: {  	v10 =	vld [tilespmem:s10+$0x10];
	[tilespmem:s31+$0x30] =	vst v11  }
0x236: {  	s9 =	simm.s32 $0x0;
	s7 =	simm.s32 $0xBF0;
	[tilespmem:s31+$0xFFFFFFD0] =	vst v12;
	v11 =	vld [tilespmem:s10+$0x20]  }
0x237: {  	s8 =	simm.s32 $0x1B340;
	s11 =	simm.s32 $0x1A800;
	v12 =	vld [tilespmem:s10+$0xFFFFFFC0];
	[tilespmem:s31+$0xFFFFFFE0] =	vst v13;
	s10 =	smov.u32 s31  }
.LBB2_12:
0x238: {  	v13 =	vld [tilespmem:s11+$0x30];
	s9 =	sadd.s32 $0x80, s9;
	[tilespmem:s10+$0xFFFFFFF0] =	vst v9  }
0x239: {  	v14 =	vld [tilespmem:s11+$0xFFFFFFD0];
	p0 =	slt.u32 s9, $0xB80;
	[tilespmem:s10+$0x0] =	vst v8  }
0x23a: {  	v15 =	vld [tilespmem:s11+$0xFFFFFFE0];
	[tilespmem:s10+$0x10] =	vst v10  }
.Ltmp5:
0x23b: {  	v9 =	vld [tilespmem:s11+$0xFFFFFFF0];
	[tilespmem:s10+$0x20] =	vst v11;
	(pc) =	sbr.rel @p0 .LBB2_12-.Ltmp5, $4  }
0x23c: {  	v8 =	vld [tilespmem:s11+$0x0];
	[tilespmem:s10+$0xFFFFFFC0] =	vst v12;
	s10 =	sadd.s32 $0x80, s10  }
0x23d: {  	v10 =	vld [tilespmem:s11+$0x10];
	[tilespmem:s10+$0x30] =	vst v13  }
0x23e: {  	[tilespmem:s10+$0xFFFFFFD0] =	vst v14;
	v11 =	vld [tilespmem:s11+$0x20]  }
0x23f: {  	v12 =	vld [tilespmem:s11+$0xFFFFFFC0];
	[tilespmem:s10+$0xFFFFFFE0] =	vst v15;
	s11 =	sadd.s32 $0x80, s11  }
0x240: {  	[tilespmem:s10+$0xFFFFFFF0] =	vst v9  }
0x241: {  	[tilespmem:s10+$0x0] =	vst v8  }
0x242: {  	[tilespmem:s10+$0x10] =	vst v10  }
0x243: {  	[tilespmem:s10+$0x20] =	vst v11  }
0x244: {  	s9 =	smov.u32 s0;
	[tilespmem:s10+$0xFFFFFFC0] =	vst v12  }
.LBB2_14:
0x245: {  	s7 =	sadd.s32 $0x10, s7  }
0x246: {  	v8 =	vld [tilespmem:s8+$0x0];
	p0 =	slt.u32 s7, $0xC30  }
.Ltmp6:
0x247: {  	_ = 	snop;
	(pc) =	sbr.rel @p0 .LBB2_14-.Ltmp6, $2  }
0x248: {  	_ =	sdelay $0x2  }
0x249: {  	s8 =	sadd.s32 $0x10, s8;
	[tilespmem:s9+$0x0] =	vst v8;
	s9 =	sadd.s32 $0x10, s9  }
0x24a: {  	_ =	swait.ge [sflag:s23], $0xC40  }
0x24b: {  	[sflag:s23] =	ssyncset.done $0x0  }
0x24c: {  	s3 =	rddreg [dreg:$0xf];
	[sflag:s23] =	ssyncadd.s32 $0xFFFFF3C0  }
0x24d: {  	[tilespmem:s22], [sflag:$0x2] =	stream.linear.gather [hbm4b:s3+s21], $0xC40, $0x200038;
	[tilespmem:$0x1FF80] =	vst v63  }
0x24e: {  	s7 =	simm.s32 $0x1B3C0;
	v9 =	vld [tilespmem:s31+$0x30]  }
0x24f: {  	v10 =	vld [tilespmem:s7+$0x30]  }
0x250: {  	v8 =	vld [tilespmem:s7+$0xFFFFFFC0]  }
0x251: {  	v11 =	vld [tilespmem:s31+$0xFFFFFFD0]  }
0x252: {  	v12 =	vld [tilespmem:s7+$0xFFFFFFD0]  }
0x253: {  	v13 =	vld [tilespmem:s31+$0xFFFFFFE0]  }
0x254: {  	v14 =	vld [tilespmem:s7+$0xFFFFFFE0]  }
0x255: {  	v15 =	vld [tilespmem:s31+$0xFFFFFFF0]  }
0x256: {  	v16 =	vld [tilespmem:s7+$0xFFFFFFF0]  }
0x257: {  	v17 =	vld [tilespmem:s31+$0x0]  }
0x258: {  	v18 =	vld [tilespmem:s7+$0x0];
	v10 =	vadd.f32 v10, v9  }
0x259: {  	v12 =	vadd.f32 v12, v11;
	v9 =	vld [tilespmem:s31+$0x10]  }
0x25a: {  	v13 =	vadd.f32 v14, v13;
	v11 =	vld [tilespmem:s7+$0x10];
	[tilespmem:s31+$0x30] =	vst v10  }
0x25b: {  	v14 =	vadd.f32 v16, v15;
	[tilespmem:s31+$0xFFFFFFD0] =	vst v12;
	v10 =	vld [tilespmem:s31+$0x20]  }
0x25c: {  	s10 =	simm.s32 $0x0;
	[tilespmem:s31+$0xFFFFFFE0] =	vst v13;
	v12 =	vld [tilespmem:s7+$0x20]  }
0x25d: {  	s8 =	simm.s32 $0x1BF80;
	s11 =	sadd.s32 $0x80, s31;
	s9 =	smov.u32 s31;
	v13 =	vld [tilespmem:s31+$0xFFFFFFC0];
	[tilespmem:s31+$0xFFFFFFF0] =	vst v14;
	v14 =	vadd.f32 v18, v17  }
.LBB2_16:
0x25e: {  	v15 =	vld [tilespmem:s11+$0x30];
	s7 =	sadd.s32 $0x80, s7  }
0x25f: {  	s10 =	sadd.s32 $0x80, s10;
	v16 =	vld [tilespmem:s7+$0x30];
	[tilespmem:s9+$0x0] =	vst v14;
	v9 =	vadd.f32 v11, v9  }
0x260: {  	p0 =	slt.u32 s10, $0xB80;
	v11 =	vld [tilespmem:s7+$0xFFFFFFC0]  }
0x261: {  	v14 =	vld [tilespmem:s11+$0xFFFFFFD0];
	[tilespmem:s9+$0x10] =	vst v9;
	v9 =	vadd.f32 v12, v10  }
0x262: {  	v10 =	vld [tilespmem:s7+$0xFFFFFFD0];
	v17 =	vadd.f32 v8, v13  }
0x263: {  	v12 =	vld [tilespmem:s11+$0xFFFFFFE0];
	[tilespmem:s9+$0x20] =	vst v9  }
0x264: {  	v9 =	vld [tilespmem:s7+$0xFFFFFFE0];
	v13 =	vadd.f32 v16, v15;
	[tilespmem:s9+$0xFFFFFFC0] =	vst v17;
	s9 =	smov.u32 s11  }
0x265: {  	v15 =	vld [tilespmem:s11+$0xFFFFFFF0];
	v8 =	vmov v11  }
0x266: {  	s13 =	simm.s32 $0xBF0;
	v16 =	vld [tilespmem:s7+$0xFFFFFFF0];
	[tilespmem:s11+$0x30] =	vst v13  }
0x267: {  	v10 =	vadd.f32 v10, v14;
	v14 =	vld [tilespmem:s11+$0x0]  }
0x268: {  	v17 =	vld [tilespmem:s7+$0x0]  }
.Ltmp7:
0x269: {  	[tilespmem:s11+$0xFFFFFFD0] =	vst v10;
	v10 =	vadd.f32 v9, v12;
	v9 =	vld [tilespmem:s11+$0x10];
	(pc) =	sbr.rel @p0 .LBB2_16-.Ltmp7, $4  }
0x26a: {  	v11 =	vld [tilespmem:s7+$0x10]  }
0x26b: {  	[tilespmem:s11+$0xFFFFFFE0] =	vst v10;
	v15 =	vadd.f32 v16, v15;
	v10 =	vld [tilespmem:s11+$0x20]  }
0x26c: {  	v12 =	vld [tilespmem:s7+$0x20]  }
0x26d: {  	s11 =	sadd.s32 $0x80, s11;
	v13 =	vld [tilespmem:s9+$0xFFFFFFC0];
	[tilespmem:s9+$0xFFFFFFF0] =	vst v15;
	v14 =	vadd.f32 v17, v14  }
0x26e: {  	_ =	sdelay $0x1  }
0x26f: {  	v9 =	vadd.f32 v11, v9  }
0x270: {  	[tilespmem:s9+$0x0] =	vst v14;
	v10 =	vadd.f32 v12, v10  }
0x271: {  	[tilespmem:s9+$0x10] =	vst v9;
	v8 =	vadd.f32 v8, v13  }
0x272: {  	[tilespmem:s9+$0x20] =	vst v10  }
0x273: {  	s7 =	smov.u32 s0;
	[tilespmem:s9+$0xFFFFFFC0] =	vst v8  }
.LBB2_18:
0x274: {  	v8 =	vld [tilespmem:s7+$0x0]  }
0x275: {  	v9 =	vld [tilespmem:s8+$0x0]  }
0x276: {  	s13 =	sadd.s32 $0x10, s13  }
0x277: {  	p0 =	slt.u32 s13, $0xC30  }
.Ltmp8:
0x278: {  	_ = 	snop;
	(pc) =	sbr.rel @p0 .LBB2_18-.Ltmp8, $3  }
0x279: {  	_ = 	snop  }
0x27a: {  	v8 =	vadd.f32 v9, v8;
	_ =	sdelay $0x1  }
0x27b: {  	s8 =	sadd.s32 $0x10, s8;
	[tilespmem:s7+$0x0] =	vst v8;
	s7 =	sadd.s32 $0x10, s7  }
0x27c: {  	_ =	swait.ge [sflag:s18], $0xC40  }
0x27d: {  	[sflag:s18] =	ssyncset.done $0x0  }
0x27e: {  	s3 =	rddreg [dreg:$0x10];
	[sflag:s18] =	ssyncadd.s32 $0xFFFFF3C0  }
0x27f: {  	[tilespmem:s24], [sflag:$0x3] =	stream.linear.gather [hbm4b:s3+s21], $0xC40, $0x200038;
	[tilespmem:$0x1FF80] =	vst v63  }
0x280: {  	s7 =	simm.s32 $0x1A780;
	v9 =	vld [tilespmem:s31+$0x30]  }
0x281: {  	v10 =	vld [tilespmem:s7+$0x30]  }
0x282: {  	v8 =	vld [tilespmem:s7+$0xFFFFFFC0]  }
0x283: {  	v11 =	vld [tilespmem:s31+$0xFFFFFFD0]  }
0x284: {  	v12 =	vld [tilespmem:s7+$0xFFFFFFD0]  }
0x285: {  	v13 =	vld [tilespmem:s31+$0xFFFFFFE0]  }
0x286: {  	v14 =	vld [tilespmem:s7+$0xFFFFFFE0]  }
0x287: {  	v15 =	vld [tilespmem:s31+$0xFFFFFFF0]  }
0x288: {  	v16 =	vld [tilespmem:s7+$0xFFFFFFF0]  }
0x289: {  	v17 =	vld [tilespmem:s31+$0x0]  }
0x28a: {  	v18 =	vld [tilespmem:s7+$0x0];
	v10 =	vadd.f32 v10, v9  }
0x28b: {  	v12 =	vadd.f32 v12, v11;
	v9 =	vld [tilespmem:s31+$0x10]  }
0x28c: {  	v13 =	vadd.f32 v14, v13;
	v11 =	vld [tilespmem:s7+$0x10];
	[tilespmem:s31+$0x30] =	vst v10  }
0x28d: {  	v14 =	vadd.f32 v16, v15;
	[tilespmem:s31+$0xFFFFFFD0] =	vst v12;
	v10 =	vld [tilespmem:s31+$0x20]  }
0x28e: {  	[tilespmem:s31+$0xFFFFFFE0] =	vst v13;
	v13 =	vld [tilespmem:s7+$0x20]  }
0x28f: {  	s9 =	simm.s32 $0x0;
	s10 =	sadd.s32 $0x80, s31;
	s8 =	smov.u32 s31;
	v12 =	vld [tilespmem:s31+$0xFFFFFFC0];
	[tilespmem:s31+$0xFFFFFFF0] =	vst v14;
	v14 =	vadd.f32 v18, v17  }
.LBB2_20:
0x290: {  	v15 =	vld [tilespmem:s10+$0x30];
	s7 =	sadd.s32 $0x80, s7  }
0x291: {  	s9 =	sadd.s32 $0x80, s9;
	v16 =	vld [tilespmem:s7+$0x30];
	[tilespmem:s8+$0x0] =	vst v14;
	v9 =	vadd.f32 v11, v9  }
0x292: {  	p0 =	slt.u32 s9, $0xB80;
	v11 =	vld [tilespmem:s7+$0xFFFFFFC0]  }
0x293: {  	v14 =	vld [tilespmem:s10+$0xFFFFFFD0];
	[tilespmem:s8+$0x10] =	vst v9;
	v9 =	vadd.f32 v13, v10  }
0x294: {  	v10 =	vld [tilespmem:s7+$0xFFFFFFD0];
	v17 =	vadd.f32 v8, v12  }
0x295: {  	v12 =	vld [tilespmem:s10+$0xFFFFFFE0];
	[tilespmem:s8+$0x20] =	vst v9  }
0x296: {  	v9 =	vld [tilespmem:s7+$0xFFFFFFE0];
	v13 =	vadd.f32 v16, v15;
	[tilespmem:s8+$0xFFFFFFC0] =	vst v17;
	s8 =	smov.u32 s10  }
0x297: {  	v15 =	vld [tilespmem:s10+$0xFFFFFFF0];
	v8 =	vmov v11  }
0x298: {  	s11 =	simm.s32 $0xBF0;
	s13 =	simm.s32 $0x1B340;
	v16 =	vld [tilespmem:s7+$0xFFFFFFF0];
	[tilespmem:s10+$0x30] =	vst v13  }
0x299: {  	v10 =	vadd.f32 v10, v14;
	v14 =	vld [tilespmem:s10+$0x0]  }
0x29a: {  	v17 =	vld [tilespmem:s7+$0x0]  }
.Ltmp9:
0x29b: {  	[tilespmem:s10+$0xFFFFFFD0] =	vst v10;
	v10 =	vadd.f32 v9, v12;
	v9 =	vld [tilespmem:s10+$0x10];
	(pc) =	sbr.rel @p0 .LBB2_20-.Ltmp9, $4  }
0x29c: {  	v11 =	vld [tilespmem:s7+$0x10]  }
0x29d: {  	[tilespmem:s10+$0xFFFFFFE0] =	vst v10;
	v15 =	vadd.f32 v16, v15;
	v10 =	vld [tilespmem:s10+$0x20]  }
0x29e: {  	v13 =	vld [tilespmem:s7+$0x20]  }
0x29f: {  	s10 =	sadd.s32 $0x80, s10;
	v12 =	vld [tilespmem:s8+$0xFFFFFFC0];
	[tilespmem:s8+$0xFFFFFFF0] =	vst v15;
	v14 =	vadd.f32 v17, v14  }
0x2a0: {  	_ =	sdelay $0x1  }
0x2a1: {  	v9 =	vadd.f32 v11, v9  }
0x2a2: {  	[tilespmem:s8+$0x0] =	vst v14;
	v10 =	vadd.f32 v13, v10  }
0x2a3: {  	[tilespmem:s8+$0x10] =	vst v9;
	v8 =	vadd.f32 v8, v12  }
0x2a4: {  	[tilespmem:s8+$0x20] =	vst v10  }
0x2a5: {  	s7 =	smov.u32 s0;
	[tilespmem:s8+$0xFFFFFFC0] =	vst v8  }
.LBB2_22:
0x2a6: {  	v8 =	vld [tilespmem:s7+$0x0]  }
0x2a7: {  	v9 =	vld [tilespmem:s13+$0x0]  }
0x2a8: {  	s11 =	sadd.s32 $0x10, s11  }
0x2a9: {  	p0 =	slt.u32 s11, $0xC30  }
.Ltmp10:
0x2aa: {  	_ = 	snop;
	(pc) =	sbr.rel @p0 .LBB2_22-.Ltmp10, $3  }
0x2ab: {  	_ = 	snop  }
0x2ac: {  	v8 =	vadd.f32 v9, v8;
	_ =	sdelay $0x1  }
0x2ad: {  	s13 =	sadd.s32 $0x10, s13;
	[tilespmem:s7+$0x0] =	vst v8;
	s7 =	sadd.s32 $0x10, s7  }
0x2ae: {  	_ =	swait.ge [sflag:s23], $0xC40  }
0x2af: {  	[sflag:s23] =	ssyncset.done $0x0  }
0x2b0: {  	s3 =	rddreg [dreg:$0x11];
	[sflag:s23] =	ssyncadd.s32 $0xFFFFF3C0  }
0x2b1: {  	[tilespmem:s22], [sflag:$0x2] =	stream.linear.gather [hbm4b:s3+s21], $0xC40, $0x200038;
	[tilespmem:$0x1FF80] =	vst v63  }
0x2b2: {  	s7 =	simm.s32 $0x1B3C0;
	v9 =	vld [tilespmem:s31+$0x30]  }
0x2b3: {  	v10 =	vld [tilespmem:s7+$0x30]  }
0x2b4: {  	v8 =	vld [tilespmem:s7+$0xFFFFFFC0]  }
0x2b5: {  	v11 =	vld [tilespmem:s31+$0xFFFFFFD0]  }
0x2b6: {  	v12 =	vld [tilespmem:s7+$0xFFFFFFD0]  }
0x2b7: {  	v13 =	vld [tilespmem:s31+$0xFFFFFFE0]  }
0x2b8: {  	v14 =	vld [tilespmem:s7+$0xFFFFFFE0]  }
0x2b9: {  	v15 =	vld [tilespmem:s31+$0xFFFFFFF0]  }
0x2ba: {  	v16 =	vld [tilespmem:s7+$0xFFFFFFF0]  }
0x2bb: {  	v17 =	vld [tilespmem:s31+$0x0]  }
0x2bc: {  	v18 =	vld [tilespmem:s7+$0x0];
	v10 =	vadd.f32 v10, v9  }
0x2bd: {  	v12 =	vadd.f32 v12, v11;
	v9 =	vld [tilespmem:s31+$0x10]  }
0x2be: {  	v13 =	vadd.f32 v14, v13;
	v11 =	vld [tilespmem:s7+$0x10];
	[tilespmem:s31+$0x30] =	vst v10  }
0x2bf: {  	v14 =	vadd.f32 v16, v15;
	[tilespmem:s31+$0xFFFFFFD0] =	vst v12;
	v10 =	vld [tilespmem:s31+$0x20]  }
0x2c0: {  	[tilespmem:s31+$0xFFFFFFE0] =	vst v13;
	v13 =	vld [tilespmem:s7+$0x20]  }
0x2c1: {  	s9 =	simm.s32 $0x0;
	s10 =	sadd.s32 $0x80, s31;
	s8 =	smov.u32 s31;
	v12 =	vld [tilespmem:s31+$0xFFFFFFC0];
	[tilespmem:s31+$0xFFFFFFF0] =	vst v14;
	v14 =	vadd.f32 v18, v17  }
.LBB2_24:
0x2c2: {  	v15 =	vld [tilespmem:s10+$0x30];
	s7 =	sadd.s32 $0x80, s7  }
0x2c3: {  	s9 =	sadd.s32 $0x80, s9;
	v16 =	vld [tilespmem:s7+$0x30];
	[tilespmem:s8+$0x0] =	vst v14;
	v9 =	vadd.f32 v11, v9  }
0x2c4: {  	p0 =	slt.u32 s9, $0xB80;
	v11 =	vld [tilespmem:s7+$0xFFFFFFC0]  }
0x2c5: {  	v14 =	vld [tilespmem:s10+$0xFFFFFFD0];
	[tilespmem:s8+$0x10] =	vst v9;
	v9 =	vadd.f32 v13, v10  }
0x2c6: {  	v10 =	vld [tilespmem:s7+$0xFFFFFFD0];
	v17 =	vadd.f32 v8, v12  }
0x2c7: {  	v12 =	vld [tilespmem:s10+$0xFFFFFFE0];
	[tilespmem:s8+$0x20] =	vst v9  }
0x2c8: {  	v9 =	vld [tilespmem:s7+$0xFFFFFFE0];
	v13 =	vadd.f32 v16, v15;
	[tilespmem:s8+$0xFFFFFFC0] =	vst v17;
	s8 =	smov.u32 s10  }
0x2c9: {  	v15 =	vld [tilespmem:s10+$0xFFFFFFF0];
	v8 =	vmov v11  }
0x2ca: {  	s11 =	simm.s32 $0xBF0;
	s13 =	simm.s32 $0x1BF80;
	v16 =	vld [tilespmem:s7+$0xFFFFFFF0];
	[tilespmem:s10+$0x30] =	vst v13  }
0x2cb: {  	v10 =	vadd.f32 v10, v14;
	v14 =	vld [tilespmem:s10+$0x0]  }
0x2cc: {  	v17 =	vld [tilespmem:s7+$0x0]  }
.Ltmp11:
0x2cd: {  	[tilespmem:s10+$0xFFFFFFD0] =	vst v10;
	v10 =	vadd.f32 v9, v12;
	v9 =	vld [tilespmem:s10+$0x10];
	(pc) =	sbr.rel @p0 .LBB2_24-.Ltmp11, $4  }
0x2ce: {  	v11 =	vld [tilespmem:s7+$0x10]  }
0x2cf: {  	[tilespmem:s10+$0xFFFFFFE0] =	vst v10;
	v15 =	vadd.f32 v16, v15;
	v10 =	vld [tilespmem:s10+$0x20]  }
0x2d0: {  	v13 =	vld [tilespmem:s7+$0x20]  }
0x2d1: {  	s10 =	sadd.s32 $0x80, s10;
	v12 =	vld [tilespmem:s8+$0xFFFFFFC0];
	[tilespmem:s8+$0xFFFFFFF0] =	vst v15;
	v14 =	vadd.f32 v17, v14  }
0x2d2: {  	_ =	sdelay $0x1  }
0x2d3: {  	v9 =	vadd.f32 v11, v9  }
0x2d4: {  	[tilespmem:s8+$0x0] =	vst v14;
	v10 =	vadd.f32 v13, v10  }
0x2d5: {  	[tilespmem:s8+$0x10] =	vst v9;
	v8 =	vadd.f32 v8, v12  }
0x2d6: {  	[tilespmem:s8+$0x20] =	vst v10  }
0x2d7: {  	s7 =	smov.u32 s0;
	[tilespmem:s8+$0xFFFFFFC0] =	vst v8  }
.LBB2_26:
0x2d8: {  	v8 =	vld [tilespmem:s7+$0x0]  }
0x2d9: {  	v9 =	vld [tilespmem:s13+$0x0]  }
0x2da: {  	s11 =	sadd.s32 $0x10, s11  }
0x2db: {  	p0 =	slt.u32 s11, $0xC30  }
.Ltmp12:
0x2dc: {  	_ = 	snop;
	(pc) =	sbr.rel @p0 .LBB2_26-.Ltmp12, $3  }
0x2dd: {  	_ = 	snop  }
0x2de: {  	v8 =	vadd.f32 v9, v8;
	_ =	sdelay $0x1  }
0x2df: {  	s13 =	sadd.s32 $0x10, s13;
	[tilespmem:s7+$0x0] =	vst v8;
	s7 =	sadd.s32 $0x10, s7  }
0x2e0: {  	_ =	swait.ge [sflag:s18], $0xC40  }
0x2e1: {  	[sflag:s18] =	ssyncset.done $0x0  }
0x2e2: {  	s3 =	rddreg [dreg:$0x12];
	[sflag:s18] =	ssyncadd.s32 $0xFFFFF3C0  }
0x2e3: {  	[tilespmem:s24], [sflag:$0x3] =	stream.linear.gather [hbm4b:s3+s21], $0xC40, $0x200038;
	[tilespmem:$0x1FF80] =	vst v63  }
0x2e4: {  	s7 =	simm.s32 $0x1A780;
	v9 =	vld [tilespmem:s31+$0x30]  }
0x2e5: {  	v10 =	vld [tilespmem:s7+$0x30]  }
0x2e6: {  	v8 =	vld [tilespmem:s7+$0xFFFFFFC0]  }
0x2e7: {  	v11 =	vld [tilespmem:s31+$0xFFFFFFD0]  }
0x2e8: {  	v12 =	vld [tilespmem:s7+$0xFFFFFFD0]  }
0x2e9: {  	v13 =	vld [tilespmem:s31+$0xFFFFFFE0]  }
0x2ea: {  	v14 =	vld [tilespmem:s7+$0xFFFFFFE0]  }
0x2eb: {  	v15 =	vld [tilespmem:s31+$0xFFFFFFF0]  }
0x2ec: {  	v16 =	vld [tilespmem:s7+$0xFFFFFFF0]  }
0x2ed: {  	v17 =	vld [tilespmem:s31+$0x0]  }
0x2ee: {  	v18 =	vld [tilespmem:s7+$0x0];
	v10 =	vadd.f32 v10, v9  }
0x2ef: {  	v12 =	vadd.f32 v12, v11;
	v9 =	vld [tilespmem:s31+$0x10]  }
0x2f0: {  	v13 =	vadd.f32 v14, v13;
	v11 =	vld [tilespmem:s7+$0x10];
	[tilespmem:s31+$0x30] =	vst v10  }
0x2f1: {  	v14 =	vadd.f32 v16, v15;
	[tilespmem:s31+$0xFFFFFFD0] =	vst v12;
	v10 =	vld [tilespmem:s31+$0x20]  }
0x2f2: {  	[tilespmem:s31+$0xFFFFFFE0] =	vst v13;
	v13 =	vld [tilespmem:s7+$0x20]  }
0x2f3: {  	s9 =	simm.s32 $0x0;
	s10 =	sadd.s32 $0x80, s31;
	s8 =	smov.u32 s31;
	v12 =	vld [tilespmem:s31+$0xFFFFFFC0];
	[tilespmem:s31+$0xFFFFFFF0] =	vst v14;
	v14 =	vadd.f32 v18, v17  }
.LBB2_28:
0x2f4: {  	v15 =	vld [tilespmem:s10+$0x30];
	s7 =	sadd.s32 $0x80, s7  }
0x2f5: {  	s9 =	sadd.s32 $0x80, s9;
	v16 =	vld [tilespmem:s7+$0x30];
	[tilespmem:s8+$0x0] =	vst v14;
	v9 =	vadd.f32 v11, v9  }
0x2f6: {  	p0 =	slt.u32 s9, $0xB80;
	v11 =	vld [tilespmem:s7+$0xFFFFFFC0]  }
0x2f7: {  	v14 =	vld [tilespmem:s10+$0xFFFFFFD0];
	[tilespmem:s8+$0x10] =	vst v9;
	v9 =	vadd.f32 v13, v10  }
0x2f8: {  	v10 =	vld [tilespmem:s7+$0xFFFFFFD0];
	v17 =	vadd.f32 v8, v12  }
0x2f9: {  	v12 =	vld [tilespmem:s10+$0xFFFFFFE0];
	[tilespmem:s8+$0x20] =	vst v9  }
0x2fa: {  	v9 =	vld [tilespmem:s7+$0xFFFFFFE0];
	v13 =	vadd.f32 v16, v15;
	[tilespmem:s8+$0xFFFFFFC0] =	vst v17;
	s8 =	smov.u32 s10  }
0x2fb: {  	v15 =	vld [tilespmem:s10+$0xFFFFFFF0];
	v8 =	vmov v11  }
0x2fc: {  	s11 =	simm.s32 $0xBF0;
	s13 =	simm.s32 $0x1B340;
	v16 =	vld [tilespmem:s7+$0xFFFFFFF0];
	[tilespmem:s10+$0x30] =	vst v13  }
0x2fd: {  	v10 =	vadd.f32 v10, v14;
	v14 =	vld [tilespmem:s10+$0x0]  }
0x2fe: {  	v17 =	vld [tilespmem:s7+$0x0]  }
.Ltmp13:
0x2ff: {  	[tilespmem:s10+$0xFFFFFFD0] =	vst v10;
	v10 =	vadd.f32 v9, v12;
	v9 =	vld [tilespmem:s10+$0x10];
	(pc) =	sbr.rel @p0 .LBB2_28-.Ltmp13, $4  }
0x300: {  	v11 =	vld [tilespmem:s7+$0x10]  }
0x301: {  	[tilespmem:s10+$0xFFFFFFE0] =	vst v10;
	v15 =	vadd.f32 v16, v15;
	v10 =	vld [tilespmem:s10+$0x20]  }
0x302: {  	v13 =	vld [tilespmem:s7+$0x20]  }
0x303: {  	s10 =	sadd.s32 $0x80, s10;
	v12 =	vld [tilespmem:s8+$0xFFFFFFC0];
	[tilespmem:s8+$0xFFFFFFF0] =	vst v15;
	v14 =	vadd.f32 v17, v14  }
0x304: {  	_ =	sdelay $0x1  }
0x305: {  	v9 =	vadd.f32 v11, v9  }
0x306: {  	[tilespmem:s8+$0x0] =	vst v14;
	v10 =	vadd.f32 v13, v10  }
0x307: {  	[tilespmem:s8+$0x10] =	vst v9;
	v8 =	vadd.f32 v8, v12  }
0x308: {  	[tilespmem:s8+$0x20] =	vst v10  }
0x309: {  	s7 =	smov.u32 s0;
	[tilespmem:s8+$0xFFFFFFC0] =	vst v8  }
.LBB2_30:
0x30a: {  	v8 =	vld [tilespmem:s7+$0x0]  }
0x30b: {  	v9 =	vld [tilespmem:s13+$0x0]  }
0x30c: {  	s11 =	sadd.s32 $0x10, s11  }
0x30d: {  	p0 =	slt.u32 s11, $0xC30  }
.Ltmp14:
0x30e: {  	_ = 	snop;
	(pc) =	sbr.rel @p0 .LBB2_30-.Ltmp14, $3  }
0x30f: {  	_ = 	snop  }
0x310: {  	v8 =	vadd.f32 v9, v8;
	_ =	sdelay $0x1  }
0x311: {  	s13 =	sadd.s32 $0x10, s13;
	[tilespmem:s7+$0x0] =	vst v8;
	s7 =	sadd.s32 $0x10, s7  }
0x312: {  	_ =	swait.ge [sflag:s23], $0xC40  }
0x313: {  	[sflag:s23] =	ssyncset.done $0x0  }
0x314: {  	s3 =	rddreg [dreg:$0x13];
	[sflag:s23] =	ssyncadd.s32 $0xFFFFF3C0  }
0x315: {  	[tilespmem:s22], [sflag:$0x2] =	stream.linear.gather [hbm4b:s3+s21], $0xC40, $0x200038;
	[tilespmem:$0x1FF80] =	vst v63  }
0x316: {  	s7 =	simm.s32 $0x1B3C0;
	v9 =	vld [tilespmem:s31+$0x30]  }
0x317: {  	v10 =	vld [tilespmem:s7+$0x30]  }
0x318: {  	v8 =	vld [tilespmem:s7+$0xFFFFFFC0]  }
0x319: {  	v11 =	vld [tilespmem:s31+$0xFFFFFFD0]  }
0x31a: {  	v12 =	vld [tilespmem:s7+$0xFFFFFFD0]  }
0x31b: {  	v13 =	vld [tilespmem:s31+$0xFFFFFFE0]  }
0x31c: {  	v14 =	vld [tilespmem:s7+$0xFFFFFFE0]  }
0x31d: {  	v15 =	vld [tilespmem:s31+$0xFFFFFFF0]  }
0x31e: {  	v16 =	vld [tilespmem:s7+$0xFFFFFFF0]  }
0x31f: {  	v17 =	vld [tilespmem:s31+$0x0]  }
0x320: {  	v18 =	vld [tilespmem:s7+$0x0];
	v10 =	vadd.f32 v10, v9  }
0x321: {  	v12 =	vadd.f32 v12, v11;
	v9 =	vld [tilespmem:s31+$0x10]  }
0x322: {  	v13 =	vadd.f32 v14, v13;
	v11 =	vld [tilespmem:s7+$0x10];
	[tilespmem:s31+$0x30] =	vst v10  }
0x323: {  	v14 =	vadd.f32 v16, v15;
	[tilespmem:s31+$0xFFFFFFD0] =	vst v12;
	v10 =	vld [tilespmem:s31+$0x20]  }
0x324: {  	[tilespmem:s31+$0xFFFFFFE0] =	vst v13;
	v13 =	vld [tilespmem:s7+$0x20]  }
0x325: {  	s9 =	simm.s32 $0x0;
	s10 =	sadd.s32 $0x80, s31;
	s8 =	smov.u32 s31;
	v12 =	vld [tilespmem:s31+$0xFFFFFFC0];
	[tilespmem:s31+$0xFFFFFFF0] =	vst v14;
	v14 =	vadd.f32 v18, v17  }
.LBB2_32:
0x326: {  	v15 =	vld [tilespmem:s10+$0x30];
	s7 =	sadd.s32 $0x80, s7  }
0x327: {  	s9 =	sadd.s32 $0x80, s9;
	v16 =	vld [tilespmem:s7+$0x30];
	[tilespmem:s8+$0x0] =	vst v14;
	v9 =	vadd.f32 v11, v9  }
0x328: {  	p0 =	slt.u32 s9, $0xB80;
	v11 =	vld [tilespmem:s7+$0xFFFFFFC0]  }
0x329: {  	v14 =	vld [tilespmem:s10+$0xFFFFFFD0];
	[tilespmem:s8+$0x10] =	vst v9;
	v9 =	vadd.f32 v13, v10  }
0x32a: {  	v10 =	vld [tilespmem:s7+$0xFFFFFFD0];
	v17 =	vadd.f32 v8, v12  }
0x32b: {  	v12 =	vld [tilespmem:s10+$0xFFFFFFE0];
	[tilespmem:s8+$0x20] =	vst v9  }
0x32c: {  	v9 =	vld [tilespmem:s7+$0xFFFFFFE0];
	v13 =	vadd.f32 v16, v15;
	[tilespmem:s8+$0xFFFFFFC0] =	vst v17;
	s8 =	smov.u32 s10  }
0x32d: {  	v15 =	vld [tilespmem:s10+$0xFFFFFFF0];
	v8 =	vmov v11  }
0x32e: {  	s11 =	simm.s32 $0xBF0;
	s13 =	simm.s32 $0x1BF80;
	v16 =	vld [tilespmem:s7+$0xFFFFFFF0];
	[tilespmem:s10+$0x30] =	vst v13  }
0x32f: {  	v10 =	vadd.f32 v10, v14;
	v14 =	vld [tilespmem:s10+$0x0]  }
0x330: {  	v17 =	vld [tilespmem:s7+$0x0]  }
.Ltmp15:
0x331: {  	[tilespmem:s10+$0xFFFFFFD0] =	vst v10;
	v10 =	vadd.f32 v9, v12;
	v9 =	vld [tilespmem:s10+$0x10];
	(pc) =	sbr.rel @p0 .LBB2_32-.Ltmp15, $4  }
0x332: {  	v11 =	vld [tilespmem:s7+$0x10]  }
0x333: {  	[tilespmem:s10+$0xFFFFFFE0] =	vst v10;
	v15 =	vadd.f32 v16, v15;
	v10 =	vld [tilespmem:s10+$0x20]  }
0x334: {  	v13 =	vld [tilespmem:s7+$0x20]  }
0x335: {  	s10 =	sadd.s32 $0x80, s10;
	v12 =	vld [tilespmem:s8+$0xFFFFFFC0];
	[tilespmem:s8+$0xFFFFFFF0] =	vst v15;
	v14 =	vadd.f32 v17, v14  }
0x336: {  	_ =	sdelay $0x1  }
0x337: {  	v9 =	vadd.f32 v11, v9  }
0x338: {  	[tilespmem:s8+$0x0] =	vst v14;
	v10 =	vadd.f32 v13, v10  }
0x339: {  	[tilespmem:s8+$0x10] =	vst v9;
	v8 =	vadd.f32 v8, v12  }
0x33a: {  	[tilespmem:s8+$0x20] =	vst v10  }
0x33b: {  	s7 =	smov.u32 s0;
	[tilespmem:s8+$0xFFFFFFC0] =	vst v8  }
.LBB2_34:
0x33c: {  	v8 =	vld [tilespmem:s7+$0x0]  }
0x33d: {  	v9 =	vld [tilespmem:s13+$0x0]  }
0x33e: {  	s11 =	sadd.s32 $0x10, s11  }
0x33f: {  	p0 =	slt.u32 s11, $0xC30  }
.Ltmp16:
0x340: {  	_ = 	snop;
	(pc) =	sbr.rel @p0 .LBB2_34-.Ltmp16, $3  }
0x341: {  	_ = 	snop  }
0x342: {  	v8 =	vadd.f32 v9, v8;
	_ =	sdelay $0x1  }
0x343: {  	s13 =	sadd.s32 $0x10, s13;
	[tilespmem:s7+$0x0] =	vst v8;
	s7 =	sadd.s32 $0x10, s7  }
0x344: {  	_ =	swait.ge [sflag:s18], $0xC40  }
0x345: {  	[sflag:s18] =	ssyncset.done $0x0  }
0x346: {  	s3 =	rddreg [dreg:$0x14];
	[sflag:s18] =	ssyncadd.s32 $0xFFFFF3C0  }
0x347: {  	[tilespmem:s24], [sflag:$0x3] =	stream.linear.gather [hbm4b:s3+s21], $0xC40, $0x200038;
	[tilespmem:$0x1FF80] =	vst v63  }
0x348: {  	s7 =	simm.s32 $0x1A780;
	v9 =	vld [tilespmem:s31+$0x30]  }
0x349: {  	v10 =	vld [tilespmem:s7+$0x30]  }
0x34a: {  	v8 =	vld [tilespmem:s7+$0xFFFFFFC0]  }
0x34b: {  	v11 =	vld [tilespmem:s31+$0xFFFFFFD0]  }
0x34c: {  	v12 =	vld [tilespmem:s7+$0xFFFFFFD0]  }
0x34d: {  	v13 =	vld [tilespmem:s31+$0xFFFFFFE0]  }
0x34e: {  	v14 =	vld [tilespmem:s7+$0xFFFFFFE0]  }
0x34f: {  	v15 =	vld [tilespmem:s31+$0xFFFFFFF0]  }
0x350: {  	v16 =	vld [tilespmem:s7+$0xFFFFFFF0]  }
0x351: {  	v17 =	vld [tilespmem:s31+$0x0]  }
0x352: {  	v18 =	vld [tilespmem:s7+$0x0];
	v10 =	vadd.f32 v10, v9  }
0x353: {  	v12 =	vadd.f32 v12, v11;
	v9 =	vld [tilespmem:s31+$0x10]  }
0x354: {  	v13 =	vadd.f32 v14, v13;
	v11 =	vld [tilespmem:s7+$0x10];
	[tilespmem:s31+$0x30] =	vst v10  }
0x355: {  	v14 =	vadd.f32 v16, v15;
	[tilespmem:s31+$0xFFFFFFD0] =	vst v12;
	v10 =	vld [tilespmem:s31+$0x20]  }
0x356: {  	[tilespmem:s31+$0xFFFFFFE0] =	vst v13;
	v13 =	vld [tilespmem:s7+$0x20]  }
0x357: {  	s9 =	simm.s32 $0x0;
	s10 =	sadd.s32 $0x80, s31;
	s8 =	smov.u32 s31;
	v12 =	vld [tilespmem:s31+$0xFFFFFFC0];
	[tilespmem:s31+$0xFFFFFFF0] =	vst v14;
	v14 =	vadd.f32 v18, v17  }
.LBB2_36:
0x358: {  	v15 =	vld [tilespmem:s10+$0x30];
	s7 =	sadd.s32 $0x80, s7  }
0x359: {  	s9 =	sadd.s32 $0x80, s9;
	v16 =	vld [tilespmem:s7+$0x30];
	[tilespmem:s8+$0x0] =	vst v14;
	v9 =	vadd.f32 v11, v9  }
0x35a: {  	p0 =	slt.u32 s9, $0xB80;
	v11 =	vld [tilespmem:s7+$0xFFFFFFC0]  }
0x35b: {  	v14 =	vld [tilespmem:s10+$0xFFFFFFD0];
	[tilespmem:s8+$0x10] =	vst v9;
	v9 =	vadd.f32 v13, v10  }
0x35c: {  	v10 =	vld [tilespmem:s7+$0xFFFFFFD0];
	v17 =	vadd.f32 v8, v12  }
0x35d: {  	v12 =	vld [tilespmem:s10+$0xFFFFFFE0];
	[tilespmem:s8+$0x20] =	vst v9  }
0x35e: {  	v9 =	vld [tilespmem:s7+$0xFFFFFFE0];
	v13 =	vadd.f32 v16, v15;
	[tilespmem:s8+$0xFFFFFFC0] =	vst v17;
	s8 =	smov.u32 s10  }
0x35f: {  	v15 =	vld [tilespmem:s10+$0xFFFFFFF0];
	v8 =	vmov v11  }
0x360: {  	s11 =	simm.s32 $0xBF0;
	s13 =	simm.s32 $0x1B340;
	v16 =	vld [tilespmem:s7+$0xFFFFFFF0];
	[tilespmem:s10+$0x30] =	vst v13  }
0x361: {  	v10 =	vadd.f32 v10, v14;
	v14 =	vld [tilespmem:s10+$0x0]  }
0x362: {  	v17 =	vld [tilespmem:s7+$0x0]  }
.Ltmp17:
0x363: {  	[tilespmem:s10+$0xFFFFFFD0] =	vst v10;
	v10 =	vadd.f32 v9, v12;
	v9 =	vld [tilespmem:s10+$0x10];
	(pc) =	sbr.rel @p0 .LBB2_36-.Ltmp17, $4  }
0x364: {  	v11 =	vld [tilespmem:s7+$0x10]  }
0x365: {  	[tilespmem:s10+$0xFFFFFFE0] =	vst v10;
	v15 =	vadd.f32 v16, v15;
	v10 =	vld [tilespmem:s10+$0x20]  }
0x366: {  	v13 =	vld [tilespmem:s7+$0x20]  }
0x367: {  	s10 =	sadd.s32 $0x80, s10;
	v12 =	vld [tilespmem:s8+$0xFFFFFFC0];
	[tilespmem:s8+$0xFFFFFFF0] =	vst v15;
	v14 =	vadd.f32 v17, v14  }
0x368: {  	_ =	sdelay $0x1  }
0x369: {  	v9 =	vadd.f32 v11, v9  }
0x36a: {  	[tilespmem:s8+$0x0] =	vst v14;
	v10 =	vadd.f32 v13, v10  }
0x36b: {  	[tilespmem:s8+$0x10] =	vst v9;
	v8 =	vadd.f32 v8, v12  }
0x36c: {  	[tilespmem:s8+$0x20] =	vst v10  }
0x36d: {  	s7 =	smov.u32 s0;
	[tilespmem:s8+$0xFFFFFFC0] =	vst v8  }
.LBB2_38:
0x36e: {  	v8 =	vld [tilespmem:s7+$0x0]  }
0x36f: {  	v9 =	vld [tilespmem:s13+$0x0]  }
0x370: {  	s11 =	sadd.s32 $0x10, s11  }
0x371: {  	p0 =	slt.u32 s11, $0xC30  }
.Ltmp18:
0x372: {  	_ = 	snop;
	(pc) =	sbr.rel @p0 .LBB2_38-.Ltmp18, $3  }
0x373: {  	_ = 	snop  }
0x374: {  	v8 =	vadd.f32 v9, v8;
	_ =	sdelay $0x1  }
0x375: {  	s13 =	sadd.s32 $0x10, s13;
	[tilespmem:s7+$0x0] =	vst v8;
	s7 =	sadd.s32 $0x10, s7  }
0x376: {  	_ =	swait.ge [sflag:s23], $0xC40  }
0x377: {  	[sflag:s23] =	ssyncset.done $0x0  }
0x378: {  	s3 =	rddreg [dreg:$0x15];
	[sflag:s23] =	ssyncadd.s32 $0xFFFFF3C0  }
0x379: {  	[tilespmem:s22], [sflag:$0x2] =	stream.linear.gather [hbm4b:s3+s21], $0xC40, $0x200038;
	[tilespmem:$0x1FF80] =	vst v63  }
0x37a: {  	s7 =	simm.s32 $0x1B3C0;
	v9 =	vld [tilespmem:s31+$0x30]  }
0x37b: {  	v10 =	vld [tilespmem:s7+$0x30]  }
0x37c: {  	v8 =	vld [tilespmem:s7+$0xFFFFFFC0]  }
0x37d: {  	v11 =	vld [tilespmem:s31+$0xFFFFFFD0]  }
0x37e: {  	v12 =	vld [tilespmem:s7+$0xFFFFFFD0]  }
0x37f: {  	v13 =	vld [tilespmem:s31+$0xFFFFFFE0]  }
0x380: {  	v14 =	vld [tilespmem:s7+$0xFFFFFFE0]  }
0x381: {  	v15 =	vld [tilespmem:s31+$0xFFFFFFF0]  }
0x382: {  	v16 =	vld [tilespmem:s7+$0xFFFFFFF0]  }
0x383: {  	v17 =	vld [tilespmem:s31+$0x0]  }
0x384: {  	v18 =	vld [tilespmem:s7+$0x0];
	v10 =	vadd.f32 v10, v9  }
0x385: {  	v12 =	vadd.f32 v12, v11;
	v9 =	vld [tilespmem:s31+$0x10]  }
0x386: {  	v13 =	vadd.f32 v14, v13;
	v11 =	vld [tilespmem:s7+$0x10];
	[tilespmem:s31+$0x30] =	vst v10  }
0x387: {  	v14 =	vadd.f32 v16, v15;
	[tilespmem:s31+$0xFFFFFFD0] =	vst v12;
	v10 =	vld [tilespmem:s31+$0x20]  }
0x388: {  	[tilespmem:s31+$0xFFFFFFE0] =	vst v13;
	v13 =	vld [tilespmem:s7+$0x20]  }
0x389: {  	s9 =	simm.s32 $0x0;
	s10 =	sadd.s32 $0x80, s31;
	s8 =	smov.u32 s31;
	v12 =	vld [tilespmem:s31+$0xFFFFFFC0];
	[tilespmem:s31+$0xFFFFFFF0] =	vst v14;
	v14 =	vadd.f32 v18, v17  }
.LBB2_40:
0x38a: {  	v15 =	vld [tilespmem:s10+$0x30];
	s7 =	sadd.s32 $0x80, s7  }
0x38b: {  	s9 =	sadd.s32 $0x80, s9;
	v16 =	vld [tilespmem:s7+$0x30];
	[tilespmem:s8+$0x0] =	vst v14;
	v9 =	vadd.f32 v11, v9  }
0x38c: {  	p0 =	slt.u32 s9, $0xB80;
	v11 =	vld [tilespmem:s7+$0xFFFFFFC0]  }
0x38d: {  	v14 =	vld [tilespmem:s10+$0xFFFFFFD0];
	[tilespmem:s8+$0x10] =	vst v9;
	v9 =	vadd.f32 v13, v10  }
0x38e: {  	v10 =	vld [tilespmem:s7+$0xFFFFFFD0];
	v17 =	vadd.f32 v8, v12  }
0x38f: {  	v12 =	vld [tilespmem:s10+$0xFFFFFFE0];
	[tilespmem:s8+$0x20] =	vst v9  }
0x390: {  	v9 =	vld [tilespmem:s7+$0xFFFFFFE0];
	v13 =	vadd.f32 v16, v15;
	[tilespmem:s8+$0xFFFFFFC0] =	vst v17;
	s8 =	smov.u32 s10  }
0x391: {  	v15 =	vld [tilespmem:s10+$0xFFFFFFF0];
	v8 =	vmov v11  }
0x392: {  	s11 =	simm.s32 $0xBF0;
	s13 =	simm.s32 $0x1BF80;
	v16 =	vld [tilespmem:s7+$0xFFFFFFF0];
	[tilespmem:s10+$0x30] =	vst v13  }
0x393: {  	v10 =	vadd.f32 v10, v14;
	v14 =	vld [tilespmem:s10+$0x0]  }
0x394: {  	v17 =	vld [tilespmem:s7+$0x0]  }
.Ltmp19:
0x395: {  	[tilespmem:s10+$0xFFFFFFD0] =	vst v10;
	v10 =	vadd.f32 v9, v12;
	v9 =	vld [tilespmem:s10+$0x10];
	(pc) =	sbr.rel @p0 .LBB2_40-.Ltmp19, $4  }
0x396: {  	v11 =	vld [tilespmem:s7+$0x10]  }
0x397: {  	[tilespmem:s10+$0xFFFFFFE0] =	vst v10;
	v15 =	vadd.f32 v16, v15;
	v10 =	vld [tilespmem:s10+$0x20]  }
0x398: {  	v13 =	vld [tilespmem:s7+$0x20]  }
0x399: {  	s10 =	sadd.s32 $0x80, s10;
	v12 =	vld [tilespmem:s8+$0xFFFFFFC0];
	[tilespmem:s8+$0xFFFFFFF0] =	vst v15;
	v14 =	vadd.f32 v17, v14  }
0x39a: {  	_ =	sdelay $0x1  }
0x39b: {  	v9 =	vadd.f32 v11, v9  }
0x39c: {  	[tilespmem:s8+$0x0] =	vst v14;
	v10 =	vadd.f32 v13, v10  }
0x39d: {  	[tilespmem:s8+$0x10] =	vst v9;
	v8 =	vadd.f32 v8, v12  }
0x39e: {  	[tilespmem:s8+$0x20] =	vst v10  }
0x39f: {  	s7 =	smov.u32 s0;
	[tilespmem:s8+$0xFFFFFFC0] =	vst v8  }
.LBB2_42:
0x3a0: {  	v8 =	vld [tilespmem:s7+$0x0]  }
0x3a1: {  	v9 =	vld [tilespmem:s13+$0x0]  }
0x3a2: {  	s11 =	sadd.s32 $0x10, s11  }
0x3a3: {  	p0 =	slt.u32 s11, $0xC30  }
.Ltmp20:
0x3a4: {  	_ = 	snop;
	(pc) =	sbr.rel @p0 .LBB2_42-.Ltmp20, $3  }
0x3a5: {  	_ = 	snop  }
0x3a6: {  	v8 =	vadd.f32 v9, v8;
	_ =	sdelay $0x1  }
0x3a7: {  	s13 =	sadd.s32 $0x10, s13;
	[tilespmem:s7+$0x0] =	vst v8;
	s7 =	sadd.s32 $0x10, s7  }
0x3a8: {  	_ =	swait.ge [sflag:s18], $0xC40  }
0x3a9: {  	[sflag:s18] =	ssyncset.done $0x0  }
0x3aa: {  	s3 =	rddreg [dreg:$0x16];
	[sflag:s18] =	ssyncadd.s32 $0xFFFFF3C0  }
0x3ab: {  	[tilespmem:s24], [sflag:$0x3] =	stream.linear.gather [hbm4b:s3+s21], $0xC40, $0x200038;
	[tilespmem:$0x1FF80] =	vst v63  }
0x3ac: {  	s7 =	simm.s32 $0x1A780;
	v9 =	vld [tilespmem:s31+$0x30]  }
0x3ad: {  	v10 =	vld [tilespmem:s7+$0x30]  }
0x3ae: {  	v8 =	vld [tilespmem:s7+$0xFFFFFFC0]  }
0x3af: {  	v11 =	vld [tilespmem:s31+$0xFFFFFFD0]  }
0x3b0: {  	v12 =	vld [tilespmem:s7+$0xFFFFFFD0]  }
0x3b1: {  	v13 =	vld [tilespmem:s31+$0xFFFFFFE0]  }
0x3b2: {  	v14 =	vld [tilespmem:s7+$0xFFFFFFE0]  }
0x3b3: {  	v15 =	vld [tilespmem:s31+$0xFFFFFFF0]  }
0x3b4: {  	v16 =	vld [tilespmem:s7+$0xFFFFFFF0]  }
0x3b5: {  	v17 =	vld [tilespmem:s31+$0x0]  }
0x3b6: {  	v18 =	vld [tilespmem:s7+$0x0];
	v10 =	vadd.f32 v10, v9  }
0x3b7: {  	v12 =	vadd.f32 v12, v11;
	v9 =	vld [tilespmem:s31+$0x10]  }
0x3b8: {  	v13 =	vadd.f32 v14, v13;
	v11 =	vld [tilespmem:s7+$0x10];
	[tilespmem:s31+$0x30] =	vst v10  }
0x3b9: {  	v14 =	vadd.f32 v16, v15;
	[tilespmem:s31+$0xFFFFFFD0] =	vst v12;
	v10 =	vld [tilespmem:s31+$0x20]  }
0x3ba: {  	[tilespmem:s31+$0xFFFFFFE0] =	vst v13;
	v13 =	vld [tilespmem:s7+$0x20]  }
0x3bb: {  	s9 =	simm.s32 $0x0;
	s10 =	sadd.s32 $0x80, s31;
	s8 =	smov.u32 s31;
	v12 =	vld [tilespmem:s31+$0xFFFFFFC0];
	[tilespmem:s31+$0xFFFFFFF0] =	vst v14;
	v14 =	vadd.f32 v18, v17  }
.LBB2_44:
0x3bc: {  	v15 =	vld [tilespmem:s10+$0x30];
	s7 =	sadd.s32 $0x80, s7  }
0x3bd: {  	s9 =	sadd.s32 $0x80, s9;
	v16 =	vld [tilespmem:s7+$0x30];
	[tilespmem:s8+$0x0] =	vst v14;
	v9 =	vadd.f32 v11, v9  }
0x3be: {  	p0 =	slt.u32 s9, $0xB80;
	v11 =	vld [tilespmem:s7+$0xFFFFFFC0]  }
0x3bf: {  	v14 =	vld [tilespmem:s10+$0xFFFFFFD0];
	[tilespmem:s8+$0x10] =	vst v9;
	v9 =	vadd.f32 v13, v10  }
0x3c0: {  	v10 =	vld [tilespmem:s7+$0xFFFFFFD0];
	v17 =	vadd.f32 v8, v12  }
0x3c1: {  	v12 =	vld [tilespmem:s10+$0xFFFFFFE0];
	[tilespmem:s8+$0x20] =	vst v9  }
0x3c2: {  	v9 =	vld [tilespmem:s7+$0xFFFFFFE0];
	v13 =	vadd.f32 v16, v15;
	[tilespmem:s8+$0xFFFFFFC0] =	vst v17;
	s8 =	smov.u32 s10  }
0x3c3: {  	v15 =	vld [tilespmem:s10+$0xFFFFFFF0];
	v8 =	vmov v11  }
0x3c4: {  	s11 =	simm.s32 $0xBF0;
	s13 =	simm.s32 $0x1B340;
	v16 =	vld [tilespmem:s7+$0xFFFFFFF0];
	[tilespmem:s10+$0x30] =	vst v13  }
0x3c5: {  	v10 =	vadd.f32 v10, v14;
	v14 =	vld [tilespmem:s10+$0x0]  }
0x3c6: {  	v17 =	vld [tilespmem:s7+$0x0]  }
.Ltmp21:
0x3c7: {  	[tilespmem:s10+$0xFFFFFFD0] =	vst v10;
	v10 =	vadd.f32 v9, v12;
	v9 =	vld [tilespmem:s10+$0x10];
	(pc) =	sbr.rel @p0 .LBB2_44-.Ltmp21, $4  }
0x3c8: {  	v11 =	vld [tilespmem:s7+$0x10]  }
0x3c9: {  	[tilespmem:s10+$0xFFFFFFE0] =	vst v10;
	v15 =	vadd.f32 v16, v15;
	v10 =	vld [tilespmem:s10+$0x20]  }
0x3ca: {  	v13 =	vld [tilespmem:s7+$0x20]  }
0x3cb: {  	s10 =	sadd.s32 $0x80, s10;
	v12 =	vld [tilespmem:s8+$0xFFFFFFC0];
	[tilespmem:s8+$0xFFFFFFF0] =	vst v15;
	v14 =	vadd.f32 v17, v14  }
0x3cc: {  	_ =	sdelay $0x1  }
0x3cd: {  	v9 =	vadd.f32 v11, v9  }
0x3ce: {  	[tilespmem:s8+$0x0] =	vst v14;
	v10 =	vadd.f32 v13, v10  }
0x3cf: {  	[tilespmem:s8+$0x10] =	vst v9;
	v8 =	vadd.f32 v8, v12  }
0x3d0: {  	[tilespmem:s8+$0x20] =	vst v10  }
0x3d1: {  	s7 =	smov.u32 s0;
	[tilespmem:s8+$0xFFFFFFC0] =	vst v8  }
.LBB2_46:
0x3d2: {  	v8 =	vld [tilespmem:s7+$0x0]  }
0x3d3: {  	v9 =	vld [tilespmem:s13+$0x0]  }
0x3d4: {  	s11 =	sadd.s32 $0x10, s11  }
0x3d5: {  	p0 =	slt.u32 s11, $0xC30  }
.Ltmp22:
0x3d6: {  	_ = 	snop;
	(pc) =	sbr.rel @p0 .LBB2_46-.Ltmp22, $3  }
0x3d7: {  	_ = 	snop  }
0x3d8: {  	v8 =	vadd.f32 v9, v8;
	_ =	sdelay $0x1  }
0x3d9: {  	s13 =	sadd.s32 $0x10, s13;
	[tilespmem:s7+$0x0] =	vst v8;
	s7 =	sadd.s32 $0x10, s7  }
0x3da: {  	_ =	swait.ge [sflag:s23], $0xC40  }
0x3db: {  	[sflag:s23] =	ssyncset.done $0x0  }
0x3dc: {  	s3 =	rddreg [dreg:$0x17];
	[sflag:s23] =	ssyncadd.s32 $0xFFFFF3C0  }
0x3dd: {  	[tilespmem:s22], [sflag:$0x2] =	stream.linear.gather [hbm4b:s3+s21], $0xC40, $0x200038;
	[tilespmem:$0x1FF80] =	vst v63  }
0x3de: {  	s7 =	simm.s32 $0x1B3C0;
	v9 =	vld [tilespmem:s31+$0x30]  }
0x3df: {  	v10 =	vld [tilespmem:s7+$0x30]  }
0x3e0: {  	v8 =	vld [tilespmem:s7+$0xFFFFFFC0]  }
0x3e1: {  	v11 =	vld [tilespmem:s31+$0xFFFFFFD0]  }
0x3e2: {  	v12 =	vld [tilespmem:s7+$0xFFFFFFD0]  }
0x3e3: {  	v13 =	vld [tilespmem:s31+$0xFFFFFFE0]  }
0x3e4: {  	v14 =	vld [tilespmem:s7+$0xFFFFFFE0]  }
0x3e5: {  	v15 =	vld [tilespmem:s31+$0xFFFFFFF0]  }
0x3e6: {  	v16 =	vld [tilespmem:s7+$0xFFFFFFF0]  }
0x3e7: {  	v17 =	vld [tilespmem:s31+$0x0]  }
0x3e8: {  	v18 =	vld [tilespmem:s7+$0x0];
	v10 =	vadd.f32 v10, v9  }
0x3e9: {  	v12 =	vadd.f32 v12, v11;
	v9 =	vld [tilespmem:s31+$0x10]  }
0x3ea: {  	v13 =	vadd.f32 v14, v13;
	v11 =	vld [tilespmem:s7+$0x10];
	[tilespmem:s31+$0x30] =	vst v10  }
0x3eb: {  	v14 =	vadd.f32 v16, v15;
	[tilespmem:s31+$0xFFFFFFD0] =	vst v12;
	v10 =	vld [tilespmem:s31+$0x20]  }
0x3ec: {  	[tilespmem:s31+$0xFFFFFFE0] =	vst v13;
	v13 =	vld [tilespmem:s7+$0x20]  }
0x3ed: {  	s9 =	simm.s32 $0x0;
	s10 =	sadd.s32 $0x80, s31;
	s8 =	smov.u32 s31;
	v12 =	vld [tilespmem:s31+$0xFFFFFFC0];
	[tilespmem:s31+$0xFFFFFFF0] =	vst v14;
	v14 =	vadd.f32 v18, v17  }
.LBB2_48:
0x3ee: {  	v15 =	vld [tilespmem:s10+$0x30];
	s7 =	sadd.s32 $0x80, s7  }
0x3ef: {  	s9 =	sadd.s32 $0x80, s9;
	v16 =	vld [tilespmem:s7+$0x30];
	[tilespmem:s8+$0x0] =	vst v14;
	v9 =	vadd.f32 v11, v9  }
0x3f0: {  	p0 =	slt.u32 s9, $0xB80;
	v11 =	vld [tilespmem:s7+$0xFFFFFFC0]  }
0x3f1: {  	v14 =	vld [tilespmem:s10+$0xFFFFFFD0];
	[tilespmem:s8+$0x10] =	vst v9;
	v9 =	vadd.f32 v13, v10  }
0x3f2: {  	v10 =	vld [tilespmem:s7+$0xFFFFFFD0];
	v17 =	vadd.f32 v8, v12  }
0x3f3: {  	v12 =	vld [tilespmem:s10+$0xFFFFFFE0];
	[tilespmem:s8+$0x20] =	vst v9  }
0x3f4: {  	v9 =	vld [tilespmem:s7+$0xFFFFFFE0];
	v13 =	vadd.f32 v16, v15;
	[tilespmem:s8+$0xFFFFFFC0] =	vst v17;
	s8 =	smov.u32 s10  }
0x3f5: {  	v15 =	vld [tilespmem:s10+$0xFFFFFFF0];
	v8 =	vmov v11  }
0x3f6: {  	s11 =	simm.s32 $0xBF0;
	s13 =	simm.s32 $0x1BF80;
	v16 =	vld [tilespmem:s7+$0xFFFFFFF0];
	[tilespmem:s10+$0x30] =	vst v13  }
0x3f7: {  	v10 =	vadd.f32 v10, v14;
	v14 =	vld [tilespmem:s10+$0x0]  }
0x3f8: {  	v17 =	vld [tilespmem:s7+$0x0]  }
.Ltmp23:
0x3f9: {  	[tilespmem:s10+$0xFFFFFFD0] =	vst v10;
	v10 =	vadd.f32 v9, v12;
	v9 =	vld [tilespmem:s10+$0x10];
	(pc) =	sbr.rel @p0 .LBB2_48-.Ltmp23, $4  }
0x3fa: {  	v11 =	vld [tilespmem:s7+$0x10]  }
0x3fb: {  	[tilespmem:s10+$0xFFFFFFE0] =	vst v10;
	v15 =	vadd.f32 v16, v15;
	v10 =	vld [tilespmem:s10+$0x20]  }
0x3fc: {  	v13 =	vld [tilespmem:s7+$0x20]  }
0x3fd: {  	s10 =	sadd.s32 $0x80, s10;
	v12 =	vld [tilespmem:s8+$0xFFFFFFC0];
	[tilespmem:s8+$0xFFFFFFF0] =	vst v15;
	v14 =	vadd.f32 v17, v14  }
0x3fe: {  	_ =	sdelay $0x1  }
0x3ff: {  	v9 =	vadd.f32 v11, v9  }
0x400: {  	[tilespmem:s8+$0x0] =	vst v14;
	v10 =	vadd.f32 v13, v10  }
0x401: {  	[tilespmem:s8+$0x10] =	vst v9;
	v8 =	vadd.f32 v8, v12  }
0x402: {  	[tilespmem:s8+$0x20] =	vst v10  }
0x403: {  	s7 =	smov.u32 s0;
	[tilespmem:s8+$0xFFFFFFC0] =	vst v8  }
.LBB2_50:
0x404: {  	v8 =	vld [tilespmem:s7+$0x0]  }
0x405: {  	v9 =	vld [tilespmem:s13+$0x0]  }
0x406: {  	s11 =	sadd.s32 $0x10, s11  }
0x407: {  	p0 =	slt.u32 s11, $0xC30  }
.Ltmp24:
0x408: {  	_ = 	snop;
	(pc) =	sbr.rel @p0 .LBB2_50-.Ltmp24, $3  }
0x409: {  	_ = 	snop  }
0x40a: {  	v8 =	vadd.f32 v9, v8;
	_ =	sdelay $0x1  }
0x40b: {  	s13 =	sadd.s32 $0x10, s13;
	[tilespmem:s7+$0x0] =	vst v8;
	s7 =	sadd.s32 $0x10, s7  }
0x40c: {  	_ =	swait.ge [sflag:s18], $0xC40  }
0x40d: {  	[sflag:s18] =	ssyncset.done $0x0  }
0x40e: {  	s3 =	rddreg [dreg:$0x18];
	[sflag:s18] =	ssyncadd.s32 $0xFFFFF3C0  }
0x40f: {  	[tilespmem:s24], [sflag:$0x3] =	stream.linear.gather [hbm4b:s3+s21], $0xC40, $0x200038;
	[tilespmem:$0x1FF80] =	vst v63  }
0x410: {  	s7 =	simm.s32 $0x1A780;
	v9 =	vld [tilespmem:s31+$0x30]  }
0x411: {  	v10 =	vld [tilespmem:s7+$0x30]  }
0x412: {  	v8 =	vld [tilespmem:s7+$0xFFFFFFC0]  }
0x413: {  	v11 =	vld [tilespmem:s31+$0xFFFFFFD0]  }
0x414: {  	v12 =	vld [tilespmem:s7+$0xFFFFFFD0]  }
0x415: {  	v13 =	vld [tilespmem:s31+$0xFFFFFFE0]  }
0x416: {  	v14 =	vld [tilespmem:s7+$0xFFFFFFE0]  }
0x417: {  	v15 =	vld [tilespmem:s31+$0xFFFFFFF0]  }
0x418: {  	v16 =	vld [tilespmem:s7+$0xFFFFFFF0]  }
0x419: {  	v17 =	vld [tilespmem:s31+$0x0]  }
0x41a: {  	v18 =	vld [tilespmem:s7+$0x0];
	v10 =	vadd.f32 v10, v9  }
0x41b: {  	v12 =	vadd.f32 v12, v11;
	v9 =	vld [tilespmem:s31+$0x10]  }
0x41c: {  	v13 =	vadd.f32 v14, v13;
	v11 =	vld [tilespmem:s7+$0x10];
	[tilespmem:s31+$0x30] =	vst v10  }
0x41d: {  	v14 =	vadd.f32 v16, v15;
	[tilespmem:s31+$0xFFFFFFD0] =	vst v12;
	v10 =	vld [tilespmem:s31+$0x20]  }
0x41e: {  	[tilespmem:s31+$0xFFFFFFE0] =	vst v13;
	v13 =	vld [tilespmem:s7+$0x20]  }
0x41f: {  	s9 =	simm.s32 $0x0;
	s10 =	sadd.s32 $0x80, s31;
	s8 =	smov.u32 s31;
	v12 =	vld [tilespmem:s31+$0xFFFFFFC0];
	[tilespmem:s31+$0xFFFFFFF0] =	vst v14;
	v14 =	vadd.f32 v18, v17  }
.LBB2_52:
0x420: {  	v15 =	vld [tilespmem:s10+$0x30];
	s7 =	sadd.s32 $0x80, s7  }
0x421: {  	s9 =	sadd.s32 $0x80, s9;
	v16 =	vld [tilespmem:s7+$0x30];
	[tilespmem:s8+$0x0] =	vst v14;
	v9 =	vadd.f32 v11, v9  }
0x422: {  	p0 =	slt.u32 s9, $0xB80;
	v11 =	vld [tilespmem:s7+$0xFFFFFFC0]  }
0x423: {  	v14 =	vld [tilespmem:s10+$0xFFFFFFD0];
	[tilespmem:s8+$0x10] =	vst v9;
	v9 =	vadd.f32 v13, v10  }
0x424: {  	v10 =	vld [tilespmem:s7+$0xFFFFFFD0];
	v17 =	vadd.f32 v8, v12  }
0x425: {  	v12 =	vld [tilespmem:s10+$0xFFFFFFE0];
	[tilespmem:s8+$0x20] =	vst v9  }
0x426: {  	v9 =	vld [tilespmem:s7+$0xFFFFFFE0];
	v13 =	vadd.f32 v16, v15;
	[tilespmem:s8+$0xFFFFFFC0] =	vst v17;
	s8 =	smov.u32 s10  }
0x427: {  	v15 =	vld [tilespmem:s10+$0xFFFFFFF0];
	v8 =	vmov v11  }
0x428: {  	s11 =	simm.s32 $0xBF0;
	s13 =	simm.s32 $0x1B340;
	v16 =	vld [tilespmem:s7+$0xFFFFFFF0];
	[tilespmem:s10+$0x30] =	vst v13  }
0x429: {  	v10 =	vadd.f32 v10, v14;
	v14 =	vld [tilespmem:s10+$0x0]  }
0x42a: {  	v17 =	vld [tilespmem:s7+$0x0]  }
.Ltmp25:
0x42b: {  	[tilespmem:s10+$0xFFFFFFD0] =	vst v10;
	v10 =	vadd.f32 v9, v12;
	v9 =	vld [tilespmem:s10+$0x10];
	(pc) =	sbr.rel @p0 .LBB2_52-.Ltmp25, $4  }
0x42c: {  	v11 =	vld [tilespmem:s7+$0x10]  }
0x42d: {  	[tilespmem:s10+$0xFFFFFFE0] =	vst v10;
	v15 =	vadd.f32 v16, v15;
	v10 =	vld [tilespmem:s10+$0x20]  }
0x42e: {  	v13 =	vld [tilespmem:s7+$0x20]  }
0x42f: {  	s10 =	sadd.s32 $0x80, s10;
	v12 =	vld [tilespmem:s8+$0xFFFFFFC0];
	[tilespmem:s8+$0xFFFFFFF0] =	vst v15;
	v14 =	vadd.f32 v17, v14  }
0x430: {  	_ =	sdelay $0x1  }
0x431: {  	v9 =	vadd.f32 v11, v9  }
0x432: {  	[tilespmem:s8+$0x0] =	vst v14;
	v10 =	vadd.f32 v13, v10  }
0x433: {  	[tilespmem:s8+$0x10] =	vst v9;
	v8 =	vadd.f32 v8, v12  }
0x434: {  	[tilespmem:s8+$0x20] =	vst v10  }
0x435: {  	s7 =	smov.u32 s0;
	[tilespmem:s8+$0xFFFFFFC0] =	vst v8  }
.LBB2_54:
0x436: {  	v8 =	vld [tilespmem:s7+$0x0]  }
0x437: {  	v9 =	vld [tilespmem:s13+$0x0]  }
0x438: {  	s11 =	sadd.s32 $0x10, s11  }
0x439: {  	p0 =	slt.u32 s11, $0xC30  }
.Ltmp26:
0x43a: {  	_ = 	snop;
	(pc) =	sbr.rel @p0 .LBB2_54-.Ltmp26, $3  }
0x43b: {  	_ = 	snop  }
0x43c: {  	v8 =	vadd.f32 v9, v8;
	_ =	sdelay $0x1  }
0x43d: {  	s13 =	sadd.s32 $0x10, s13;
	[tilespmem:s7+$0x0] =	vst v8;
	s7 =	sadd.s32 $0x10, s7  }
0x43e: {  	_ =	swait.ge [sflag:s23], $0xC40  }
0x43f: {  	[sflag:s23] =	ssyncset.done $0x0  }
0x440: {  	s3 =	rddreg [dreg:$0x19];
	[sflag:s23] =	ssyncadd.s32 $0xFFFFF3C0  }
0x441: {  	[tilespmem:s22], [sflag:$0x2] =	stream.linear.gather [hbm4b:s3+s21], $0xC40, $0x200038;
	[tilespmem:$0x1FF80] =	vst v63  }
0x442: {  	s7 =	simm.s32 $0x1B3C0;
	v9 =	vld [tilespmem:s31+$0x30]  }
0x443: {  	v10 =	vld [tilespmem:s7+$0x30]  }
0x444: {  	v8 =	vld [tilespmem:s7+$0xFFFFFFC0]  }
0x445: {  	v11 =	vld [tilespmem:s31+$0xFFFFFFD0]  }
0x446: {  	v12 =	vld [tilespmem:s7+$0xFFFFFFD0]  }
0x447: {  	v13 =	vld [tilespmem:s31+$0xFFFFFFE0]  }
0x448: {  	v14 =	vld [tilespmem:s7+$0xFFFFFFE0]  }
0x449: {  	v15 =	vld [tilespmem:s31+$0xFFFFFFF0]  }
0x44a: {  	v16 =	vld [tilespmem:s7+$0xFFFFFFF0]  }
0x44b: {  	v17 =	vld [tilespmem:s31+$0x0]  }
0x44c: {  	v18 =	vld [tilespmem:s7+$0x0];
	v10 =	vadd.f32 v10, v9  }
0x44d: {  	v12 =	vadd.f32 v12, v11;
	v9 =	vld [tilespmem:s31+$0x10]  }
0x44e: {  	v13 =	vadd.f32 v14, v13;
	v11 =	vld [tilespmem:s7+$0x10];
	[tilespmem:s31+$0x30] =	vst v10  }
0x44f: {  	v14 =	vadd.f32 v16, v15;
	[tilespmem:s31+$0xFFFFFFD0] =	vst v12;
	v10 =	vld [tilespmem:s31+$0x20]  }
0x450: {  	[tilespmem:s31+$0xFFFFFFE0] =	vst v13;
	v13 =	vld [tilespmem:s7+$0x20]  }
0x451: {  	s9 =	simm.s32 $0x0;
	s10 =	sadd.s32 $0x80, s31;
	s8 =	smov.u32 s31;
	v12 =	vld [tilespmem:s31+$0xFFFFFFC0];
	[tilespmem:s31+$0xFFFFFFF0] =	vst v14;
	v14 =	vadd.f32 v18, v17  }
.LBB2_56:
0x452: {  	v15 =	vld [tilespmem:s10+$0x30];
	s7 =	sadd.s32 $0x80, s7  }
0x453: {  	s9 =	sadd.s32 $0x80, s9;
	v16 =	vld [tilespmem:s7+$0x30];
	[tilespmem:s8+$0x0] =	vst v14;
	v9 =	vadd.f32 v11, v9  }
0x454: {  	p0 =	slt.u32 s9, $0xB80;
	v11 =	vld [tilespmem:s7+$0xFFFFFFC0]  }
0x455: {  	v14 =	vld [tilespmem:s10+$0xFFFFFFD0];
	[tilespmem:s8+$0x10] =	vst v9;
	v9 =	vadd.f32 v13, v10  }
0x456: {  	v10 =	vld [tilespmem:s7+$0xFFFFFFD0];
	v17 =	vadd.f32 v8, v12  }
0x457: {  	v12 =	vld [tilespmem:s10+$0xFFFFFFE0];
	[tilespmem:s8+$0x20] =	vst v9  }
0x458: {  	v9 =	vld [tilespmem:s7+$0xFFFFFFE0];
	v13 =	vadd.f32 v16, v15;
	[tilespmem:s8+$0xFFFFFFC0] =	vst v17;
	s8 =	smov.u32 s10  }
0x459: {  	v15 =	vld [tilespmem:s10+$0xFFFFFFF0];
	v8 =	vmov v11  }
0x45a: {  	s11 =	simm.s32 $0xBF0;
	s13 =	simm.s32 $0x1BF80;
	v16 =	vld [tilespmem:s7+$0xFFFFFFF0];
	[tilespmem:s10+$0x30] =	vst v13  }
0x45b: {  	v10 =	vadd.f32 v10, v14;
	v14 =	vld [tilespmem:s10+$0x0]  }
0x45c: {  	v17 =	vld [tilespmem:s7+$0x0]  }
.Ltmp27:
0x45d: {  	[tilespmem:s10+$0xFFFFFFD0] =	vst v10;
	v10 =	vadd.f32 v9, v12;
	v9 =	vld [tilespmem:s10+$0x10];
	(pc) =	sbr.rel @p0 .LBB2_56-.Ltmp27, $4  }
0x45e: {  	v11 =	vld [tilespmem:s7+$0x10]  }
0x45f: {  	[tilespmem:s10+$0xFFFFFFE0] =	vst v10;
	v15 =	vadd.f32 v16, v15;
	v10 =	vld [tilespmem:s10+$0x20]  }
0x460: {  	v13 =	vld [tilespmem:s7+$0x20]  }
0x461: {  	s10 =	sadd.s32 $0x80, s10;
	v12 =	vld [tilespmem:s8+$0xFFFFFFC0];
	[tilespmem:s8+$0xFFFFFFF0] =	vst v15;
	v14 =	vadd.f32 v17, v14  }
0x462: {  	_ =	sdelay $0x1  }
0x463: {  	v9 =	vadd.f32 v11, v9  }
0x464: {  	[tilespmem:s8+$0x0] =	vst v14;
	v10 =	vadd.f32 v13, v10  }
0x465: {  	[tilespmem:s8+$0x10] =	vst v9;
	v8 =	vadd.f32 v8, v12  }
0x466: {  	[tilespmem:s8+$0x20] =	vst v10  }
0x467: {  	s7 =	smov.u32 s0;
	[tilespmem:s8+$0xFFFFFFC0] =	vst v8  }
.LBB2_58:
0x468: {  	v8 =	vld [tilespmem:s7+$0x0]  }
0x469: {  	v9 =	vld [tilespmem:s13+$0x0]  }
0x46a: {  	s11 =	sadd.s32 $0x10, s11  }
0x46b: {  	p0 =	slt.u32 s11, $0xC30  }
.Ltmp28:
0x46c: {  	_ = 	snop;
	(pc) =	sbr.rel @p0 .LBB2_58-.Ltmp28, $3  }
0x46d: {  	_ = 	snop  }
0x46e: {  	v8 =	vadd.f32 v9, v8;
	_ =	sdelay $0x1  }
0x46f: {  	s13 =	sadd.s32 $0x10, s13;
	[tilespmem:s7+$0x0] =	vst v8;
	s7 =	sadd.s32 $0x10, s7  }
0x470: {  	_ =	swait.ge [sflag:s18], $0xC40  }
0x471: {  	[sflag:s18] =	ssyncset.done $0x0  }
0x472: {  	s3 =	rddreg [dreg:$0x1a];
	[sflag:s18] =	ssyncadd.s32 $0xFFFFF3C0  }
0x473: {  	[tilespmem:s24], [sflag:$0x3] =	stream.linear.gather [hbm4b:s3+s21], $0xC40, $0x200038;
	[tilespmem:$0x1FF80] =	vst v63  }
0x474: {  	s7 =	simm.s32 $0x1A780;
	v9 =	vld [tilespmem:s31+$0x30]  }
0x475: {  	v10 =	vld [tilespmem:s7+$0x30]  }
0x476: {  	v8 =	vld [tilespmem:s7+$0xFFFFFFC0]  }
0x477: {  	v11 =	vld [tilespmem:s31+$0xFFFFFFD0]  }
0x478: {  	v12 =	vld [tilespmem:s7+$0xFFFFFFD0]  }
0x479: {  	v13 =	vld [tilespmem:s31+$0xFFFFFFE0]  }
0x47a: {  	v14 =	vld [tilespmem:s7+$0xFFFFFFE0]  }
0x47b: {  	v15 =	vld [tilespmem:s31+$0xFFFFFFF0]  }
0x47c: {  	v16 =	vld [tilespmem:s7+$0xFFFFFFF0]  }
0x47d: {  	v17 =	vld [tilespmem:s31+$0x0]  }
0x47e: {  	v18 =	vld [tilespmem:s7+$0x0];
	v10 =	vadd.f32 v10, v9  }
0x47f: {  	v12 =	vadd.f32 v12, v11;
	v9 =	vld [tilespmem:s31+$0x10]  }
0x480: {  	v13 =	vadd.f32 v14, v13;
	v11 =	vld [tilespmem:s7+$0x10];
	[tilespmem:s31+$0x30] =	vst v10  }
0x481: {  	v14 =	vadd.f32 v16, v15;
	[tilespmem:s31+$0xFFFFFFD0] =	vst v12;
	v10 =	vld [tilespmem:s31+$0x20]  }
0x482: {  	[tilespmem:s31+$0xFFFFFFE0] =	vst v13;
	v13 =	vld [tilespmem:s7+$0x20]  }
0x483: {  	s9 =	simm.s32 $0x0;
	s10 =	sadd.s32 $0x80, s31;
	s8 =	smov.u32 s31;
	v12 =	vld [tilespmem:s31+$0xFFFFFFC0];
	[tilespmem:s31+$0xFFFFFFF0] =	vst v14;
	v14 =	vadd.f32 v18, v17  }
.LBB2_60:
0x484: {  	v15 =	vld [tilespmem:s10+$0x30];
	s7 =	sadd.s32 $0x80, s7  }
0x485: {  	s9 =	sadd.s32 $0x80, s9;
	v16 =	vld [tilespmem:s7+$0x30];
	[tilespmem:s8+$0x0] =	vst v14;
	v9 =	vadd.f32 v11, v9  }
0x486: {  	p0 =	slt.u32 s9, $0xB80;
	v11 =	vld [tilespmem:s7+$0xFFFFFFC0]  }
0x487: {  	v14 =	vld [tilespmem:s10+$0xFFFFFFD0];
	[tilespmem:s8+$0x10] =	vst v9;
	v9 =	vadd.f32 v13, v10  }
0x488: {  	v10 =	vld [tilespmem:s7+$0xFFFFFFD0];
	v17 =	vadd.f32 v8, v12  }
0x489: {  	v12 =	vld [tilespmem:s10+$0xFFFFFFE0];
	[tilespmem:s8+$0x20] =	vst v9  }
0x48a: {  	v9 =	vld [tilespmem:s7+$0xFFFFFFE0];
	v13 =	vadd.f32 v16, v15;
	[tilespmem:s8+$0xFFFFFFC0] =	vst v17;
	s8 =	smov.u32 s10  }
0x48b: {  	v15 =	vld [tilespmem:s10+$0xFFFFFFF0];
	v8 =	vmov v11  }
0x48c: {  	s11 =	simm.s32 $0xBF0;
	s13 =	simm.s32 $0x1B340;
	v16 =	vld [tilespmem:s7+$0xFFFFFFF0];
	[tilespmem:s10+$0x30] =	vst v13  }
0x48d: {  	v10 =	vadd.f32 v10, v14;
	v14 =	vld [tilespmem:s10+$0x0]  }
0x48e: {  	v17 =	vld [tilespmem:s7+$0x0]  }
.Ltmp29:
0x48f: {  	[tilespmem:s10+$0xFFFFFFD0] =	vst v10;
	v10 =	vadd.f32 v9, v12;
	v9 =	vld [tilespmem:s10+$0x10];
	(pc) =	sbr.rel @p0 .LBB2_60-.Ltmp29, $4  }
0x490: {  	v11 =	vld [tilespmem:s7+$0x10]  }
0x491: {  	[tilespmem:s10+$0xFFFFFFE0] =	vst v10;
	v15 =	vadd.f32 v16, v15;
	v10 =	vld [tilespmem:s10+$0x20]  }
0x492: {  	v13 =	vld [tilespmem:s7+$0x20]  }
0x493: {  	s10 =	sadd.s32 $0x80, s10;
	v12 =	vld [tilespmem:s8+$0xFFFFFFC0];
	[tilespmem:s8+$0xFFFFFFF0] =	vst v15;
	v14 =	vadd.f32 v17, v14  }
0x494: {  	_ =	sdelay $0x1  }
0x495: {  	v9 =	vadd.f32 v11, v9  }
0x496: {  	[tilespmem:s8+$0x0] =	vst v14;
	v10 =	vadd.f32 v13, v10  }
0x497: {  	[tilespmem:s8+$0x10] =	vst v9;
	v8 =	vadd.f32 v8, v12  }
0x498: {  	[tilespmem:s8+$0x20] =	vst v10  }
0x499: {  	s7 =	smov.u32 s0;
	[tilespmem:s8+$0xFFFFFFC0] =	vst v8  }
.LBB2_62:
0x49a: {  	v8 =	vld [tilespmem:s7+$0x0]  }
0x49b: {  	v9 =	vld [tilespmem:s13+$0x0]  }
0x49c: {  	s11 =	sadd.s32 $0x10, s11  }
0x49d: {  	p0 =	slt.u32 s11, $0xC30  }
.Ltmp30:
0x49e: {  	_ = 	snop;
	(pc) =	sbr.rel @p0 .LBB2_62-.Ltmp30, $3  }
0x49f: {  	_ = 	snop  }
0x4a0: {  	v8 =	vadd.f32 v9, v8;
	_ =	sdelay $0x1  }
0x4a1: {  	s13 =	sadd.s32 $0x10, s13;
	[tilespmem:s7+$0x0] =	vst v8;
	s7 =	sadd.s32 $0x10, s7  }
0x4a2: {  	_ =	swait.ge [sflag:s23], $0xC40  }
0x4a3: {  	[sflag:s23] =	ssyncset.done $0x0  }
0x4a4: {  	s3 =	rddreg [dreg:$0x1b];
	[sflag:s23] =	ssyncadd.s32 $0xFFFFF3C0  }
0x4a5: {  	[tilespmem:s22], [sflag:$0x2] =	stream.linear.gather [hbm4b:s3+s21], $0xC40, $0x200038;
	[tilespmem:$0x1FF80] =	vst v63  }
0x4a6: {  	s7 =	simm.s32 $0x1B3C0;
	v9 =	vld [tilespmem:s31+$0x30]  }
0x4a7: {  	v10 =	vld [tilespmem:s7+$0x30]  }
0x4a8: {  	v8 =	vld [tilespmem:s7+$0xFFFFFFC0]  }
0x4a9: {  	v11 =	vld [tilespmem:s31+$0xFFFFFFD0]  }
0x4aa: {  	v12 =	vld [tilespmem:s7+$0xFFFFFFD0]  }
0x4ab: {  	v13 =	vld [tilespmem:s31+$0xFFFFFFE0]  }
0x4ac: {  	v14 =	vld [tilespmem:s7+$0xFFFFFFE0]  }
0x4ad: {  	v15 =	vld [tilespmem:s31+$0xFFFFFFF0]  }
0x4ae: {  	v16 =	vld [tilespmem:s7+$0xFFFFFFF0]  }
0x4af: {  	v17 =	vld [tilespmem:s31+$0x0]  }
0x4b0: {  	v18 =	vld [tilespmem:s7+$0x0];
	v10 =	vadd.f32 v10, v9  }
0x4b1: {  	v12 =	vadd.f32 v12, v11;
	v9 =	vld [tilespmem:s31+$0x10]  }
0x4b2: {  	v13 =	vadd.f32 v14, v13;
	v11 =	vld [tilespmem:s7+$0x10];
	[tilespmem:s31+$0x30] =	vst v10  }
0x4b3: {  	v14 =	vadd.f32 v16, v15;
	[tilespmem:s31+$0xFFFFFFD0] =	vst v12;
	v10 =	vld [tilespmem:s31+$0x20]  }
0x4b4: {  	[tilespmem:s31+$0xFFFFFFE0] =	vst v13;
	v13 =	vld [tilespmem:s7+$0x20]  }
0x4b5: {  	s9 =	simm.s32 $0x0;
	s10 =	sadd.s32 $0x80, s31;
	s8 =	smov.u32 s31;
	v12 =	vld [tilespmem:s31+$0xFFFFFFC0];
	[tilespmem:s31+$0xFFFFFFF0] =	vst v14;
	v14 =	vadd.f32 v18, v17  }
.LBB2_64:
0x4b6: {  	v15 =	vld [tilespmem:s10+$0x30];
	s7 =	sadd.s32 $0x80, s7  }
0x4b7: {  	s9 =	sadd.s32 $0x80, s9;
	v16 =	vld [tilespmem:s7+$0x30];
	[tilespmem:s8+$0x0] =	vst v14;
	v9 =	vadd.f32 v11, v9  }
0x4b8: {  	p0 =	slt.u32 s9, $0xB80;
	v11 =	vld [tilespmem:s7+$0xFFFFFFC0]  }
0x4b9: {  	v14 =	vld [tilespmem:s10+$0xFFFFFFD0];
	[tilespmem:s8+$0x10] =	vst v9;
	v9 =	vadd.f32 v13, v10  }
0x4ba: {  	v10 =	vld [tilespmem:s7+$0xFFFFFFD0];
	v17 =	vadd.f32 v8, v12  }
0x4bb: {  	v12 =	vld [tilespmem:s10+$0xFFFFFFE0];
	[tilespmem:s8+$0x20] =	vst v9  }
0x4bc: {  	v9 =	vld [tilespmem:s7+$0xFFFFFFE0];
	v13 =	vadd.f32 v16, v15;
	[tilespmem:s8+$0xFFFFFFC0] =	vst v17;
	s8 =	smov.u32 s10  }
0x4bd: {  	v15 =	vld [tilespmem:s10+$0xFFFFFFF0];
	v8 =	vmov v11  }
0x4be: {  	s11 =	simm.s32 $0xBF0;
	s13 =	simm.s32 $0x1BF80;
	v16 =	vld [tilespmem:s7+$0xFFFFFFF0];
	[tilespmem:s10+$0x30] =	vst v13  }
0x4bf: {  	v10 =	vadd.f32 v10, v14;
	v14 =	vld [tilespmem:s10+$0x0]  }
0x4c0: {  	v17 =	vld [tilespmem:s7+$0x0]  }
.Ltmp31:
0x4c1: {  	[tilespmem:s10+$0xFFFFFFD0] =	vst v10;
	v10 =	vadd.f32 v9, v12;
	v9 =	vld [tilespmem:s10+$0x10];
	(pc) =	sbr.rel @p0 .LBB2_64-.Ltmp31, $4  }
0x4c2: {  	v11 =	vld [tilespmem:s7+$0x10]  }
0x4c3: {  	[tilespmem:s10+$0xFFFFFFE0] =	vst v10;
	v15 =	vadd.f32 v16, v15;
	v10 =	vld [tilespmem:s10+$0x20]  }
0x4c4: {  	v13 =	vld [tilespmem:s7+$0x20]  }
0x4c5: {  	s10 =	sadd.s32 $0x80, s10;
	v12 =	vld [tilespmem:s8+$0xFFFFFFC0];
	[tilespmem:s8+$0xFFFFFFF0] =	vst v15;
	v14 =	vadd.f32 v17, v14  }
0x4c6: {  	_ =	sdelay $0x1  }
0x4c7: {  	v9 =	vadd.f32 v11, v9  }
0x4c8: {  	[tilespmem:s8+$0x0] =	vst v14;
	v10 =	vadd.f32 v13, v10  }
0x4c9: {  	[tilespmem:s8+$0x10] =	vst v9;
	v8 =	vadd.f32 v8, v12  }
0x4ca: {  	[tilespmem:s8+$0x20] =	vst v10  }
0x4cb: {  	s7 =	smov.u32 s0;
	[tilespmem:s8+$0xFFFFFFC0] =	vst v8  }
.LBB2_66:
0x4cc: {  	v8 =	vld [tilespmem:s7+$0x0]  }
0x4cd: {  	v9 =	vld [tilespmem:s13+$0x0]  }
0x4ce: {  	s11 =	sadd.s32 $0x10, s11  }
0x4cf: {  	p0 =	slt.u32 s11, $0xC30  }
.Ltmp32:
0x4d0: {  	_ = 	snop;
	(pc) =	sbr.rel @p0 .LBB2_66-.Ltmp32, $3  }
0x4d1: {  	_ = 	snop  }
0x4d2: {  	v8 =	vadd.f32 v9, v8;
	_ =	sdelay $0x1  }
0x4d3: {  	s13 =	sadd.s32 $0x10, s13;
	[tilespmem:s7+$0x0] =	vst v8;
	s7 =	sadd.s32 $0x10, s7  }
0x4d4: {  	_ =	swait.ge [sflag:s18], $0xC40  }
0x4d5: {  	[sflag:s18] =	ssyncset.done $0x0  }
0x4d6: {  	s3 =	rddreg [dreg:$0x1c];
	[sflag:s18] =	ssyncadd.s32 $0xFFFFF3C0  }
0x4d7: {  	[tilespmem:s24], [sflag:$0x3] =	stream.linear.gather [hbm4b:s3+s21], $0xC40, $0x200038;
	[tilespmem:$0x1FF80] =	vst v63  }
0x4d8: {  	s7 =	simm.s32 $0x1A780;
	v9 =	vld [tilespmem:s31+$0x30]  }
0x4d9: {  	v10 =	vld [tilespmem:s7+$0x30]  }
0x4da: {  	v8 =	vld [tilespmem:s7+$0xFFFFFFC0]  }
0x4db: {  	v11 =	vld [tilespmem:s31+$0xFFFFFFD0]  }
0x4dc: {  	v12 =	vld [tilespmem:s7+$0xFFFFFFD0]  }
0x4dd: {  	v13 =	vld [tilespmem:s31+$0xFFFFFFE0]  }
0x4de: {  	v14 =	vld [tilespmem:s7+$0xFFFFFFE0]  }
0x4df: {  	v15 =	vld [tilespmem:s31+$0xFFFFFFF0]  }
0x4e0: {  	v16 =	vld [tilespmem:s7+$0xFFFFFFF0]  }
0x4e1: {  	v17 =	vld [tilespmem:s31+$0x0]  }
0x4e2: {  	v18 =	vld [tilespmem:s7+$0x0];
	v10 =	vadd.f32 v10, v9  }
0x4e3: {  	v12 =	vadd.f32 v12, v11;
	v9 =	vld [tilespmem:s31+$0x10]  }
0x4e4: {  	v13 =	vadd.f32 v14, v13;
	v11 =	vld [tilespmem:s7+$0x10];
	[tilespmem:s31+$0x30] =	vst v10  }
0x4e5: {  	v14 =	vadd.f32 v16, v15;
	[tilespmem:s31+$0xFFFFFFD0] =	vst v12;
	v10 =	vld [tilespmem:s31+$0x20]  }
0x4e6: {  	[tilespmem:s31+$0xFFFFFFE0] =	vst v13;
	v13 =	vld [tilespmem:s7+$0x20]  }
0x4e7: {  	s9 =	simm.s32 $0x0;
	s10 =	sadd.s32 $0x80, s31;
	s8 =	smov.u32 s31;
	v12 =	vld [tilespmem:s31+$0xFFFFFFC0];
	[tilespmem:s31+$0xFFFFFFF0] =	vst v14;
	v14 =	vadd.f32 v18, v17  }
.LBB2_68:
0x4e8: {  	v15 =	vld [tilespmem:s10+$0x30];
	s7 =	sadd.s32 $0x80, s7  }
0x4e9: {  	s9 =	sadd.s32 $0x80, s9;
	v16 =	vld [tilespmem:s7+$0x30];
	[tilespmem:s8+$0x0] =	vst v14;
	v9 =	vadd.f32 v11, v9  }
0x4ea: {  	p0 =	slt.u32 s9, $0xB80;
	v11 =	vld [tilespmem:s7+$0xFFFFFFC0]  }
0x4eb: {  	v14 =	vld [tilespmem:s10+$0xFFFFFFD0];
	[tilespmem:s8+$0x10] =	vst v9;
	v9 =	vadd.f32 v13, v10  }
0x4ec: {  	v10 =	vld [tilespmem:s7+$0xFFFFFFD0];
	v17 =	vadd.f32 v8, v12  }
0x4ed: {  	v12 =	vld [tilespmem:s10+$0xFFFFFFE0];
	[tilespmem:s8+$0x20] =	vst v9  }
0x4ee: {  	v9 =	vld [tilespmem:s7+$0xFFFFFFE0];
	v13 =	vadd.f32 v16, v15;
	[tilespmem:s8+$0xFFFFFFC0] =	vst v17;
	s8 =	smov.u32 s10  }
0x4ef: {  	v15 =	vld [tilespmem:s10+$0xFFFFFFF0];
	v8 =	vmov v11  }
0x4f0: {  	s11 =	simm.s32 $0xBF0;
	s13 =	simm.s32 $0x1B340;
	v16 =	vld [tilespmem:s7+$0xFFFFFFF0];
	[tilespmem:s10+$0x30] =	vst v13  }
0x4f1: {  	v10 =	vadd.f32 v10, v14;
	v14 =	vld [tilespmem:s10+$0x0]  }
0x4f2: {  	v17 =	vld [tilespmem:s7+$0x0]  }
.Ltmp33:
0x4f3: {  	[tilespmem:s10+$0xFFFFFFD0] =	vst v10;
	v10 =	vadd.f32 v9, v12;
	v9 =	vld [tilespmem:s10+$0x10];
	(pc) =	sbr.rel @p0 .LBB2_68-.Ltmp33, $4  }
0x4f4: {  	v11 =	vld [tilespmem:s7+$0x10]  }
0x4f5: {  	[tilespmem:s10+$0xFFFFFFE0] =	vst v10;
	v15 =	vadd.f32 v16, v15;
	v10 =	vld [tilespmem:s10+$0x20]  }
0x4f6: {  	v13 =	vld [tilespmem:s7+$0x20]  }
0x4f7: {  	s10 =	sadd.s32 $0x80, s10;
	v12 =	vld [tilespmem:s8+$0xFFFFFFC0];
	[tilespmem:s8+$0xFFFFFFF0] =	vst v15;
	v14 =	vadd.f32 v17, v14  }
0x4f8: {  	_ =	sdelay $0x1  }
0x4f9: {  	v9 =	vadd.f32 v11, v9  }
0x4fa: {  	[tilespmem:s8+$0x0] =	vst v14;
	v10 =	vadd.f32 v13, v10  }
0x4fb: {  	[tilespmem:s8+$0x10] =	vst v9;
	v8 =	vadd.f32 v8, v12  }
0x4fc: {  	[tilespmem:s8+$0x20] =	vst v10  }
0x4fd: {  	s7 =	smov.u32 s0;
	[tilespmem:s8+$0xFFFFFFC0] =	vst v8  }
.LBB2_70:
0x4fe: {  	v8 =	vld [tilespmem:s7+$0x0]  }
0x4ff: {  	v9 =	vld [tilespmem:s13+$0x0]  }
0x500: {  	s11 =	sadd.s32 $0x10, s11  }
0x501: {  	p0 =	slt.u32 s11, $0xC30  }
.Ltmp34:
0x502: {  	_ = 	snop;
	(pc) =	sbr.rel @p0 .LBB2_70-.Ltmp34, $3  }
0x503: {  	_ = 	snop  }
0x504: {  	v8 =	vadd.f32 v9, v8;
	_ =	sdelay $0x1  }
0x505: {  	s13 =	sadd.s32 $0x10, s13;
	[tilespmem:s7+$0x0] =	vst v8;
	s7 =	sadd.s32 $0x10, s7  }
0x506: {  	_ =	swait.ge [sflag:s23], $0xC40  }
0x507: {  	[sflag:s23] =	ssyncset.done $0x0  }
0x508: {  	[sflag:s23] =	ssyncadd.s32 $0xFFFFF3C0  }
0x509: {  	s7 =	simm.s32 $0x1B3C0;
	v9 =	vld [tilespmem:s31+$0x30]  }
0x50a: {  	v10 =	vld [tilespmem:s7+$0x30]  }
0x50b: {  	v8 =	vld [tilespmem:s7+$0xFFFFFFC0]  }
0x50c: {  	v11 =	vld [tilespmem:s31+$0xFFFFFFD0]  }
0x50d: {  	v12 =	vld [tilespmem:s7+$0xFFFFFFD0]  }
0x50e: {  	v13 =	vld [tilespmem:s31+$0xFFFFFFE0]  }
0x50f: {  	v14 =	vld [tilespmem:s7+$0xFFFFFFE0]  }
0x510: {  	v15 =	vld [tilespmem:s31+$0xFFFFFFF0]  }
0x511: {  	v16 =	vld [tilespmem:s7+$0xFFFFFFF0]  }
0x512: {  	v17 =	vld [tilespmem:s31+$0x0]  }
0x513: {  	v18 =	vld [tilespmem:s7+$0x0];
	v10 =	vadd.f32 v10, v9  }
0x514: {  	v12 =	vadd.f32 v12, v11;
	v9 =	vld [tilespmem:s31+$0x10]  }
0x515: {  	v13 =	vadd.f32 v14, v13;
	v11 =	vld [tilespmem:s7+$0x10];
	[tilespmem:s31+$0x30] =	vst v10  }
0x516: {  	v14 =	vadd.f32 v16, v15;
	[tilespmem:s31+$0xFFFFFFD0] =	vst v12;
	v10 =	vld [tilespmem:s31+$0x20]  }
0x517: {  	[tilespmem:s31+$0xFFFFFFE0] =	vst v13;
	v13 =	vld [tilespmem:s7+$0x20]  }
0x518: {  	s9 =	simm.s32 $0x0;
	s10 =	sadd.s32 $0x80, s31;
	s8 =	smov.u32 s31;
	v12 =	vld [tilespmem:s31+$0xFFFFFFC0];
	[tilespmem:s31+$0xFFFFFFF0] =	vst v14;
	v14 =	vadd.f32 v18, v17  }
.LBB2_72:
0x519: {  	v15 =	vld [tilespmem:s10+$0x30];
	s7 =	sadd.s32 $0x80, s7  }
0x51a: {  	s9 =	sadd.s32 $0x80, s9;
	v16 =	vld [tilespmem:s7+$0x30];
	[tilespmem:s8+$0x0] =	vst v14;
	v9 =	vadd.f32 v11, v9  }
0x51b: {  	p0 =	slt.u32 s9, $0xB80;
	v11 =	vld [tilespmem:s7+$0xFFFFFFC0]  }
0x51c: {  	v14 =	vld [tilespmem:s10+$0xFFFFFFD0];
	[tilespmem:s8+$0x10] =	vst v9;
	v9 =	vadd.f32 v13, v10  }
0x51d: {  	v10 =	vld [tilespmem:s7+$0xFFFFFFD0];
	v17 =	vadd.f32 v8, v12  }
0x51e: {  	v12 =	vld [tilespmem:s10+$0xFFFFFFE0];
	[tilespmem:s8+$0x20] =	vst v9  }
0x51f: {  	v9 =	vld [tilespmem:s7+$0xFFFFFFE0];
	v13 =	vadd.f32 v16, v15;
	[tilespmem:s8+$0xFFFFFFC0] =	vst v17;
	s8 =	smov.u32 s10  }
0x520: {  	v15 =	vld [tilespmem:s10+$0xFFFFFFF0];
	v8 =	vmov v11  }
0x521: {  	s11 =	simm.s32 $0xBF0;
	s13 =	simm.s32 $0x1BF80;
	v16 =	vld [tilespmem:s7+$0xFFFFFFF0];
	[tilespmem:s10+$0x30] =	vst v13  }
0x522: {  	v10 =	vadd.f32 v10, v14;
	v14 =	vld [tilespmem:s10+$0x0]  }
0x523: {  	v17 =	vld [tilespmem:s7+$0x0]  }
.Ltmp35:
0x524: {  	[tilespmem:s10+$0xFFFFFFD0] =	vst v10;
	v10 =	vadd.f32 v9, v12;
	v9 =	vld [tilespmem:s10+$0x10];
	(pc) =	sbr.rel @p0 .LBB2_72-.Ltmp35, $4  }
0x525: {  	v11 =	vld [tilespmem:s7+$0x10]  }
0x526: {  	[tilespmem:s10+$0xFFFFFFE0] =	vst v10;
	v15 =	vadd.f32 v16, v15;
	v10 =	vld [tilespmem:s10+$0x20]  }
0x527: {  	v13 =	vld [tilespmem:s7+$0x20]  }
0x528: {  	s10 =	sadd.s32 $0x80, s10;
	v12 =	vld [tilespmem:s8+$0xFFFFFFC0];
	[tilespmem:s8+$0xFFFFFFF0] =	vst v15;
	v14 =	vadd.f32 v17, v14  }
0x529: {  	_ =	sdelay $0x1  }
0x52a: {  	v9 =	vadd.f32 v11, v9  }
0x52b: {  	[tilespmem:s8+$0x0] =	vst v14;
	v10 =	vadd.f32 v13, v10  }
0x52c: {  	[tilespmem:s8+$0x10] =	vst v9;
	v8 =	vadd.f32 v8, v12  }
0x52d: {  	[tilespmem:s8+$0x20] =	vst v10  }
0x52e: {  	s7 =	smov.u32 s0;
	[tilespmem:s8+$0xFFFFFFC0] =	vst v8  }
.LBB2_74:
0x52f: {  	v8 =	vld [tilespmem:s7+$0x0]  }
0x530: {  	v9 =	vld [tilespmem:s13+$0x0]  }
0x531: {  	s11 =	sadd.s32 $0x10, s11  }
0x532: {  	p0 =	slt.u32 s11, $0xC30  }
.Ltmp36:
0x533: {  	_ = 	snop;
	(pc) =	sbr.rel @p0 .LBB2_74-.Ltmp36, $3  }
0x534: {  	_ = 	snop  }
0x535: {  	v8 =	vadd.f32 v9, v8;
	_ =	sdelay $0x1  }
0x536: {  	s13 =	sadd.s32 $0x10, s13;
	[tilespmem:s7+$0x0] =	vst v8;
	s7 =	sadd.s32 $0x10, s7  }
0x537: {  	_ =	strace $0x9000004A  }
0x538: {  	s3 =	simm.s32 $0x4;
	_ =	strace $0x8000004B  }
0x539: {  	_ =	swait.ge [sflag:s3], $0x1880  }
0x53a: {  	[sflag:s3] =	ssyncset.done $0x0  }
0x53b: {  	s7 =	simm.s32 $0x60;
	s11 =	simm.s32 $0x5;
	[sflag:s3] =	ssyncadd.s32 $0xFFFFE780  }
0x53c: {  	v8 =	vor.u32 s7, v4;
	_ =	swait.ge [sflag:s11], $0x1880  }
0x53d: {  	[sflag:s11] =	ssyncset.done $0x0  }
0x53e: {  	v9 =	vor.u32 s7, v2;
	[sflag:s11] =	ssyncadd.s32 $0xFFFFE780  }
0x53f: {  	v9 =	vand.u32 v7, v9;
	v14 =	vld [tilespmem:s4+$0x10]  }
0x540: {  	s13 =	simm.s32 $0x40;
	v11 =	vld [tilespmem:s4+$0xFFFFFFF0]  }
0x541: {  	v10 =	vor.u32 s13, v4;
	v12 =	vld.idx.msk [tilespmem:v8+s16+$0x0], $0xffff  }
0x542: {  	v15 =	vld [tilespmem:s4+$0xFFFFFFE0]  }
0x543: {  	v8 =	vld.idx.msk [tilespmem:v8+s15+$0x0], $0xffff  }
0x544: {  	v13 =	vld.idx.msk [tilespmem:v9+s16+$0x0], $0xffff  }
0x545: {  	v9 =	vld.idx.msk [tilespmem:v9+s15+$0x0], $0xffff  }
0x546: {  	v17 =	vld.idx.msk [tilespmem:v10+s16+$0x0], $0xffff  }
0x547: {  	s8 =	simm.s32 $0x1BFE0;
	v10 =	vld.idx.msk [tilespmem:v10+s15+$0x0], $0xffff  }
0x548: {  	v16 =	vld [tilespmem:s8+$0xFFFFFFE0]  }
0x549: {  	v18 =	vld [tilespmem:s6+$0xFFFFFFE0]  }
0x54a: {  	s9 =	simm.s32 $0x20;
	v19 =	vld [tilespmem:s8+$0xFFFFFFF0]  }
0x54b: {  	v20 =	vor.u32 s9, v4;
	v21 =	vld [tilespmem:s6+$0xFFFFFFF0]  }
0x54c: {  	v22 =	vor.u32 s9, v2;
	v23 =	vld [tilespmem:s8+$0x0]  }
0x54d: {  	s17 =	simm.s32 $0x0;
	v22 =	vand.u32 v5, v22;
	v24 =	vld [tilespmem:s6+$0x0]  }
0x54e: {  	v25 =	vor.u32 s17, v2;
	v26 =	vor.u32 s17, v4;
	v27 =	vld [tilespmem:s8+$0x10]  }
0x54f: {  	v25 =	vand.u32 v3, v25;
	v28 =	vld [tilespmem:s6+$0x10]  }
0x550: {  	v29 =	vld.idx.msk [tilespmem:v20+s16+$0x0], $0xffff;
	v18 =	vmul.f32 v16, v18  }
0x551: {  	v20 =	vld.idx.msk [tilespmem:v20+s15+$0x0], $0xffff;
	v21 =	vmul.f32 v19, v21  }
0x552: {  	v30 =	vor.u32 s13, v2;
	v31 =	vld.idx.msk [tilespmem:v22+s16+$0x0], $0xffff;
	v24 =	vmul.f32 v23, v24;
	v18 =	vmin.f32 v18, $2.550000000e+02  }
0x553: {  	v30 =	vand.u32 v6, v30;
	v32 =	vld.idx.msk [tilespmem:v26+s16+$0x0], $0xffff;
	v21 =	vmin.f32 v21, $2.550000000e+02;
	v18 =	vtrunc.f32 v18  }
0x554: {  	v33 =	vld.idx.msk [tilespmem:v25+s16+$0x0], $0xffff;
	v24 =	vmin.f32 v24, $2.550000000e+02;
	v21 =	vtrunc.f32 v21;
	v18 =	vcvt.f32.s32 v18  }
0x555: {  	v26 =	vld.idx.msk [tilespmem:v26+s15+$0x0], $0xffff;
	v24 =	vtrunc.f32 v24;
	v21 =	vcvt.f32.s32 v21  }
0x556: {  	v22 =	vld.idx.msk [tilespmem:v22+s15+$0x0], $0xffff;
	v24 =	vcvt.f32.s32 v24  }
0x557: {  	v25 =	vld.idx.msk [tilespmem:v25+s15+$0x0], $0xffff;
	v28 =	vmul.f32 v27, v28  }
0x558: {  	v56 =	vimm.f32 $0.0e+00;
	s26 =	simm.s32 $0xE0;
	v12 =	vsub.f32 v13, v12;
	v34 =	vsub.f32 v9, v8;
	v9 =	vld.idx.msk [tilespmem:v30+s15+$0x0], $0xffff  }
0x559: {  	v59 =	vor.u32 s26, v4;
	v54 =	vsub.f32 v31, v29;
	v30 =	vld.idx.msk [tilespmem:v30+s16+$0x0], $0xffff;
	v28 =	vmin.f32 v28, $2.550000000e+02  }
0x55a: {  	s13 =	simm.s32 $0xC0;
	vm0 =	vgt.f32 v12, v0;
	v12 =	vsub.f32 v33, v32;
	v13 =	vtrunc.f32 v28;
	v18 =	vld.idx.msk [tilespmem:v18+s29+$0x0], $0xffff  }
0x55b: {  	v57 =	vor.u32 s13, v4;
	v20 =	vsub.f32 v22, v20;
	v55 =	vcvt.f32.s32 v13;
	v21 =	vld.idx.msk [tilespmem:v21+s29+$0x0], $0xffff  }
0x55c: {  	vm10 =	vgt.f32 v54, v0;
	v8 =	vsel vm0, $0x3F800000, v1;
	vm11 =	vgt.f32 v12, v0;
	v12 =	vld.idx.msk [tilespmem:v24+s29+$0x0], $0xffff  }
0x55d: {  	v58 =	vsel vm10, $0x3F800000, v1;
	v13 =	vmul.f32 v8, v14;
	v8 =	vsub.f32 v25, v26  }
0x55e: {  	s7 =	sadd.s32 $0x40, s4;
	v22 =	vmul.f32 v58, v11;
	v25 =	vld [tilespmem:s4+$0x0];
	v26 =	vor.u32 s26, v2;
	v30 =	vsub.f32 v30, v17  }
0x55f: {  	v26 =	vand.u32 v7, v26;
	v61 =	vsub.f32 v9, v10;
	v9 =	vld [tilespmem:s7+$0xFFFFFFF0];
	v24 =	vsel vm11, $0x3F800000, v1  }
0x560: {  	v10 =	vld [tilespmem:s7+$0xFFFFFFE0];
	vm15 =	vgt.f32 v30, v0;
	vm12 =	vgt.f32 v8, v18;
	v18 =	vmul.f32 v24, v15  }
0x561: {  	v24 =	vld.idx.msk [tilespmem:v55+s29+$0x0], $0xffff;
	vm13 =	vgt.f32 v20, v21;
	vm14 =	vgt.f32 v61, v12;
	v60 =	vsel vm12, $0x3F800000, v1  }
0x562: {  	v17 =	vld.idx.msk [tilespmem:v59+s15+$0x0], $0xffff;
	v21 =	vsel vm13, $0x3F800000, v1;
	v15 =	vadd.f32 v60, v15;
	v29 =	vsub.f32 v16, v60  }
0x563: {  	v8 =	vld [tilespmem:s7+$0x10];
	v12 =	vsel vm14, $0x3F800000, v1;
	v20 =	vadd.f32 v18, v56;
	v11 =	vadd.f32 v21, v11  }
0x564: {  	v16 =	vld.idx.msk [tilespmem:v59+s16+$0x0], $0xffff;
	v62 =	vsub.f32 v19, v21;
	v21 =	vsub.f32 v23, v12;
	v23 =	vsel vm15, $0x3F800000, v1  }
0x565: {  	v19 =	vld.idx.msk [tilespmem:v26+s15+$0x0], $0xffff;
	v23 =	vmul.f32 v23, v25;
	v35 =	vsub.f32 v15, v18;
	[tilespmem:s8+$0xFFFFFFE0] =	vst v29  }
0x566: {  	v18 =	vld.idx.msk [tilespmem:v26+s16+$0x0], $0xffff;
	v15 =	vsub.f32 v11, v22;
	v20 =	vadd.f32 v22, v20;
	vm1 =	vgt.f32 v34, v24  }
0x567: {  	v11 =	vld.idx.msk [tilespmem:v57+s16+$0x0], $0xffff;
	[tilespmem:s8+$0x0] =	vst v21;
	v24 =	vadd.f32 v12, v25;
	v26 =	vsel vm1, $0x3F800000, v1;
	v63 =	vadd.f32 v35, v56  }
0x568: {  	s9 =	simm.s32 $0x1A760;
	s11 =	simm.s32 $0x1C020;
	[tilespmem:s8+$0xFFFFFFF0] =	vst v62;
	v12 =	vld.idx.msk [tilespmem:v57+s15+$0x0], $0xffff;
	v25 =	vsub.f32 v27, v26;
	v26 =	vadd.f32 v26, v14  }
0x569: {  	s28 =	simm.s32 $0x40;
	s17 =	sadd.s32 $0x40, s6;
	[tilespmem:s9+$0xFFFFFFE0] =	vst v35;
	v14 =	vld [tilespmem:s11+$0xFFFFFFE0];
	v21 =	vsub.f32 v24, v23;
	v22 =	vadd.f32 v15, v63  }
0x56a: {  	s10 =	simm.s32 $0x1A760;
	s26 =	simm.s32 $0x80;
	v24 =	vld [tilespmem:s17+$0xFFFFFFE0];
	v23 =	vadd.f32 v23, v20;
	[tilespmem:s8+$0x10] =	vst v25;
	v20 =	vsub.f32 v26, v13;
	s8 =	simm.s32 $0x1C020  }
.LBB2_76:
0x56b: {  	s28 =	sadd.s32 $0x40, s28;
	s3 =	sadd.s32 $0x20, s26;
	v25 =	vld [tilespmem:s11+$0xFFFFFFF0];
	v16 =	vsub.f32 v18, v16;
	[tilespmem:s9+$0x0] =	vst v21;
	v18 =	vadd.f32 v21, v22;
	s10 =	sadd.s32 $0x40, s10  }
0x56c: {  	v19 =	vsub.f32 v19, v17;
	p0 =	slt.u32 s28, $0xC00;
	v21 =	vor.u32 s3, v4;
	v22 =	vld [tilespmem:s17+$0xFFFFFFF0];
	[tilespmem:s9+$0xFFFFFFF0] =	vst v15;
	v15 =	vadd.f32 v13, v23  }
0x56d: {  	v13 =	vor.u32 s3, v2;
	v23 =	vld [tilespmem:s11+$0x0];
	vm0 =	vgt.f32 v16, v0;
	[tilespmem:s9+$0x10] =	vst v20;
	v20 =	vadd.f32 v20, v18;
	s9 =	smov.u32 s10  }
0x56e: {  	v13 =	vand.u32 v5, v13;
	v16 =	vld [tilespmem:s17+$0x0];
	v17 =	vsel vm0, $0x3F800000, v1  }
0x56f: {  	v26 =	vor.u32 s26, v4;
	v18 =	vor.u32 s26, v2;
	v24 =	vmul.f32 v14, v24;
	v27 =	vld [tilespmem:s11+$0x10]  }
0x570: {  	v18 =	vand.u32 v3, v18;
	v28 =	vld [tilespmem:s17+$0x10]  }
0x571: {  	v24 =	vmin.f32 v24, $2.550000000e+02;
	v29 =	vld.idx.msk [tilespmem:v21+s16+$0x0], $0xffff;
	v22 =	vmul.f32 v25, v22  }
0x572: {  	v30 =	vor.u32 s13, v2;
	v24 =	vtrunc.f32 v24;
	v21 =	vld.idx.msk [tilespmem:v21+s15+$0x0], $0xffff  }
0x573: {  	v24 =	vcvt.f32.s32 v24;
	v31 =	vld.idx.msk [tilespmem:v13+s16+$0x0], $0xffff;
	v22 =	vmin.f32 v22, $2.550000000e+02;
	v16 =	vmul.f32 v23, v16  }
0x574: {  	v30 =	vand.u32 v6, v30;
	v32 =	vld.idx.msk [tilespmem:v26+s16+$0x0], $0xffff;
	v22 =	vtrunc.f32 v22  }
0x575: {  	v33 =	vld.idx.msk [tilespmem:v18+s16+$0x0], $0xffff;
	v22 =	vcvt.f32.s32 v22;
	v16 =	vmin.f32 v16, $2.550000000e+02;
	v28 =	vmul.f32 v27, v28  }
0x576: {  	v26 =	vld.idx.msk [tilespmem:v26+s15+$0x0], $0xffff;
	v16 =	vtrunc.f32 v16  }
0x577: {  	v18 =	vld.idx.msk [tilespmem:v18+s15+$0x0], $0xffff;
	v16 =	vcvt.f32.s32 v16;
	v28 =	vmin.f32 v28, $2.550000000e+02  }
0x578: {  	v34 =	vld.idx.msk [tilespmem:v13+s15+$0x0], $0xffff;
	v13 =	vtrunc.f32 v28  }
0x579: {  	v28 =	vsub.f32 v31, v29;
	v24 =	vld.idx.msk [tilespmem:v24+s29+$0x0], $0xffff;
	v29 =	vcvt.f32.s32 v13  }
0x57a: {  	s26 =	sadd.s32 $0x80, s26;
	v31 =	vld.idx.msk [tilespmem:v30+s15+$0x0], $0xffff  }
0x57b: {  	s13 =	sadd.s32 $0x40, s26;
	v32 =	vsub.f32 v33, v32;
	vm0 =	vgt.f32 v28, v0;
	v22 =	vld.idx.msk [tilespmem:v22+s29+$0x0], $0xffff  }
0x57c: {  	s3 =	sadd.s32 $0x60, s26;
	v13 =	vmul.f32 v17, v8;
	v28 =	vor.u32 s13, v4;
	v33 =	vsel vm0, $0x3F800000, v1;
	v30 =	vld.idx.msk [tilespmem:v30+s16+$0x0], $0xffff  }
0x57d: {  	v17 =	vor.u32 s3, v4;
	v18 =	vsub.f32 v18, v26;
	vm0 =	vgt.f32 v32, v0;
	v26 =	vld.idx.msk [tilespmem:v16+s29+$0x0], $0xffff  }
0x57e: {  	v32 =	vmul.f32 v33, v9;
	v16 =	vsel vm0, $0x3F800000, v1;
	v21 =	vsub.f32 v34, v21;
	v33 =	vld [tilespmem:s7+$0x0]  }
0x57f: {  	v34 =	vor.u32 s3, v2;
	vm0 =	vgt.f32 v18, v24;
	v18 =	vmul.f32 v16, v10;
	s7 =	sadd.s32 $0x40, s7;
	v24 =	vld.idx.msk [tilespmem:v29+s29+$0x0], $0xffff  }
0x580: {  	v29 =	vand.u32 v7, v34;
	v16 =	vsel vm0, $0x3F800000, v1;
	v12 =	vsub.f32 v31, v12;
	v34 =	vld [tilespmem:s7+$0x10]  }
0x581: {  	v35 =	vadd.f32 v16, v10;
	v14 =	vsub.f32 v14, v16;
	vm0 =	vgt.f32 v21, v22;
	v31 =	vld [tilespmem:s7+$0xFFFFFFF0]  }
0x582: {  	v21 =	vadd.f32 v18, v15;
	v15 =	vsel vm0, $0x3F800000, v1;
	v11 =	vsub.f32 v30, v11;
	v16 =	vld.idx.msk [tilespmem:v17+s16+$0x0], $0xffff  }
0x583: {  	v22 =	vsub.f32 v35, v18;
	v30 =	vadd.f32 v15, v9;
	vm0 =	vgt.f32 v12, v26;
	v10 =	vld [tilespmem:s7+$0xFFFFFFE0];
	[tilespmem:s11+$0xFFFFFFE0] =	vst v14  }
0x584: {  	v25 =	vsub.f32 v25, v15;
	v12 =	vsel vm0, $0x3F800000, v1;
	vm0 =	vgt.f32 v11, v0;
	v17 =	vld.idx.msk [tilespmem:v17+s15+$0x0], $0xffff  }
0x585: {  	v15 =	vsub.f32 v30, v32;
	v14 =	vsub.f32 v23, v12;
	vm1 =	vgt.f32 v19, v24;
	v18 =	vld.idx.msk [tilespmem:v29+s16+$0x0], $0xffff  }
.Ltmp37:
0x586: {  	v23 =	vsel vm0, $0x3F800000, v1;
	v24 =	vadd.f32 v12, v33;
	v26 =	vsel vm1, $0x3F800000, v1;
	v19 =	vld.idx.msk [tilespmem:v29+s15+$0x0], $0xffff;
	[tilespmem:s10+$0xFFFFFFE0] =	vst v22;
	v9 =	vmovc v31;
	(pc) =	sbr.rel @p0 .LBB2_76-.Ltmp37, $4  }
0x587: {  	v20 =	vadd.f32 v22, v20;
	v23 =	vmul.f32 v23, v33;
	v27 =	vsub.f32 v27, v26;
	v11 =	vld.idx.msk [tilespmem:v28+s16+$0x0], $0xffff  }
0x588: {  	s11 =	sadd.s32 $0x40, s11;
	v26 =	vadd.f32 v26, v8;
	v8 =	vmov v34;
	v12 =	vld.idx.msk [tilespmem:v28+s15+$0x0], $0xffff;
	v28 =	vadd.f32 v32, v21;
	[tilespmem:s8+$0x0] =	vst v14  }
0x589: {  	s17 =	sadd.s32 $0x40, s17;
	v22 =	vadd.f32 v15, v20;
	v21 =	vsub.f32 v24, v23;
	v14 =	vld [tilespmem:s11+$0xFFFFFFE0];
	[tilespmem:s8+$0x10] =	vst v27  }
0x58a: {  	v20 =	vsub.f32 v26, v13;
	v24 =	vld [tilespmem:s17+$0xFFFFFFE0];
	[tilespmem:s8+$0xFFFFFFF0] =	vst v25;
	v23 =	vadd.f32 v23, v28;
	s8 =	smov.u32 s11  }
0x58b: {  	v25 =	vld [tilespmem:s11+$0xFFFFFFF0]  }
0x58c: {  	v27 =	vld [tilespmem:s17+$0xFFFFFFF0]  }
0x58d: {  	v29 =	vld [tilespmem:s11+$0x0];
	v32 =	vor.u32 s26, v4  }
0x58e: {  	s3 =	sadd.s32 $0x20, s26;
	v30 =	vld [tilespmem:s17+$0x0]  }
0x58f: {  	v33 =	vld [tilespmem:s11+$0x10];
	v26 =	vor.u32 s3, v4  }
0x590: {  	v31 =	vor.u32 s26, v2;
	v34 =	vld [tilespmem:s17+$0x10]  }
0x591: {  	v31 =	vand.u32 v3, v31  }
0x592: {  	v38 =	vor.u32 s13, v2;
	v24 =	vmul.f32 v14, v24;
	v37 =	vld.idx.msk [tilespmem:v32+s16+$0x0], $0xffff  }
0x593: {  	v28 =	vor.u32 s3, v2;
	v38 =	vand.u32 v6, v38;
	v27 =	vmul.f32 v25, v27;
	v32 =	vld.idx.msk [tilespmem:v32+s15+$0x0], $0xffff  }
0x594: {  	v28 =	vand.u32 v5, v28;
	v30 =	vmul.f32 v29, v30;
	v35 =	vld.idx.msk [tilespmem:v26+s16+$0x0], $0xffff;
	v24 =	vmin.f32 v24, $2.550000000e+02  }
0x595: {  	v34 =	vmul.f32 v33, v34;
	v26 =	vld.idx.msk [tilespmem:v26+s15+$0x0], $0xffff;
	v24 =	vtrunc.f32 v24;
	v27 =	vmin.f32 v27, $2.550000000e+02  }
0x596: {  	v39 =	vld.idx.msk [tilespmem:v31+s16+$0x0], $0xffff;
	v30 =	vmin.f32 v30, $2.550000000e+02;
	v24 =	vcvt.f32.s32 v24;
	v27 =	vtrunc.f32 v27  }
0x597: {  	v31 =	vld.idx.msk [tilespmem:v31+s15+$0x0], $0xffff;
	v34 =	vmin.f32 v34, $2.550000000e+02;
	v30 =	vtrunc.f32 v30;
	v27 =	vcvt.f32.s32 v27  }
0x598: {  	v40 =	vld.idx.msk [tilespmem:v38+s15+$0x0], $0xffff;
	v62 =	vtrunc.f32 v34;
	v30 =	vcvt.f32.s32 v30  }
0x599: {  	v16 =	vsub.f32 v18, v16;
	v42 =	vld.idx.msk [tilespmem:v38+s16+$0x0], $0xffff;
	v18 =	vcvt.f32.s32 v62  }
0x59a: {  	v36 =	vld.idx.msk [tilespmem:v28+s16+$0x0], $0xffff  }
0x59b: {  	v28 =	vld.idx.msk [tilespmem:v28+s15+$0x0], $0xffff  }
0x59c: {  	v22 =	vadd.f32 v21, v22;
	v63 =	vld.idx.msk [tilespmem:v24+s29+$0x0], $0xffff  }
0x59d: {  	v17 =	vsub.f32 v19, v17;
	v41 =	vsub.f32 v39, v37;
	v27 =	vld.idx.msk [tilespmem:v27+s29+$0x0], $0xffff  }
0x59e: {  	v13 =	vadd.f32 v13, v23;
	vm0 =	vgt.f32 v16, v0;
	v22 =	vadd.f32 v20, v22;
	v44 =	vld.idx.msk [tilespmem:v30+s29+$0x0], $0xffff  }
0x59f: {  	v31 =	vsub.f32 v31, v32;
	v36 =	vsub.f32 v36, v35;
	vm10 =	vgt.f32 v41, v0;
	v18 =	vld.idx.msk [tilespmem:v18+s29+$0x0], $0xffff  }
0x5a0: {  	v12 =	vsub.f32 v40, v12;
	v11 =	vsub.f32 v42, v11;
	v45 =	vsel vm10, $0x3F800000, v1  }
0x5a1: {  	v26 =	vsub.f32 v28, v26;
	vm1 =	vgt.f32 v36, v0;
	v30 =	vmul.f32 v45, v10  }
0x5a2: {  	vm14 =	vgt.f32 v11, v0;
	v43 =	vsel vm1, $0x3F800000, v1;
	vm11 =	vgt.f32 v31, v63  }
0x5a3: {  	v46 =	vld [tilespmem:s7+$0x0];
	v16 =	vmul.f32 v43, v9;
	v13 =	vadd.f32 v30, v13;
	v31 =	vsel vm11, $0x3F800000, v1  }
0x5a4: {  	vm12 =	vgt.f32 v26, v27;
	vm13 =	vgt.f32 v12, v44;
	vm15 =	vgt.f32 v17, v18  }
0x5a5: {  	[tilespmem:s9+$0x0] =	vst v21;
	v47 =	vadd.f32 v31, v10;
	v48 =	vsub.f32 v14, v31;
	v49 =	vsel vm12, $0x3F800000, v1  }
0x5a6: {  	[tilespmem:s9+$0xFFFFFFF0] =	vst v15;
	v52 =	vsel vm13, $0x3F800000, v1;
	v50 =	vadd.f32 v49, v9;
	v51 =	vsub.f32 v25, v49  }
0x5a7: {  	[tilespmem:s9+$0x10] =	vst v20;
	v56 =	vsel vm15, $0x3F800000, v1;
	v53 =	vsub.f32 v29, v52;
	v10 =	vsub.f32 v47, v30  }
0x5a8: {  	v54 =	vsel vm14, $0x3F800000, v1;
	v55 =	vadd.f32 v52, v46;
	v59 =	vsub.f32 v33, v56;
	[tilespmem:s11+$0xFFFFFFE0] =	vst v48  }
0x5a9: {  	v15 =	vmul.f32 v54, v46;
	v9 =	vsub.f32 v50, v16;
	[tilespmem:s8+$0x0] =	vst v53;
	v57 =	vadd.f32 v10, v22  }
0x5aa: {  	v58 =	vsel vm0, $0x3F800000, v1;
	v13 =	vadd.f32 v16, v13;
	v14 =	vadd.f32 v56, v8;
	[tilespmem:s8+$0x10] =	vst v59  }
0x5ab: {  	s17 =	sadd.s32 $0x40, s10;
	v8 =	vmul.f32 v58, v8;
	v17 =	vsub.f32 v55, v15;
	[tilespmem:s8+$0xFFFFFFF0] =	vst v51;
	v60 =	vadd.f32 v9, v57  }
0x5ac: {  	v62 =	vadd.f32 v15, v13;
	[tilespmem:s17+$0xFFFFFFE0] =	vst v10  }
0x5ad: {  	v61 =	vsub.f32 v14, v8;
	[tilespmem:s17+$0x0] =	vst v17;
	v11 =	vadd.f32 v17, v60  }
0x5ae: {  	v8 =	vadd.f32 v8, v62;
	[tilespmem:s17+$0xFFFFFFF0] =	vst v9  }
0x5af: {  	s26 =	sshll.u32 s30, $0x4;
	[tilespmem:s17+$0x10] =	vst v61;
	v63 =	vadd.f32 v61, v11  }
0x5b0: {  	[tilespmem:s26+$0x1FEE0] =	vst v8  }
0x5b1: {  	p0 =	sne.s32 s1, $0xA;
	s28 =	rddreg [dreg:$0x8];
	[tilespmem:s26+$0x1FE30] =	vst v63  }
0x5b2: {  	[hbm4b:s28+s21] =	stream.linear.scatter [tilespmem:s22], [sflag:$0x6], $0xC40, $0x200038;
	[tilespmem:$0x1FF80] =	vst v63  }
.Ltmp38:
0x5b3: {  	_ =	swait.ge [sflag:s25], $0xC40;
	(pc) =	sbr.rel @p0 .LBB2_3-.Ltmp38, $4  }
0x5b4: {  	[sflag:s25] =	ssyncset.done $0x0  }
0x5b5: {  	[sflag:s25] =	ssyncadd.s32 $0xFFFFF3C0  }
0x5b6: {  	[bflag:$0x0] =	sbarrier.arrive $0xFFFF  }
0x5b7: {  	s30 =	smov.u32 s1;
	_ =	strace $0x9000004B  }
0x5b8: {  	s4 =	stileid.u32  }
0x5b9: {  	s0 =	smul.u32 $0x16, s4  }
0x5ba: {  	s1 =	rddreg [dreg:$0x6];
	s2 =	simm.s32 $0x0  }
0x5bb: {  	s3 =	simm.s32 $0x1FE20;
	s29 =	simm.s32 $0x6;
	s1 =	sadd.s32 s1, s0  }
0x5bc: {  	[hbm4b:s1+s2] =	stream.linear.scatter [tilespmem:s3], [sflag:$0x6], $0xB0, $0x38;
	[tilespmem:$0x1FF80] =	vst v63  }
0x5bd: {  	_ =	swait.ge [sflag:s29], $0xB0  }
0x5be: {  	[sflag:s29] =	ssyncset.done $0x0;
	s30 =	rddreg [dreg:$0x5]  }
0x5bf: {  	s31 =	simm.s32 $0x1FED0;
	s0 =	sadd.s32 s30, s0;
	[sflag:s29] =	ssyncadd.s32 $0xFFFFFF50  }
0x5c0: {  	[hbm4b:s0+s2] =	stream.linear.scatter [tilespmem:s31], [sflag:$0x6], $0xB0, $0x38;
	[tilespmem:$0x1FF80] =	vst v63  }
0x5c1: {  	_ =	swait.ge [sflag:s29], $0xB0  }
0x5c2: {  	[sflag:s29] =	ssyncset.done $0x0  }
0x5c3: {  	[sflag:s29] =	ssyncadd.s32 $0xFFFFFF50  }
0x5c4: {  	_ =	sfence.sel $0x180000  }
0x5c5: {  	[bflag:$0x0] =	sbarrier.arrive $0xFFFF  }
0x5c6: {  	_ =	strace $0x90000047  }
0x5c7: {  	[bflag:$0x2] =	sbarrier.arrive $0xFFFF  }
0x5c8: {  	p0 =	sne.s32 s4, $0x0;
	s0 =	rddreg [dreg:$0x2]  }
0x5c9: {  	s0 =	sadd.s32 @!p0 $0x100000, s0  }
0x5ca: {  	[sflag:s0] =	ssyncadd.tile.s32 @!p0 $0x1;
	_ =	shalt  }
.Lfunc_end2:
_tile_overlayer_lowered:
.L_overlay_start_2:
0x5cb: {  	(tag) =	ssettag $0x2  }
0x5cc: {  	s0 =	rddreg [dreg:$0x0];
	s2 =	stileid.u32  }
0x5cd: {  	s1 =	rddreg [dreg:$0x1];
	p0 =	sne.s32 s2, $0x0  }
0x5ce: {  	s3 =	rddreg [dreg:$0x2];
	[bflag:$0x3] =	sbarrier.arrive $0xFFFF;
	s2 =	simm.s32 @!p0 $0x1C06  }
0x5cf: {  	[timem:s3], [sflag:s2] =	dma.local @!p0 [hbm:s0], s1  }
0x5d0: {  	s0 =	simm.s32 @!p0 $0x6  }
0x5d1: {  	_ =	swait.ge @!p0 [sflag:s0], s1  }
0x5d2: {  	s1 =	ssub.s32 @!p0 $0x0, s1;
	[sflag:s0] =	ssyncset.done @!p0 $0x0  }
0x5d3: {  	[sflag:s0] =	ssyncadd.s32 @!p0 s1  }
0x5d4: {  	[bflag:$0x3] =	sbarrier.arrive $0xFFFF  }
0x5d5: {  	_ =	shalt  }

</sc_bundles>
